<compile_context>
chip_gen: v7x
topology: tpu7x:2x2x1
jax: 0.10.2.dev20260603
libtpu: 0.0.44.dev20260713+nightly
codegen_flags: <defaults>
</compile_context>

<pallas_src>
import jax
import jax.numpy as jnp
from jax import lax
from jax.experimental import pallas as pl
from jax.experimental.pallas import tpu as pltpu
from jax.experimental.pallas import tpu_sc as plsc

N_NODES = 10000
N_EDGES = 320000
DIM = 128
NUM_REL = 8
NUM_BASES = 4

NUM_CORES = 2
NUM_SUBCORES = 16
NUM_WORKERS = NUM_CORES * NUM_SUBCORES

NPAD = 10112
ROWS_PER_SUB = NPAD // NUM_SUBCORES
EDGE_WIN = 128
E_PAD = 327680
WINDOWS = E_PAD // EDGE_WIN
WPW = WINDOWS // NUM_WORKERS
N_CHUNKS = WPW // 8
DEG_W = 16

ROW_BLK = 2000



def _xw_body(coeff_ref, x_ref, bases_ref, out_ref):
    r = pl.program_id(1)
    w = coeff_ref[r, 0] * bases_ref[0]
    for b in range(1, NUM_BASES):
        w = w + coeff_ref[r, b] * bases_ref[b]
    out_ref[...] = jnp.dot(x_ref[...], w, preferred_element_type=jnp.float32)


def _xw_table(x, bases, coefficients):
    nblk = N_NODES // ROW_BLK
    return pl.pallas_call(
        _xw_body,
        grid=(nblk, NUM_REL),
        in_specs=[
            pl.BlockSpec(memory_space=pltpu.SMEM),
            pl.BlockSpec((ROW_BLK, DIM), lambda i, r: (i, 0)),
            pl.BlockSpec((NUM_BASES, DIM, DIM), lambda i, r: (0, 0, 0)),
        ],
        out_specs=pl.BlockSpec((ROW_BLK, DIM), lambda i, r: (r * nblk + i, 0)),
        out_shape=jax.ShapeDtypeStruct((NUM_REL * N_NODES, DIM), jnp.float32),
    )(coefficients, x, bases)



def _sc_aggregate(xw, gidx2d, dst2d, zacc, zdeg):
    mesh = plsc.VectorSubcoreMesh(core_axis_name="c", subcore_axis_name="s")

    @pl.kernel(
        out_type=(
            jax.ShapeDtypeStruct((NUM_CORES, NPAD, DIM), jnp.float32),
            jax.ShapeDtypeStruct((NUM_CORES, NPAD, DEG_W), jnp.float32),
        ),
        mesh=mesh,
        compiler_params=pltpu.CompilerParams(use_tc_tiling_on_sc=False),
        scratch_types=[
            pltpu.VMEM((2, 8, EDGE_WIN), jnp.int32),
            pltpu.VMEM((2, 8, EDGE_WIN), jnp.int32),
            pltpu.VMEM((EDGE_WIN, DIM), jnp.float32),
            pltpu.VMEM((EDGE_WIN, DIM), jnp.float32),
            pltpu.VMEM((EDGE_WIN, DEG_W), jnp.float32),
            pltpu.VMEM_SHARED((NPAD, DIM), jnp.float32),
            pltpu.VMEM_SHARED((NPAD, DEG_W), jnp.float32),
            pltpu.SemaphoreType.DMA,
            pltpu.SemaphoreType.DMA,
            pltpu.SemaphoreType.DMA,
            pltpu.SemaphoreType.DMA,
            pltpu.SemaphoreType.DMA,
            pltpu.SemaphoreType.DMA,
            pltpu.SemaphoreType.DMA,
            pltpu.SemaphoreType.DMA,
            pltpu.SemaphoreType.DMA,
            pltpu.SemaphoreType.DMA,
        ],
    )
    def sc_kernel(xw_hbm, gi_hbm, di_hbm, zacc_hbm, zdeg_hbm, acc_hbm, deg_hbm,
                  gi_v, di_v, gbuf0, gbuf1, ones_v, acc_sh, deg_sh,
                  gsem0, gsem1, ssem0, ssem1, osem0, osem1,
                  isg0, isg1, isd0, isd1):
        c = lax.axis_index("c")
        s = lax.axis_index("s")
        wid = c * NUM_SUBCORES + s
        base = s * ROWS_PER_SUB
        row0 = wid * WPW
        gbufs = (gbuf0, gbuf1)
        gsems = (gsem0, gsem1)
        ssems = (ssem0, ssem1)
        osems = (osem0, osem1)
        isgs = (isg0, isg1)
        isds = (isd0, isd1)

        def _idx_copies(cb, ib):
            return (
                pltpu.make_async_copy(gi_hbm.at[pl.ds(row0 + cb * 8, 8)],
                                      gi_v.at[ib], isgs[ib]),
                pltpu.make_async_copy(di_hbm.at[pl.ds(row0 + cb * 8, 8)],
                                      di_v.at[ib], isds[ib]),
            )

        def _issue_idx(cb, ib):
            for d in _idx_copies(cb, ib):
                d.start()

        _issue_idx(0, 0)

        with jax.named_scope("ofill"):
            @pl.loop(0, EDGE_WIN)
            def _(i):
                ones_v[i, :] = jnp.ones((DEG_W,), jnp.float32)

        with jax.named_scope("zero"):
            pltpu.sync_copy(zacc_hbm.at[pl.ds(base, ROWS_PER_SUB)],
                            acc_sh.at[pl.ds(base, ROWS_PER_SUB)])
            pltpu.sync_copy(zdeg_hbm.at[pl.ds(base, ROWS_PER_SUB)],
                            deg_sh.at[pl.ds(base, ROWS_PER_SUB)])

        with jax.named_scope("bar1"):
            plsc.subcore_barrier()

        @pl.loop(0, N_CHUNKS // 2)
        def _(ob):
            for ib in range(2):
                cb = ob * 2 + ib
                with jax.named_scope("iwait"):
                    for d in _idx_copies(cb, ib):
                        d.wait()
                @pl.when(cb < N_CHUNKS - 1)
                def _():
                    _issue_idx(cb + 1, 1 - ib)

                gidx_c = gi_v.at[ib]
                dst_c = di_v.at[ib]
                gc = [None, None]
                sc_ = [None, None]
                oc = [None, None]

                def _issue(t, gidx_c=gidx_c):
                    b = t & 1
                    gc[b] = pltpu.async_copy(
                        xw_hbm.at[gidx_c.at[t]], gbufs[b], gsems[b])

                _issue(0)
                for t in range(8):
                    b = t & 1
                    with jax.named_scope("gwait"):
                        gc[b].wait()
                    if t < 7:
                        if sc_[1 - b] is not None:
                            with jax.named_scope("swait"):
                                sc_[1 - b].wait()
                                oc[1 - b].wait()
                        _issue(t + 1)
                    with jax.named_scope("scat"):
                        sc_[b] = pltpu.async_copy(
                            gbufs[b], acc_sh.at[dst_c.at[t]], ssems[b],
                            add=True)
                        oc[b] = pltpu.async_copy(
                            ones_v, deg_sh.at[dst_c.at[t]], osems[b],
                            add=True)

                with jax.named_scope("drain"):
                    for b in range(2):
                        if sc_[b] is not None:
                            sc_[b].wait()
                            oc[b].wait()

        with jax.named_scope("bar2"):
            plsc.subcore_barrier()

        with jax.named_scope("wout"):
            pltpu.sync_copy(acc_sh.at[pl.ds(base, ROWS_PER_SUB)],
                            acc_hbm.at[c, pl.ds(base, ROWS_PER_SUB)])
            pltpu.sync_copy(deg_sh.at[pl.ds(base, ROWS_PER_SUB)],
                            deg_hbm.at[c, pl.ds(base, ROWS_PER_SUB)])

    return sc_kernel(xw, gidx2d, dst2d, zacc, zdeg)



def _fin_body(acc_ref, deg_ref, x_ref, sl_ref, out_ref):
    a = acc_ref[0] + acc_ref[1]
    d = deg_ref[0] + deg_ref[1]
    dinv = 1.0 / jnp.maximum(d[:, :1], 1.0)
    out_ref[...] = a * dinv + jnp.dot(x_ref[...], sl_ref[...],
                                      preferred_element_type=jnp.float32)


def _finalize(acc, deg, x, self_loop):
    nblk = N_NODES // ROW_BLK
    return pl.pallas_call(
        _fin_body,
        grid=(nblk,),
        in_specs=[
            pl.BlockSpec((NUM_CORES, ROW_BLK, DIM), lambda i: (0, i, 0)),
            pl.BlockSpec((NUM_CORES, ROW_BLK, DEG_W), lambda i: (0, i, 0)),
            pl.BlockSpec((ROW_BLK, DIM), lambda i: (i, 0)),
            pl.BlockSpec((DIM, DIM), lambda i: (0, 0)),
        ],
        out_specs=pl.BlockSpec((ROW_BLK, DIM), lambda i: (i, 0)),
        out_shape=jax.ShapeDtypeStruct((N_NODES, DIM), jnp.float32),
    )(acc, deg, x, self_loop)



def kernel(x, edge_index, edge_type, bases, coefficients, self_loop):
    src = edge_index[0]
    dst = edge_index[1]
    gidx = edge_type.astype(jnp.int32) * N_NODES + src.astype(jnp.int32)
    pad = E_PAD - N_EDGES
    pad_gidx = jnp.arange(pad, dtype=jnp.int32) % (NUM_REL * N_NODES)
    gidx2d = jnp.concatenate([gidx, pad_gidx]).reshape(WINDOWS, EDGE_WIN)
    pad_dst = N_NODES + jnp.arange(pad, dtype=jnp.int32) % (NPAD - N_NODES)
    dst2d = jnp.concatenate(
        [dst.astype(jnp.int32), pad_dst]).reshape(WINDOWS, EDGE_WIN)

    xw = _xw_table(x, bases, coefficients)
    zacc = jnp.zeros((NPAD, DIM), jnp.float32)
    zdeg = jnp.zeros((NPAD, DEG_W), jnp.float32)
    acc, deg = _sc_aggregate(xw, gidx2d, dst2d, zacc, zdeg)
    return _finalize(acc, deg, x, self_loop)

# --- scband reference (transcript-rebuilt; emitter-appended) ---
"""Pipeline reference for scband-rgcnlayer-scratch-46866683134590 (READ-ONLY COPY).

The authoritative reference and input builder live on the scoring server;
editing this copy changes nothing except your own understanding.
"""

import jax, jax.numpy as jnp
import numpy as np

N_NODES = 10000
N_EDGES = 320000
IN_DIM = 128
OUT_DIM = 128
NUM_RELATIONS = 8
NUM_BASES = 4


def _xavier(key, shape):
    fan_in, fan_out = shape[-2], shape[-1]
    limit = float(np.sqrt(6.0 / (fan_in + fan_out)))
    return jax.random.uniform(key, shape, dtype=jnp.float32, minval=-limit, maxval=limit)


def setup_inputs(seed: int = 0) -> dict:
    key = jax.random.key(seed)
    k1, k2, k3, k4, k5, k6 = jax.random.split(key, 6)
    x = jax.random.normal(k1, (N_NODES, IN_DIM), dtype=jnp.float32)
    edge_index = jax.random.randint(k2, (2, N_EDGES), 0, N_NODES, dtype=jnp.int32)
    edge_type = jax.random.randint(k3, (N_EDGES,), 0, NUM_RELATIONS, dtype=jnp.int32)
    bases = _xavier(k4, (NUM_BASES, IN_DIM, OUT_DIM))
    coefficients = _xavier(k5, (NUM_RELATIONS, NUM_BASES))
    self_loop = _xavier(k6, (IN_DIM, OUT_DIM))
    return {"x": x, "edge_index": edge_index, "edge_type": edge_type,
            "bases": bases, "coefficients": coefficients, "self_loop": self_loop}


def reference(x, edge_index, edge_type, bases, coefficients, self_loop):
    num_nodes = x.shape[0]
    out_dim = bases.shape[2]
    # W[r] = sum_b coefficients[r, b] * bases[b]
    W = jnp.einsum('rb,bio->rio', coefficients, bases)  # (R, in, out)
    src = edge_index[0]
    dst = edge_index[1]
    # in-degree normalization (matches scatter_add of ones onto dst)
    deg = jnp.zeros((num_nodes,), dtype=jnp.float32).at[dst].add(1.0)
    deg_inv = 1.0 / jnp.clip(deg, 1.0, None)
    # x transformed by every relation weight: xW[r, n] = x[n] @ W[r]
    # mathematically identical to the per-relation loop msg = x[r_src] @ W[r]
    xW = jnp.einsum('ni,rio->rno', x, W)  # (R, N, out)
    msg = xW[edge_type, src]  # (E, out): per-edge message using its relation's weight
    msg = msg * deg_inv[dst][:, None]
    agg = jnp.zeros((num_nodes, out_dim), dtype=jnp.float32).at[dst].add(msg)
    out = agg + x @ self_loop
    return out

if __name__ == "__main__":
    import jax
    _d = setup_inputs()
    print(jax.jit(kernel)(*tuple(_d.values())))

</pallas_src>

<mosaic_0001>
#map = affine_map<(d0, d1) -> (0, 0)>
#map1 = affine_map<(d0, d1) -> (0, 0, 0)>
module attributes {stable_mosaic.version = 14 : i64} {
  func.func @sc_kernel(%arg0: i32, %arg1: i32, %arg2: memref<80000x128xf32, #tpu.memory_space<hbm>>, %arg3: memref<2560x128xi32, #tpu.memory_space<hbm>>, %arg4: memref<2560x128xi32, #tpu.memory_space<hbm>>, %arg5: memref<10112x128xf32, #tpu.memory_space<hbm>>, %arg6: memref<10112x16xf32, #tpu.memory_space<hbm>>, %arg7: memref<2x10112x128xf32, #tpu.memory_space<hbm>>, %arg8: memref<2x10112x16xf32, #tpu.memory_space<hbm>>, %arg9: memref<2x8x128xi32, #tpu.memory_space<vmem>>, %arg10: memref<2x8x128xi32, #tpu.memory_space<vmem>>, %arg11: memref<128x128xf32, #tpu.memory_space<vmem>>, %arg12: memref<128x128xf32, #tpu.memory_space<vmem>>, %arg13: memref<128x16xf32, #tpu.memory_space<vmem>>, %arg14: memref<10112x128xf32, #tpu.memory_space<vmem_shared>>, %arg15: memref<10112x16xf32, #tpu.memory_space<vmem_shared>>, %arg16: memref<!tpu.dma_semaphore, #tpu.memory_space<semaphore_mem>>, %arg17: memref<!tpu.dma_semaphore, #tpu.memory_space<semaphore_mem>>, %arg18: memref<!tpu.dma_semaphore, #tpu.memory_space<semaphore_mem>>, %arg19: memref<!tpu.dma_semaphore, #tpu.memory_space<semaphore_mem>>, %arg20: memref<!tpu.dma_semaphore, #tpu.memory_space<semaphore_mem>>, %arg21: memref<!tpu.dma_semaphore, #tpu.memory_space<semaphore_mem>>, %arg22: memref<!tpu.dma_semaphore, #tpu.memory_space<semaphore_mem>>, %arg23: memref<!tpu.dma_semaphore, #tpu.memory_space<semaphore_mem>>, %arg24: memref<!tpu.dma_semaphore, #tpu.memory_space<semaphore_mem>>, %arg25: memref<!tpu.dma_semaphore, #tpu.memory_space<semaphore_mem>>) attributes {dimension_semantics = [#tpu.dimension_semantics<core_parallel>, #tpu.dimension_semantics<subcore_parallel>], iteration_bounds = array<i64: 2, 16>, scalar_prefetch = 0 : i64, scratch_operands = 17 : i64, tpu.core_type = #tpu.core_type<sc_vector_subcore>, window_params = [{transform_indices = #map}, {transform_indices = #map}, {transform_indices = #map}, {transform_indices = #map}, {transform_indices = #map}, {transform_indices = #map1}, {transform_indices = #map1}]} {
    %mul3A = arith.constant 16 : i32
    %mul3A_0 = arith.muli %arg0, %mul3A : i32
    %add3A = arith.addi %mul3A_0, %arg1 : i32
    %mul3A_1 = arith.constant 632 : i32
    %mul3A_2 = arith.muli %arg1, %mul3A_1 : i32
    %mul3A_3 = arith.constant 80 : i32
    %mul3A_4 = arith.muli %add3A, %mul3A_3 : i32
    %add3A_5 = arith.constant 0 : i32
    %add3A_6 = arith.addi %mul3A_4, %add3A_5 : i32
    %add3A_7 = arith.constant 0 : i32
    %add3A_8 = arith.addi %mul3A_4, %add3A_7 : i32
    %dma_start3A = arith.constant 0 : i32
    %dma_start3A_9 = arith.constant 0 : i32
    %dma_start3A_10 = arith.constant 0 : i32
    %dma_start3A_11 = tpu.memref_slice %arg9[%dma_start3A, %dma_start3A_9, %dma_start3A_10] : memref<2x8x128xi32, #tpu.memory_space<vmem>> -> memref<1x8x128xi32, #tpu.memory_space<vmem>>
    %dma_start3A_12 = tpu.memref_squeeze %dma_start3A_11 : memref<1x8x128xi32, #tpu.memory_space<vmem>> -> memref<8x128xi32, #tpu.memory_space<vmem>>
    %dma_start3A_13 = arith.constant 0 : i32
    %dma_start3A_14 = tpu.memref_slice %arg3[%add3A_6, %dma_start3A_13] : memref<2560x128xi32, #tpu.memory_space<hbm>> -> memref<8x128xi32, #tpu.memory_space<hbm>>
    %dma_start3A_15 = arith.constant 0 : i32
    %dma_start3A_16 = arith.constant 0 : i32
    %dma_start3A_17 = tpu.memref_slice %arg9[%dma_start3A, %dma_start3A_15, %dma_start3A_16] : memref<2x8x128xi32, #tpu.memory_space<vmem>> -> memref<1x8x128xi32, #tpu.memory_space<vmem>>
    %dma_start3A_18 = tpu.memref_squeeze %dma_start3A_17 : memref<1x8x128xi32, #tpu.memory_space<vmem>> -> memref<8x128xi32, #tpu.memory_space<vmem>>
    %dma_start3A_19 = arith.constant 0 : i32
    %dma_start3A_20 = tpu.memref_slice %arg3[%add3A_6, %dma_start3A_19] : memref<2560x128xi32, #tpu.memory_space<hbm>> -> memref<8x128xi32, #tpu.memory_space<hbm>>
    tpu.enqueue_dma source(%dma_start3A_20 : memref<8x128xi32, #tpu.memory_space<hbm>>) target(%dma_start3A_18 : memref<8x128xi32, #tpu.memory_space<vmem>>) target_semaphore(%arg22 : memref<!tpu.dma_semaphore, #tpu.memory_space<semaphore_mem>>)
    %dma_start3A_21 = arith.constant 0 : i32
    %dma_start3A_22 = arith.constant 0 : i32
    %dma_start3A_23 = arith.constant 0 : i32
    %dma_start3A_24 = tpu.memref_slice %arg10[%dma_start3A_21, %dma_start3A_22, %dma_start3A_23] : memref<2x8x128xi32, #tpu.memory_space<vmem>> -> memref<1x8x128xi32, #tpu.memory_space<vmem>>
    %dma_start3A_25 = tpu.memref_squeeze %dma_start3A_24 : memref<1x8x128xi32, #tpu.memory_space<vmem>> -> memref<8x128xi32, #tpu.memory_space<vmem>>
    %dma_start3A_26 = arith.constant 0 : i32
    %dma_start3A_27 = tpu.memref_slice %arg4[%add3A_8, %dma_start3A_26] : memref<2560x128xi32, #tpu.memory_space<hbm>> -> memref<8x128xi32, #tpu.memory_space<hbm>>
    %dma_start3A_28 = arith.constant 0 : i32
    %dma_start3A_29 = arith.constant 0 : i32
    %dma_start3A_30 = tpu.memref_slice %arg10[%dma_start3A_21, %dma_start3A_28, %dma_start3A_29] : memref<2x8x128xi32, #tpu.memory_space<vmem>> -> memref<1x8x128xi32, #tpu.memory_space<vmem>>
    %dma_start3A_31 = tpu.memref_squeeze %dma_start3A_30 : memref<1x8x128xi32, #tpu.memory_space<vmem>> -> memref<8x128xi32, #tpu.memory_space<vmem>>
    %dma_start3A_32 = arith.constant 0 : i32
    %dma_start3A_33 = tpu.memref_slice %arg4[%add3A_8, %dma_start3A_32] : memref<2560x128xi32, #tpu.memory_space<hbm>> -> memref<8x128xi32, #tpu.memory_space<hbm>>
    tpu.enqueue_dma source(%dma_start3A_33 : memref<8x128xi32, #tpu.memory_space<hbm>>) target(%dma_start3A_31 : memref<8x128xi32, #tpu.memory_space<vmem>>) target_semaphore(%arg24 : memref<!tpu.dma_semaphore, #tpu.memory_space<semaphore_mem>>)
    "tpu.trace_start"() <{level = 10 : i32, message = "ofill"}> : () -> ()
    %scan3A = arith.constant 0 : i32
    %scan3A_34 = arith.constant 128 : i32
    %scan3A_35 = arith.addi %scan3A, %scan3A_34 : i32
    %scan3A_36 = arith.constant 1 : i32
    scf.for %scan3A_44 = %scan3A to %scan3A_35 step %scan3A_36  : i32 {
      %mul3A_45 = arith.constant 1 : i32
      %mul3A_46 = arith.muli %scan3A_44, %mul3A_45 : i32
      %add3A_47 = arith.constant 0 : i32
      %add3A_48 = arith.addi %add3A_47, %mul3A_46 : i32
      %broadcast_in_dim3A = arith.constant 1.000000e+00 : f32
      %broadcast_in_dim3A_49 = vector.broadcast %broadcast_in_dim3A : f32 to vector<16xf32>
      %swap3A = arith.index_cast %add3A_48 : i32 to index
      %swap3A_50 = arith.constant 0 : index
      %swap3A_51 = tpu.vector_load %arg13[%swap3A, %swap3A_50] {strides = array<i32>} : memref<128x16xf32, #tpu.memory_space<vmem>>, vector<1x16xf32>,
      %swap3A_52 = vector.shape_cast %swap3A_51 : vector<1x16xf32> to vector<16xf32>
      %swap3A_53 = vector.shape_cast %broadcast_in_dim3A_49 : vector<16xf32> to vector<1x16xf32>
      tpu.vector_store %arg13[%swap3A, %swap3A_50], %swap3A_53 {strides = array<i32>} : memref<128x16xf32, #tpu.memory_space<vmem>>, vector<1x16xf32>,
    }
    %scan3A_37 = arith.constant 128 : i32
    "tpu.trace_stop"() : () -> ()
    "tpu.trace_start"() <{level = 10 : i32, message = "zero"}> : () -> ()
    "tpu.region"() ({
      %run_scoped3A = tpu.sem_alloc : memref<!tpu.dma_semaphore, #tpu.memory_space<semaphore_mem>>
      %dma_start3A_44 = arith.constant 0 : i32
      %dma_start3A_45 = tpu.memref_slice %arg14[%mul3A_2, %dma_start3A_44] : memref<10112x128xf32, #tpu.memory_space<vmem_shared>> -> memref<632x128xf32, #tpu.memory_space<vmem_shared>>
      %dma_start3A_46 = arith.constant 0 : i32
      %dma_start3A_47 = tpu.memref_slice %arg5[%mul3A_2, %dma_start3A_46] : memref<10112x128xf32, #tpu.memory_space<hbm>> -> memref<632x128xf32, #tpu.memory_space<hbm>>
      tpu.enqueue_dma source(%dma_start3A_47 : memref<632x128xf32, #tpu.memory_space<hbm>>) target(%dma_start3A_45 : memref<632x128xf32, #tpu.memory_space<vmem_shared>>) target_semaphore(%run_scoped3A : memref<!tpu.dma_semaphore, #tpu.memory_space<semaphore_mem>>)
      %dma_wait3A = arith.constant 0 : i32
      %dma_wait3A_48 = tpu.memref_slice %arg14[%mul3A_2, %dma_wait3A] : memref<10112x128xf32, #tpu.memory_space<vmem_shared>> -> memref<632x128xf32, #tpu.memory_space<vmem_shared>>
      %dma_wait3A_49 = arith.constant 0 : i32
      %dma_wait3A_50 = tpu.memref_slice %arg5[%mul3A_2, %dma_wait3A_49] : memref<10112x128xf32, #tpu.memory_space<hbm>> -> memref<632x128xf32, #tpu.memory_space<hbm>>
      tpu.wait_dma2 semaphore(%run_scoped3A : memref<!tpu.dma_semaphore, #tpu.memory_space<semaphore_mem>>) src(%dma_wait3A_50 : memref<632x128xf32, #tpu.memory_space<hbm>>) dst(%dma_wait3A_48 : memref<632x128xf32, #tpu.memory_space<vmem_shared>>)
      tpu.yield
    }) : () -> ()
    "tpu.region"() ({
      %run_scoped3A = tpu.sem_alloc : memref<!tpu.dma_semaphore, #tpu.memory_space<semaphore_mem>>
      %dma_start3A_44 = arith.constant 0 : i32
      %dma_start3A_45 = tpu.memref_slice %arg15[%mul3A_2, %dma_start3A_44] : memref<10112x16xf32, #tpu.memory_space<vmem_shared>> -> memref<632x16xf32, #tpu.memory_space<vmem_shared>>
      %dma_start3A_46 = arith.constant 0 : i32
      %dma_start3A_47 = tpu.memref_slice %arg6[%mul3A_2, %dma_start3A_46] : memref<10112x16xf32, #tpu.memory_space<hbm>> -> memref<632x16xf32, #tpu.memory_space<hbm>>
      tpu.enqueue_dma source(%dma_start3A_47 : memref<632x16xf32, #tpu.memory_space<hbm>>) target(%dma_start3A_45 : memref<632x16xf32, #tpu.memory_space<vmem_shared>>) target_semaphore(%run_scoped3A : memref<!tpu.dma_semaphore, #tpu.memory_space<semaphore_mem>>)
      %dma_wait3A = arith.constant 0 : i32
      %dma_wait3A_48 = tpu.memref_slice %arg15[%mul3A_2, %dma_wait3A] : memref<10112x16xf32, #tpu.memory_space<vmem_shared>> -> memref<632x16xf32, #tpu.memory_space<vmem_shared>>
      %dma_wait3A_49 = arith.constant 0 : i32
      %dma_wait3A_50 = tpu.memref_slice %arg6[%mul3A_2, %dma_wait3A_49] : memref<10112x16xf32, #tpu.memory_space<hbm>> -> memref<632x16xf32, #tpu.memory_space<hbm>>
      tpu.wait_dma2 semaphore(%run_scoped3A : memref<!tpu.dma_semaphore, #tpu.memory_space<semaphore_mem>>) src(%dma_wait3A_50 : memref<632x16xf32, #tpu.memory_space<hbm>>) dst(%dma_wait3A_48 : memref<632x16xf32, #tpu.memory_space<vmem_shared>>)
      tpu.yield
    }) : () -> ()
    "tpu.trace_stop"() : () -> ()
    "tpu.trace_start"() <{level = 10 : i32, message = "bar1"}> : () -> ()
    %barrier3A = arith.constant 0 : index
    tpu.barrier barrier_id(%barrier3A)
    "tpu.trace_stop"() : () -> ()
    %scan3A_38 = arith.constant 0 : i32
    %scan3A_39 = arith.constant 5 : i32
    %scan3A_40 = arith.addi %scan3A_38, %scan3A_39 : i32
    %scan3A_41 = arith.constant 1 : i32
    scf.for %scan3A_44 = %scan3A_38 to %scan3A_40 step %scan3A_41  : i32 {
      %mul3A_45 = arith.constant 1 : i32
      %mul3A_46 = arith.muli %scan3A_44, %mul3A_45 : i32
      %add3A_47 = arith.constant 0 : i32
      %add3A_48 = arith.addi %add3A_47, %mul3A_46 : i32
      %mul3A_49 = arith.constant 2 : i32
      %mul3A_50 = arith.muli %add3A_48, %mul3A_49 : i32
      %add3A_51 = arith.constant 0 : i32
      %add3A_52 = arith.addi %mul3A_50, %add3A_51 : i32
      "tpu.trace_start"() <{level = 10 : i32, message = "iwait"}> : () -> ()
      %mul3A_53 = arith.constant 8 : i32
      %mul3A_54 = arith.muli %add3A_52, %mul3A_53 : i32
      %add3A_55 = arith.addi %mul3A_4, %mul3A_54 : i32
      %mul3A_56 = arith.constant 8 : i32
      %mul3A_57 = arith.muli %add3A_52, %mul3A_56 : i32
      %add3A_58 = arith.addi %mul3A_4, %mul3A_57 : i32
      %dma_wait3A = arith.constant 0 : i32
      %dma_wait3A_59 = arith.constant 0 : i32
      %dma_wait3A_60 = arith.constant 0 : i32
      %dma_wait3A_61 = tpu.memref_slice %arg9[%dma_wait3A, %dma_wait3A_59, %dma_wait3A_60] : memref<2x8x128xi32, #tpu.memory_space<vmem>> -> memref<1x8x128xi32, #tpu.memory_space<vmem>>
      %dma_wait3A_62 = tpu.memref_squeeze %dma_wait3A_61 : memref<1x8x128xi32, #tpu.memory_space<vmem>> -> memref<8x128xi32, #tpu.memory_space<vmem>>
      %dma_wait3A_63 = arith.constant 0 : i32
      %dma_wait3A_64 = tpu.memref_slice %arg3[%add3A_55, %dma_wait3A_63] : memref<2560x128xi32, #tpu.memory_space<hbm>> -> memref<8x128xi32, #tpu.memory_space<hbm>>
      %dma_wait3A_65 = arith.constant 0 : i32
      %dma_wait3A_66 = arith.constant 0 : i32
      %dma_wait3A_67 = tpu.memref_slice %arg9[%dma_wait3A, %dma_wait3A_65, %dma_wait3A_66] : memref<2x8x128xi32, #tpu.memory_space<vmem>> -> memref<1x8x128xi32, #tpu.memory_space<vmem>>
      %dma_wait3A_68 = tpu.memref_squeeze %dma_wait3A_67 : memref<1x8x128xi32, #tpu.memory_space<vmem>> -> memref<8x128xi32, #tpu.memory_space<vmem>>
      %dma_wait3A_69 = arith.constant 0 : i32
      %dma_wait3A_70 = tpu.memref_slice %arg3[%add3A_55, %dma_wait3A_69] : memref<2560x128xi32, #tpu.memory_space<hbm>> -> memref<8x128xi32, #tpu.memory_space<hbm>>
      tpu.wait_dma2 semaphore(%arg22 : memref<!tpu.dma_semaphore, #tpu.memory_space<semaphore_mem>>) src(%dma_wait3A_70 : memref<8x128xi32, #tpu.memory_space<hbm>>) dst(%dma_wait3A_68 : memref<8x128xi32, #tpu.memory_space<vmem>>)
      %dma_wait3A_71 = arith.constant 0 : i32
      %dma_wait3A_72 = arith.constant 0 : i32
      %dma_wait3A_73 = arith.constant 0 : i32
      %dma_wait3A_74 = tpu.memref_slice %arg10[%dma_wait3A_71, %dma_wait3A_72, %dma_wait3A_73] : memref<2x8x128xi32, #tpu.memory_space<vmem>> -> memref<1x8x128xi32, #tpu.memory_space<vmem>>
      %dma_wait3A_75 = tpu.memref_squeeze %dma_wait3A_74 : memref<1x8x128xi32, #tpu.memory_space<vmem>> -> memref<8x128xi32, #tpu.memory_space<vmem>>
      %dma_wait3A_76 = arith.constant 0 : i32
      %dma_wait3A_77 = tpu.memref_slice %arg4[%add3A_58, %dma_wait3A_76] : memref<2560x128xi32, #tpu.memory_space<hbm>> -> memref<8x128xi32, #tpu.memory_space<hbm>>
      %dma_wait3A_78 = arith.constant 0 : i32
      %dma_wait3A_79 = arith.constant 0 : i32
      %dma_wait3A_80 = tpu.memref_slice %arg10[%dma_wait3A_71, %dma_wait3A_78, %dma_wait3A_79] : memref<2x8x128xi32, #tpu.memory_space<vmem>> -> memref<1x8x128xi32, #tpu.memory_space<vmem>>
      %dma_wait3A_81 = tpu.memref_squeeze %dma_wait3A_80 : memref<1x8x128xi32, #tpu.memory_space<vmem>> -> memref<8x128xi32, #tpu.memory_space<vmem>>
      %dma_wait3A_82 = arith.constant 0 : i32
      %dma_wait3A_83 = tpu.memref_slice %arg4[%add3A_58, %dma_wait3A_82] : memref<2560x128xi32, #tpu.memory_space<hbm>> -> memref<8x128xi32, #tpu.memory_space<hbm>>
      tpu.wait_dma2 semaphore(%arg24 : memref<!tpu.dma_semaphore, #tpu.memory_space<semaphore_mem>>) src(%dma_wait3A_83 : memref<8x128xi32, #tpu.memory_space<hbm>>) dst(%dma_wait3A_81 : memref<8x128xi32, #tpu.memory_space<vmem>>)
      %lt3A = arith.constant 9 : i32
      "tpu.trace_stop"() : () -> ()
      %lt3A_84 = arith.cmpi slt, %add3A_52, %lt3A : i32
      %convert_element_type3A = arith.extui %lt3A_84 : i1 to i32
      %cond3A = arith.constant 0 : i32
      %cond3A_85 = arith.cmpi ne, %convert_element_type3A, %cond3A : i32
      scf.if %cond3A_85 {
        %add3A_1279 = arith.constant 1 : i32
        %add3A_1280 = arith.addi %add3A_52, %add3A_1279 : i32
        %mul3A_1281 = arith.constant 8 : i32
        %mul3A_1282 = arith.muli %add3A_1280, %mul3A_1281 : i32
        %add3A_1283 = arith.addi %mul3A_4, %mul3A_1282 : i32
        %mul3A_1284 = arith.constant 8 : i32
        %mul3A_1285 = arith.muli %add3A_1280, %mul3A_1284 : i32
        %add3A_1286 = arith.addi %mul3A_4, %mul3A_1285 : i32
        %dma_start3A_1287 = arith.constant 1 : i32
        %dma_start3A_1288 = arith.constant 0 : i32
        %dma_start3A_1289 = arith.constant 0 : i32
        %dma_start3A_1290 = tpu.memref_slice %arg9[%dma_start3A_1287, %dma_start3A_1288, %dma_start3A_1289] : memref<2x8x128xi32, #tpu.memory_space<vmem>> -> memref<1x8x128xi32, #tpu.memory_space<vmem>>
        %dma_start3A_1291 = tpu.memref_squeeze %dma_start3A_1290 : memref<1x8x128xi32, #tpu.memory_space<vmem>> -> memref<8x128xi32, #tpu.memory_space<vmem>>
        %dma_start3A_1292 = arith.constant 0 : i32
        %dma_start3A_1293 = tpu.memref_slice %arg3[%add3A_1283, %dma_start3A_1292] : memref<2560x128xi32, #tpu.memory_space<hbm>> -> memref<8x128xi32, #tpu.memory_space<hbm>>
        %dma_start3A_1294 = arith.constant 0 : i32
        %dma_start3A_1295 = arith.constant 0 : i32
        %dma_start3A_1296 = tpu.memref_slice %arg9[%dma_start3A_1287, %dma_start3A_1294, %dma_start3A_1295] : memref<2x8x128xi32, #tpu.memory_space<vmem>> -> memref<1x8x128xi32, #tpu.memory_space<vmem>>
        %dma_start3A_1297 = tpu.memref_squeeze %dma_start3A_1296 : memref<1x8x128xi32, #tpu.memory_space<vmem>> -> memref<8x128xi32, #tpu.memory_space<vmem>>
        %dma_start3A_1298 = arith.constant 0 : i32
        %dma_start3A_1299 = tpu.memref_slice %arg3[%add3A_1283, %dma_start3A_1298] : memref<2560x128xi32, #tpu.memory_space<hbm>> -> memref<8x128xi32, #tpu.memory_space<hbm>>
        tpu.enqueue_dma source(%dma_start3A_1299 : memref<8x128xi32, #tpu.memory_space<hbm>>) target(%dma_start3A_1297 : memref<8x128xi32, #tpu.memory_space<vmem>>) target_semaphore(%arg23 : memref<!tpu.dma_semaphore, #tpu.memory_space<semaphore_mem>>)
        %dma_start3A_1300 = arith.constant 1 : i32
        %dma_start3A_1301 = arith.constant 0 : i32
        %dma_start3A_1302 = arith.constant 0 : i32
        %dma_start3A_1303 = tpu.memref_slice %arg10[%dma_start3A_1300, %dma_start3A_1301, %dma_start3A_1302] : memref<2x8x128xi32, #tpu.memory_space<vmem>> -> memref<1x8x128xi32, #tpu.memory_space<vmem>>
        %dma_start3A_1304 = tpu.memref_squeeze %dma_start3A_1303 : memref<1x8x128xi32, #tpu.memory_space<vmem>> -> memref<8x128xi32, #tpu.memory_space<vmem>>
        %dma_start3A_1305 = arith.constant 0 : i32
        %dma_start3A_1306 = tpu.memref_slice %arg4[%add3A_1286, %dma_start3A_1305] : memref<2560x128xi32, #tpu.memory_space<hbm>> -> memref<8x128xi32, #tpu.memory_space<hbm>>
        %dma_start3A_1307 = arith.constant 0 : i32
        %dma_start3A_1308 = arith.constant 0 : i32
        %dma_start3A_1309 = tpu.memref_slice %arg10[%dma_start3A_1300, %dma_start3A_1307, %dma_start3A_1308] : memref<2x8x128xi32, #tpu.memory_space<vmem>> -> memref<1x8x128xi32, #tpu.memory_space<vmem>>
        %dma_start3A_1310 = tpu.memref_squeeze %dma_start3A_1309 : memref<1x8x128xi32, #tpu.memory_space<vmem>> -> memref<8x128xi32, #tpu.memory_space<vmem>>
        %dma_start3A_1311 = arith.constant 0 : i32
        %dma_start3A_1312 = tpu.memref_slice %arg4[%add3A_1286, %dma_start3A_1311] : memref<2560x128xi32, #tpu.memory_space<hbm>> -> memref<8x128xi32, #tpu.memory_space<hbm>>
        tpu.enqueue_dma source(%dma_start3A_1312 : memref<8x128xi32, #tpu.memory_space<hbm>>) target(%dma_start3A_1310 : memref<8x128xi32, #tpu.memory_space<vmem>>) target_semaphore(%arg25 : memref<!tpu.dma_semaphore, #tpu.memory_space<semaphore_mem>>)
      } else {
      }
      %dma_start3A_86 = arith.constant 0 : i32
      %dma_start3A_87 = arith.constant 0 : i32
      %dma_start3A_88 = arith.constant 0 : i32
      %dma_start3A_89 = arith.constant 0 : i32
      %dma_start3A_90 = tpu.memref_slice %arg9[%dma_start3A_86, %dma_start3A_88, %dma_start3A_89] : memref<2x8x128xi32, #tpu.memory_space<vmem>> -> memref<1x8x128xi32, #tpu.memory_space<vmem>>
      %dma_start3A_91 = tpu.memref_squeeze %dma_start3A_90 : memref<1x8x128xi32, #tpu.memory_space<vmem>> -> memref<8x128xi32, #tpu.memory_space<vmem>>
      %dma_start3A_92 = arith.constant 0 : i32
      %dma_start3A_93 = tpu.memref_slice %dma_start3A_91[%dma_start3A_87, %dma_start3A_92] : memref<8x128xi32, #tpu.memory_space<vmem>> -> memref<1x128xi32, #tpu.memory_space<vmem>>
      %dma_start3A_94 = tpu.memref_squeeze %dma_start3A_93 : memref<1x128xi32, #tpu.memory_space<vmem>> -> memref<128xi32, #tpu.memory_space<vmem>>
      %dma_start3A_95 = arith.constant 0 : i32
      %dma_start3A_96 = arith.constant 0 : i32
      %dma_start3A_97 = tpu.memref_slice %arg2[%dma_start3A_95, %dma_start3A_96] : memref<80000x128xf32, #tpu.memory_space<hbm>> -> memref<80000x128xf32, #tpu.memory_space<hbm>>
      tpu.enqueue_indirect_dma source(%dma_start3A_97 : memref<80000x128xf32, #tpu.memory_space<hbm>>) target(%arg11 : memref<128x128xf32, #tpu.memory_space<vmem>>) offsets(%dma_start3A_94 : memref<128xi32, #tpu.memory_space<vmem>>) semaphore(%arg16 : memref<!tpu.dma_semaphore, #tpu.memory_space<semaphore_mem>>)
      %dma_wait3A_98 = arith.constant 0 : i32
      %dma_wait3A_99 = arith.constant 0 : i32
      "tpu.trace_start"() <{level = 10 : i32, message = "gwait"}> : () -> ()
      %dma_wait3A_100 = arith.constant 0 : i32
      %dma_wait3A_101 = arith.constant 0 : i32
      %dma_wait3A_102 = tpu.memref_slice %arg9[%dma_wait3A_98, %dma_wait3A_100, %dma_wait3A_101] : memref<2x8x128xi32, #tpu.memory_space<vmem>> -> memref<1x8x128xi32, #tpu.memory_space<vmem>>
      %dma_wait3A_103 = tpu.memref_squeeze %dma_wait3A_102 : memref<1x8x128xi32, #tpu.memory_space<vmem>> -> memref<8x128xi32, #tpu.memory_space<vmem>>
      %dma_wait3A_104 = arith.constant 0 : i32
      %dma_wait3A_105 = tpu.memref_slice %dma_wait3A_103[%dma_wait3A_99, %dma_wait3A_104] : memref<8x128xi32, #tpu.memory_space<vmem>> -> memref<1x128xi32, #tpu.memory_space<vmem>>
      %dma_wait3A_106 = tpu.memref_squeeze %dma_wait3A_105 : memref<1x128xi32, #tpu.memory_space<vmem>> -> memref<128xi32, #tpu.memory_space<vmem>>
      %dma_wait3A_107 = arith.constant 0 : i32
      %dma_wait3A_108 = arith.constant 0 : i32
      %dma_wait3A_109 = tpu.memref_slice %arg2[%dma_wait3A_107, %dma_wait3A_108] : memref<80000x128xf32, #tpu.memory_space<hbm>> -> memref<80000x128xf32, #tpu.memory_space<hbm>>
      tpu.wait_indirect_dma semaphore(%arg16 : memref<!tpu.dma_semaphore, #tpu.memory_space<semaphore_mem>>) src(%dma_wait3A_109 : memref<80000x128xf32, #tpu.memory_space<hbm>>) dst(%arg11 : memref<128x128xf32, #tpu.memory_space<vmem>>)
      %dma_start3A_110 = arith.constant 0 : i32
      %dma_start3A_111 = arith.constant 1 : i32
      "tpu.trace_stop"() : () -> ()
      %dma_start3A_112 = arith.constant 0 : i32
      %dma_start3A_113 = arith.constant 0 : i32
      %dma_start3A_114 = tpu.memref_slice %arg9[%dma_start3A_110, %dma_start3A_112, %dma_start3A_113] : memref<2x8x128xi32, #tpu.memory_space<vmem>> -> memref<1x8x128xi32, #tpu.memory_space<vmem>>
      %dma_start3A_115 = tpu.memref_squeeze %dma_start3A_114 : memref<1x8x128xi32, #tpu.memory_space<vmem>> -> memref<8x128xi32, #tpu.memory_space<vmem>>
      %dma_start3A_116 = arith.constant 0 : i32
      %dma_start3A_117 = tpu.memref_slice %dma_start3A_115[%dma_start3A_111, %dma_start3A_116] : memref<8x128xi32, #tpu.memory_space<vmem>> -> memref<1x128xi32, #tpu.memory_space<vmem>>
      %dma_start3A_118 = tpu.memref_squeeze %dma_start3A_117 : memref<1x128xi32, #tpu.memory_space<vmem>> -> memref<128xi32, #tpu.memory_space<vmem>>
      %dma_start3A_119 = arith.constant 0 : i32
      %dma_start3A_120 = arith.constant 0 : i32
      %dma_start3A_121 = tpu.memref_slice %arg2[%dma_start3A_119, %dma_start3A_120] : memref<80000x128xf32, #tpu.memory_space<hbm>> -> memref<80000x128xf32, #tpu.memory_space<hbm>>
      tpu.enqueue_indirect_dma source(%dma_start3A_121 : memref<80000x128xf32, #tpu.memory_space<hbm>>) target(%arg12 : memref<128x128xf32, #tpu.memory_space<vmem>>) offsets(%dma_start3A_118 : memref<128xi32, #tpu.memory_space<vmem>>) semaphore(%arg17 : memref<!tpu.dma_semaphore, #tpu.memory_space<semaphore_mem>>)
      %dma_start3A_122 = arith.constant 0 : i32
      %dma_start3A_123 = arith.constant 0 : i32
      "tpu.trace_start"() <{level = 10 : i32, message = "scat"}> : () -> ()
      %dma_start3A_124 = arith.constant 0 : i32
      %dma_start3A_125 = arith.constant 0 : i32
      %dma_start3A_126 = tpu.memref_slice %arg10[%dma_start3A_122, %dma_start3A_124, %dma_start3A_125] : memref<2x8x128xi32, #tpu.memory_space<vmem>> -> memref<1x8x128xi32, #tpu.memory_space<vmem>>
      %dma_start3A_127 = tpu.memref_squeeze %dma_start3A_126 : memref<1x8x128xi32, #tpu.memory_space<vmem>> -> memref<8x128xi32, #tpu.memory_space<vmem>>
      %dma_start3A_128 = arith.constant 0 : i32
      %dma_start3A_129 = tpu.memref_slice %dma_start3A_127[%dma_start3A_123, %dma_start3A_128] : memref<8x128xi32, #tpu.memory_space<vmem>> -> memref<1x128xi32, #tpu.memory_space<vmem>>
      %dma_start3A_130 = tpu.memref_squeeze %dma_start3A_129 : memref<1x128xi32, #tpu.memory_space<vmem>> -> memref<128xi32, #tpu.memory_space<vmem>>
      %dma_start3A_131 = arith.constant 0 : i32
      %dma_start3A_132 = arith.constant 0 : i32
      %dma_start3A_133 = tpu.memref_slice %arg14[%dma_start3A_131, %dma_start3A_132] : memref<10112x128xf32, #tpu.memory_space<vmem_shared>> -> memref<10112x128xf32, #tpu.memory_space<vmem_shared>>
      tpu.enqueue_indirect_dma source(%arg11 : memref<128x128xf32, #tpu.memory_space<vmem>>) target(%dma_start3A_133 : memref<10112x128xf32, #tpu.memory_space<vmem_shared>>) offsets(%dma_start3A_130 : memref<128xi32, #tpu.memory_space<vmem>>) semaphore(%arg18 : memref<!tpu.dma_semaphore, #tpu.memory_space<semaphore_mem>>) {add = true}
      %dma_start3A_134 = arith.constant 0 : i32
      %dma_start3A_135 = arith.constant 0 : i32
      %dma_start3A_136 = arith.constant 0 : i32
      %dma_start3A_137 = arith.constant 0 : i32
      %dma_start3A_138 = tpu.memref_slice %arg10[%dma_start3A_134, %dma_start3A_136, %dma_start3A_137] : memref<2x8x128xi32, #tpu.memory_space<vmem>> -> memref<1x8x128xi32, #tpu.memory_space<vmem>>
      %dma_start3A_139 = tpu.memref_squeeze %dma_start3A_138 : memref<1x8x128xi32, #tpu.memory_space<vmem>> -> memref<8x128xi32, #tpu.memory_space<vmem>>
      %dma_start3A_140 = arith.constant 0 : i32
      %dma_start3A_141 = tpu.memref_slice %dma_start3A_139[%dma_start3A_135, %dma_start3A_140] : memref<8x128xi32, #tpu.memory_space<vmem>> -> memref<1x128xi32, #tpu.memory_space<vmem>>
      %dma_start3A_142 = tpu.memref_squeeze %dma_start3A_141 : memref<1x128xi32, #tpu.memory_space<vmem>> -> memref<128xi32, #tpu.memory_space<vmem>>
      %dma_start3A_143 = arith.constant 0 : i32
      %dma_start3A_144 = arith.constant 0 : i32
      %dma_start3A_145 = tpu.memref_slice %arg15[%dma_start3A_143, %dma_start3A_144] : memref<10112x16xf32, #tpu.memory_space<vmem_shared>> -> memref<10112x16xf32, #tpu.memory_space<vmem_shared>>
      tpu.enqueue_indirect_dma source(%arg13 : memref<128x16xf32, #tpu.memory_space<vmem>>) target(%dma_start3A_145 : memref<10112x16xf32, #tpu.memory_space<vmem_shared>>) offsets(%dma_start3A_142 : memref<128xi32, #tpu.memory_space<vmem>>) semaphore(%arg20 : memref<!tpu.dma_semaphore, #tpu.memory_space<semaphore_mem>>) {add = true}
      %dma_wait3A_146 = arith.constant 0 : i32
      %dma_wait3A_147 = arith.constant 1 : i32
      "tpu.trace_stop"() : () -> ()
      "tpu.trace_start"() <{level = 10 : i32, message = "gwait"}> : () -> ()
      %dma_wait3A_148 = arith.constant 0 : i32
      %dma_wait3A_149 = arith.constant 0 : i32
      %dma_wait3A_150 = tpu.memref_slice %arg9[%dma_wait3A_146, %dma_wait3A_148, %dma_wait3A_149] : memref<2x8x128xi32, #tpu.memory_space<vmem>> -> memref<1x8x128xi32, #tpu.memory_space<vmem>>
      %dma_wait3A_151 = tpu.memref_squeeze %dma_wait3A_150 : memref<1x8x128xi32, #tpu.memory_space<vmem>> -> memref<8x128xi32, #tpu.memory_space<vmem>>
      %dma_wait3A_152 = arith.constant 0 : i32
      %dma_wait3A_153 = tpu.memref_slice %dma_wait3A_151[%dma_wait3A_147, %dma_wait3A_152] : memref<8x128xi32, #tpu.memory_space<vmem>> -> memref<1x128xi32, #tpu.memory_space<vmem>>
      %dma_wait3A_154 = tpu.memref_squeeze %dma_wait3A_153 : memref<1x128xi32, #tpu.memory_space<vmem>> -> memref<128xi32, #tpu.memory_space<vmem>>
      %dma_wait3A_155 = arith.constant 0 : i32
      %dma_wait3A_156 = arith.constant 0 : i32
      %dma_wait3A_157 = tpu.memref_slice %arg2[%dma_wait3A_155, %dma_wait3A_156] : memref<80000x128xf32, #tpu.memory_space<hbm>> -> memref<80000x128xf32, #tpu.memory_space<hbm>>
      tpu.wait_indirect_dma semaphore(%arg17 : memref<!tpu.dma_semaphore, #tpu.memory_space<semaphore_mem>>) src(%dma_wait3A_157 : memref<80000x128xf32, #tpu.memory_space<hbm>>) dst(%arg12 : memref<128x128xf32, #tpu.memory_space<vmem>>)
      %dma_wait3A_158 = arith.constant 0 : i32
      %dma_wait3A_159 = arith.constant 0 : i32
      "tpu.trace_stop"() : () -> ()
      "tpu.trace_start"() <{level = 10 : i32, message = "swait"}> : () -> ()
      %dma_wait3A_160 = arith.constant 0 : i32
      %dma_wait3A_161 = arith.constant 0 : i32
      %dma_wait3A_162 = tpu.memref_slice %arg10[%dma_wait3A_158, %dma_wait3A_160, %dma_wait3A_161] : memref<2x8x128xi32, #tpu.memory_space<vmem>> -> memref<1x8x128xi32, #tpu.memory_space<vmem>>
      %dma_wait3A_163 = tpu.memref_squeeze %dma_wait3A_162 : memref<1x8x128xi32, #tpu.memory_space<vmem>> -> memref<8x128xi32, #tpu.memory_space<vmem>>
      %dma_wait3A_164 = arith.constant 0 : i32
      %dma_wait3A_165 = tpu.memref_slice %dma_wait3A_163[%dma_wait3A_159, %dma_wait3A_164] : memref<8x128xi32, #tpu.memory_space<vmem>> -> memref<1x128xi32, #tpu.memory_space<vmem>>
      %dma_wait3A_166 = tpu.memref_squeeze %dma_wait3A_165 : memref<1x128xi32, #tpu.memory_space<vmem>> -> memref<128xi32, #tpu.memory_space<vmem>>
      %dma_wait3A_167 = arith.constant 0 : i32
      %dma_wait3A_168 = arith.constant 0 : i32
      %dma_wait3A_169 = tpu.memref_slice %arg14[%dma_wait3A_167, %dma_wait3A_168] : memref<10112x128xf32, #tpu.memory_space<vmem_shared>> -> memref<10112x128xf32, #tpu.memory_space<vmem_shared>>
      tpu.wait_indirect_dma semaphore(%arg18 : memref<!tpu.dma_semaphore, #tpu.memory_space<semaphore_mem>>) src(%arg11 : memref<128x128xf32, #tpu.memory_space<vmem>>) dst(%dma_wait3A_169 : memref<10112x128xf32, #tpu.memory_space<vmem_shared>>)
      %dma_wait3A_170 = arith.constant 0 : i32
      %dma_wait3A_171 = arith.constant 0 : i32
      %dma_wait3A_172 = arith.constant 0 : i32
      %dma_wait3A_173 = arith.constant 0 : i32
      %dma_wait3A_174 = tpu.memref_slice %arg10[%dma_wait3A_170, %dma_wait3A_172, %dma_wait3A_173] : memref<2x8x128xi32, #tpu.memory_space<vmem>> -> memref<1x8x128xi32, #tpu.memory_space<vmem>>
      %dma_wait3A_175 = tpu.memref_squeeze %dma_wait3A_174 : memref<1x8x128xi32, #tpu.memory_space<vmem>> -> memref<8x128xi32, #tpu.memory_space<vmem>>
      %dma_wait3A_176 = arith.constant 0 : i32
      %dma_wait3A_177 = tpu.memref_slice %dma_wait3A_175[%dma_wait3A_171, %dma_wait3A_176] : memref<8x128xi32, #tpu.memory_space<vmem>> -> memref<1x128xi32, #tpu.memory_space<vmem>>
      %dma_wait3A_178 = tpu.memref_squeeze %dma_wait3A_177 : memref<1x128xi32, #tpu.memory_space<vmem>> -> memref<128xi32, #tpu.memory_space<vmem>>
      %dma_wait3A_179 = arith.constant 0 : i32
      %dma_wait3A_180 = arith.constant 0 : i32
      %dma_wait3A_181 = tpu.memref_slice %arg15[%dma_wait3A_179, %dma_wait3A_180] : memref<10112x16xf32, #tpu.memory_space<vmem_shared>> -> memref<10112x16xf32, #tpu.memory_space<vmem_shared>>
      tpu.wait_indirect_dma semaphore(%arg20 : memref<!tpu.dma_semaphore, #tpu.memory_space<semaphore_mem>>) src(%arg13 : memref<128x16xf32, #tpu.memory_space<vmem>>) dst(%dma_wait3A_181 : memref<10112x16xf32, #tpu.memory_space<vmem_shared>>)
      %dma_start3A_182 = arith.constant 0 : i32
      %dma_start3A_183 = arith.constant 2 : i32
      "tpu.trace_stop"() : () -> ()
      %dma_start3A_184 = arith.constant 0 : i32
      %dma_start3A_185 = arith.constant 0 : i32
      %dma_start3A_186 = tpu.memref_slice %arg9[%dma_start3A_182, %dma_start3A_184, %dma_start3A_185] : memref<2x8x128xi32, #tpu.memory_space<vmem>> -> memref<1x8x128xi32, #tpu.memory_space<vmem>>
      %dma_start3A_187 = tpu.memref_squeeze %dma_start3A_186 : memref<1x8x128xi32, #tpu.memory_space<vmem>> -> memref<8x128xi32, #tpu.memory_space<vmem>>
      %dma_start3A_188 = arith.constant 0 : i32
      %dma_start3A_189 = tpu.memref_slice %dma_start3A_187[%dma_start3A_183, %dma_start3A_188] : memref<8x128xi32, #tpu.memory_space<vmem>> -> memref<1x128xi32, #tpu.memory_space<vmem>>
      %dma_start3A_190 = tpu.memref_squeeze %dma_start3A_189 : memref<1x128xi32, #tpu.memory_space<vmem>> -> memref<128xi32, #tpu.memory_space<vmem>>
      %dma_start3A_191 = arith.constant 0 : i32
      %dma_start3A_192 = arith.constant 0 : i32
      %dma_start3A_193 = tpu.memref_slice %arg2[%dma_start3A_191, %dma_start3A_192] : memref<80000x128xf32, #tpu.memory_space<hbm>> -> memref<80000x128xf32, #tpu.memory_space<hbm>>
      tpu.enqueue_indirect_dma source(%dma_start3A_193 : memref<80000x128xf32, #tpu.memory_space<hbm>>) target(%arg11 : memref<128x128xf32, #tpu.memory_space<vmem>>) offsets(%dma_start3A_190 : memref<128xi32, #tpu.memory_space<vmem>>) semaphore(%arg16 : memref<!tpu.dma_semaphore, #tpu.memory_space<semaphore_mem>>)
      %dma_start3A_194 = arith.constant 0 : i32
      %dma_start3A_195 = arith.constant 1 : i32
      "tpu.trace_start"() <{level = 10 : i32, message = "scat"}> : () -> ()
      %dma_start3A_196 = arith.constant 0 : i32
      %dma_start3A_197 = arith.constant 0 : i32
      %dma_start3A_198 = tpu.memref_slice %arg10[%dma_start3A_194, %dma_start3A_196, %dma_start3A_197] : memref<2x8x128xi32, #tpu.memory_space<vmem>> -> memref<1x8x128xi32, #tpu.memory_space<vmem>>
      %dma_start3A_199 = tpu.memref_squeeze %dma_start3A_198 : memref<1x8x128xi32, #tpu.memory_space<vmem>> -> memref<8x128xi32, #tpu.memory_space<vmem>>
      %dma_start3A_200 = arith.constant 0 : i32
      %dma_start3A_201 = tpu.memref_slice %dma_start3A_199[%dma_start3A_195, %dma_start3A_200] : memref<8x128xi32, #tpu.memory_space<vmem>> -> memref<1x128xi32, #tpu.memory_space<vmem>>
      %dma_start3A_202 = tpu.memref_squeeze %dma_start3A_201 : memref<1x128xi32, #tpu.memory_space<vmem>> -> memref<128xi32, #tpu.memory_space<vmem>>
      %dma_start3A_203 = arith.constant 0 : i32
      %dma_start3A_204 = arith.constant 0 : i32
      %dma_start3A_205 = tpu.memref_slice %arg14[%dma_start3A_203, %dma_start3A_204] : memref<10112x128xf32, #tpu.memory_space<vmem_shared>> -> memref<10112x128xf32, #tpu.memory_space<vmem_shared>>
      tpu.enqueue_indirect_dma source(%arg12 : memref<128x128xf32, #tpu.memory_space<vmem>>) target(%dma_start3A_205 : memref<10112x128xf32, #tpu.memory_space<vmem_shared>>) offsets(%dma_start3A_202 : memref<128xi32, #tpu.memory_space<vmem>>) semaphore(%arg19 : memref<!tpu.dma_semaphore, #tpu.memory_space<semaphore_mem>>) {add = true}
      %dma_start3A_206 = arith.constant 0 : i32
      %dma_start3A_207 = arith.constant 1 : i32
      %dma_start3A_208 = arith.constant 0 : i32
      %dma_start3A_209 = arith.constant 0 : i32
      %dma_start3A_210 = tpu.memref_slice %arg10[%dma_start3A_206, %dma_start3A_208, %dma_start3A_209] : memref<2x8x128xi32, #tpu.memory_space<vmem>> -> memref<1x8x128xi32, #tpu.memory_space<vmem>>
      %dma_start3A_211 = tpu.memref_squeeze %dma_start3A_210 : memref<1x8x128xi32, #tpu.memory_space<vmem>> -> memref<8x128xi32, #tpu.memory_space<vmem>>
      %dma_start3A_212 = arith.constant 0 : i32
      %dma_start3A_213 = tpu.memref_slice %dma_start3A_211[%dma_start3A_207, %dma_start3A_212] : memref<8x128xi32, #tpu.memory_space<vmem>> -> memref<1x128xi32, #tpu.memory_space<vmem>>
      %dma_start3A_214 = tpu.memref_squeeze %dma_start3A_213 : memref<1x128xi32, #tpu.memory_space<vmem>> -> memref<128xi32, #tpu.memory_space<vmem>>
      %dma_start3A_215 = arith.constant 0 : i32
      %dma_start3A_216 = arith.constant 0 : i32
      %dma_start3A_217 = tpu.memref_slice %arg15[%dma_start3A_215, %dma_start3A_216] : memref<10112x16xf32, #tpu.memory_space<vmem_shared>> -> memref<10112x16xf32, #tpu.memory_space<vmem_shared>>
      tpu.enqueue_indirect_dma source(%arg13 : memref<128x16xf32, #tpu.memory_space<vmem>>) target(%dma_start3A_217 : memref<10112x16xf32, #tpu.memory_space<vmem_shared>>) offsets(%dma_start3A_214 : memref<128xi32, #tpu.memory_space<vmem>>) semaphore(%arg21 : memref<!tpu.dma_semaphore, #tpu.memory_space<semaphore_mem>>) {add = true}
      %dma_wait3A_218 = arith.constant 0 : i32
      %dma_wait3A_219 = arith.constant 2 : i32
      "tpu.trace_stop"() : () -> ()
      "tpu.trace_start"() <{level = 10 : i32, message = "gwait"}> : () -> ()
      %dma_wait3A_220 = arith.constant 0 : i32
      %dma_wait3A_221 = arith.constant 0 : i32
      %dma_wait3A_222 = tpu.memref_slice %arg9[%dma_wait3A_218, %dma_wait3A_220, %dma_wait3A_221] : memref<2x8x128xi32, #tpu.memory_space<vmem>> -> memref<1x8x128xi32, #tpu.memory_space<vmem>>
      %dma_wait3A_223 = tpu.memref_squeeze %dma_wait3A_222 : memref<1x8x128xi32, #tpu.memory_space<vmem>> -> memref<8x128xi32, #tpu.memory_space<vmem>>
      %dma_wait3A_224 = arith.constant 0 : i32
      %dma_wait3A_225 = tpu.memref_slice %dma_wait3A_223[%dma_wait3A_219, %dma_wait3A_224] : memref<8x128xi32, #tpu.memory_space<vmem>> -> memref<1x128xi32, #tpu.memory_space<vmem>>
      %dma_wait3A_226 = tpu.memref_squeeze %dma_wait3A_225 : memref<1x128xi32, #tpu.memory_space<vmem>> -> memref<128xi32, #tpu.memory_space<vmem>>
      %dma_wait3A_227 = arith.constant 0 : i32
      %dma_wait3A_228 = arith.constant 0 : i32
      %dma_wait3A_229 = tpu.memref_slice %arg2[%dma_wait3A_227, %dma_wait3A_228] : memref<80000x128xf32, #tpu.memory_space<hbm>> -> memref<80000x128xf32, #tpu.memory_space<hbm>>
      tpu.wait_indirect_dma semaphore(%arg16 : memref<!tpu.dma_semaphore, #tpu.memory_space<semaphore_mem>>) src(%dma_wait3A_229 : memref<80000x128xf32, #tpu.memory_space<hbm>>) dst(%arg11 : memref<128x128xf32, #tpu.memory_space<vmem>>)
      %dma_wait3A_230 = arith.constant 0 : i32
      %dma_wait3A_231 = arith.constant 1 : i32
      "tpu.trace_stop"() : () -> ()
      "tpu.trace_start"() <{level = 10 : i32, message = "swait"}> : () -> ()
      %dma_wait3A_232 = arith.constant 0 : i32
      %dma_wait3A_233 = arith.constant 0 : i32
      %dma_wait3A_234 = tpu.memref_slice %arg10[%dma_wait3A_230, %dma_wait3A_232, %dma_wait3A_233] : memref<2x8x128xi32, #tpu.memory_space<vmem>> -> memref<1x8x128xi32, #tpu.memory_space<vmem>>
      %dma_wait3A_235 = tpu.memref_squeeze %dma_wait3A_234 : memref<1x8x128xi32, #tpu.memory_space<vmem>> -> memref<8x128xi32, #tpu.memory_space<vmem>>
      %dma_wait3A_236 = arith.constant 0 : i32
      %dma_wait3A_237 = tpu.memref_slice %dma_wait3A_235[%dma_wait3A_231, %dma_wait3A_236] : memref<8x128xi32, #tpu.memory_space<vmem>> -> memref<1x128xi32, #tpu.memory_space<vmem>>
      %dma_wait3A_238 = tpu.memref_squeeze %dma_wait3A_237 : memref<1x128xi32, #tpu.memory_space<vmem>> -> memref<128xi32, #tpu.memory_space<vmem>>
      %dma_wait3A_239 = arith.constant 0 : i32
      %dma_wait3A_240 = arith.constant 0 : i32
      %dma_wait3A_241 = tpu.memref_slice %arg14[%dma_wait3A_239, %dma_wait3A_240] : memref<10112x128xf32, #tpu.memory_space<vmem_shared>> -> memref<10112x128xf32, #tpu.memory_space<vmem_shared>>
      tpu.wait_indirect_dma semaphore(%arg19 : memref<!tpu.dma_semaphore, #tpu.memory_space<semaphore_mem>>) src(%arg12 : memref<128x128xf32, #tpu.memory_space<vmem>>) dst(%dma_wait3A_241 : memref<10112x128xf32, #tpu.memory_space<vmem_shared>>)
      %dma_wait3A_242 = arith.constant 0 : i32
      %dma_wait3A_243 = arith.constant 1 : i32
      %dma_wait3A_244 = arith.constant 0 : i32
      %dma_wait3A_245 = arith.constant 0 : i32
      %dma_wait3A_246 = tpu.memref_slice %arg10[%dma_wait3A_242, %dma_wait3A_244, %dma_wait3A_245] : memref<2x8x128xi32, #tpu.memory_space<vmem>> -> memref<1x8x128xi32, #tpu.memory_space<vmem>>
      %dma_wait3A_247 = tpu.memref_squeeze %dma_wait3A_246 : memref<1x8x128xi32, #tpu.memory_space<vmem>> -> memref<8x128xi32, #tpu.memory_space<vmem>>
      %dma_wait3A_248 = arith.constant 0 : i32
      %dma_wait3A_249 = tpu.memref_slice %dma_wait3A_247[%dma_wait3A_243, %dma_wait3A_248] : memref<8x128xi32, #tpu.memory_space<vmem>> -> memref<1x128xi32, #tpu.memory_space<vmem>>
      %dma_wait3A_250 = tpu.memref_squeeze %dma_wait3A_249 : memref<1x128xi32, #tpu.memory_space<vmem>> -> memref<128xi32, #tpu.memory_space<vmem>>
      %dma_wait3A_251 = arith.constant 0 : i32
      %dma_wait3A_252 = arith.constant 0 : i32
      %dma_wait3A_253 = tpu.memref_slice %arg15[%dma_wait3A_251, %dma_wait3A_252] : memref<10112x16xf32, #tpu.memory_space<vmem_shared>> -> memref<10112x16xf32, #tpu.memory_space<vmem_shared>>
      tpu.wait_indirect_dma semaphore(%arg21 : memref<!tpu.dma_semaphore, #tpu.memory_space<semaphore_mem>>) src(%arg13 : memref<128x16xf32, #tpu.memory_space<vmem>>) dst(%dma_wait3A_253 : memref<10112x16xf32, #tpu.memory_space<vmem_shared>>)
      %dma_start3A_254 = arith.constant 0 : i32
      %dma_start3A_255 = arith.constant 3 : i32
      "tpu.trace_stop"() : () -> ()
      %dma_start3A_256 = arith.constant 0 : i32
      %dma_start3A_257 = arith.constant 0 : i32
      %dma_start3A_258 = tpu.memref_slice %arg9[%dma_start3A_254, %dma_start3A_256, %dma_start3A_257] : memref<2x8x128xi32, #tpu.memory_space<vmem>> -> memref<1x8x128xi32, #tpu.memory_space<vmem>>
      %dma_start3A_259 = tpu.memref_squeeze %dma_start3A_258 : memref<1x8x128xi32, #tpu.memory_space<vmem>> -> memref<8x128xi32, #tpu.memory_space<vmem>>
      %dma_start3A_260 = arith.constant 0 : i32
      %dma_start3A_261 = tpu.memref_slice %dma_start3A_259[%dma_start3A_255, %dma_start3A_260] : memref<8x128xi32, #tpu.memory_space<vmem>> -> memref<1x128xi32, #tpu.memory_space<vmem>>
      %dma_start3A_262 = tpu.memref_squeeze %dma_start3A_261 : memref<1x128xi32, #tpu.memory_space<vmem>> -> memref<128xi32, #tpu.memory_space<vmem>>
      %dma_start3A_263 = arith.constant 0 : i32
      %dma_start3A_264 = arith.constant 0 : i32
      %dma_start3A_265 = tpu.memref_slice %arg2[%dma_start3A_263, %dma_start3A_264] : memref<80000x128xf32, #tpu.memory_space<hbm>> -> memref<80000x128xf32, #tpu.memory_space<hbm>>
      tpu.enqueue_indirect_dma source(%dma_start3A_265 : memref<80000x128xf32, #tpu.memory_space<hbm>>) target(%arg12 : memref<128x128xf32, #tpu.memory_space<vmem>>) offsets(%dma_start3A_262 : memref<128xi32, #tpu.memory_space<vmem>>) semaphore(%arg17 : memref<!tpu.dma_semaphore, #tpu.memory_space<semaphore_mem>>)
      %dma_start3A_266 = arith.constant 0 : i32
      %dma_start3A_267 = arith.constant 2 : i32
      "tpu.trace_start"() <{level = 10 : i32, message = "scat"}> : () -> ()
      %dma_start3A_268 = arith.constant 0 : i32
      %dma_start3A_269 = arith.constant 0 : i32
      %dma_start3A_270 = tpu.memref_slice %arg10[%dma_start3A_266, %dma_start3A_268, %dma_start3A_269] : memref<2x8x128xi32, #tpu.memory_space<vmem>> -> memref<1x8x128xi32, #tpu.memory_space<vmem>>
      %dma_start3A_271 = tpu.memref_squeeze %dma_start3A_270 : memref<1x8x128xi32, #tpu.memory_space<vmem>> -> memref<8x128xi32, #tpu.memory_space<vmem>>
      %dma_start3A_272 = arith.constant 0 : i32
      %dma_start3A_273 = tpu.memref_slice %dma_start3A_271[%dma_start3A_267, %dma_start3A_272] : memref<8x128xi32, #tpu.memory_space<vmem>> -> memref<1x128xi32, #tpu.memory_space<vmem>>
      %dma_start3A_274 = tpu.memref_squeeze %dma_start3A_273 : memref<1x128xi32, #tpu.memory_space<vmem>> -> memref<128xi32, #tpu.memory_space<vmem>>
      %dma_start3A_275 = arith.constant 0 : i32
      %dma_start3A_276 = arith.constant 0 : i32
      %dma_start3A_277 = tpu.memref_slice %arg14[%dma_start3A_275, %dma_start3A_276] : memref<10112x128xf32, #tpu.memory_space<vmem_shared>> -> memref<10112x128xf32, #tpu.memory_space<vmem_shared>>
      tpu.enqueue_indirect_dma source(%arg11 : memref<128x128xf32, #tpu.memory_space<vmem>>) target(%dma_start3A_277 : memref<10112x128xf32, #tpu.memory_space<vmem_shared>>) offsets(%dma_start3A_274 : memref<128xi32, #tpu.memory_space<vmem>>) semaphore(%arg18 : memref<!tpu.dma_semaphore, #tpu.memory_space<semaphore_mem>>) {add = true}
      %dma_start3A_278 = arith.constant 0 : i32
      %dma_start3A_279 = arith.constant 2 : i32
      %dma_start3A_280 = arith.constant 0 : i32
      %dma_start3A_281 = arith.constant 0 : i32
      %dma_start3A_282 = tpu.memref_slice %arg10[%dma_start3A_278, %dma_start3A_280, %dma_start3A_281] : memref<2x8x128xi32, #tpu.memory_space<vmem>> -> memref<1x8x128xi32, #tpu.memory_space<vmem>>
      %dma_start3A_283 = tpu.memref_squeeze %dma_start3A_282 : memref<1x8x128xi32, #tpu.memory_space<vmem>> -> memref<8x128xi32, #tpu.memory_space<vmem>>
      %dma_start3A_284 = arith.constant 0 : i32
      %dma_start3A_285 = tpu.memref_slice %dma_start3A_283[%dma_start3A_279, %dma_start3A_284] : memref<8x128xi32, #tpu.memory_space<vmem>> -> memref<1x128xi32, #tpu.memory_space<vmem>>
      %dma_start3A_286 = tpu.memref_squeeze %dma_start3A_285 : memref<1x128xi32, #tpu.memory_space<vmem>> -> memref<128xi32, #tpu.memory_space<vmem>>
      %dma_start3A_287 = arith.constant 0 : i32
      %dma_start3A_288 = arith.constant 0 : i32
      %dma_start3A_289 = tpu.memref_slice %arg15[%dma_start3A_287, %dma_start3A_288] : memref<10112x16xf32, #tpu.memory_space<vmem_shared>> -> memref<10112x16xf32, #tpu.memory_space<vmem_shared>>
      tpu.enqueue_indirect_dma source(%arg13 : memref<128x16xf32, #tpu.memory_space<vmem>>) target(%dma_start3A_289 : memref<10112x16xf32, #tpu.memory_space<vmem_shared>>) offsets(%dma_start3A_286 : memref<128xi32, #tpu.memory_space<vmem>>) semaphore(%arg20 : memref<!tpu.dma_semaphore, #tpu.memory_space<semaphore_mem>>) {add = true}
      %dma_wait3A_290 = arith.constant 0 : i32
      %dma_wait3A_291 = arith.constant 3 : i32
      "tpu.trace_stop"() : () -> ()
      "tpu.trace_start"() <{level = 10 : i32, message = "gwait"}> : () -> ()
      %dma_wait3A_292 = arith.constant 0 : i32
      %dma_wait3A_293 = arith.constant 0 : i32
      %dma_wait3A_294 = tpu.memref_slice %arg9[%dma_wait3A_290, %dma_wait3A_292, %dma_wait3A_293] : memref<2x8x128xi32, #tpu.memory_space<vmem>> -> memref<1x8x128xi32, #tpu.memory_space<vmem>>
      %dma_wait3A_295 = tpu.memref_squeeze %dma_wait3A_294 : memref<1x8x128xi32, #tpu.memory_space<vmem>> -> memref<8x128xi32, #tpu.memory_space<vmem>>
      %dma_wait3A_296 = arith.constant 0 : i32
      %dma_wait3A_297 = tpu.memref_slice %dma_wait3A_295[%dma_wait3A_291, %dma_wait3A_296] : memref<8x128xi32, #tpu.memory_space<vmem>> -> memref<1x128xi32, #tpu.memory_space<vmem>>
      %dma_wait3A_298 = tpu.memref_squeeze %dma_wait3A_297 : memref<1x128xi32, #tpu.memory_space<vmem>> -> memref<128xi32, #tpu.memory_space<vmem>>
      %dma_wait3A_299 = arith.constant 0 : i32
      %dma_wait3A_300 = arith.constant 0 : i32
      %dma_wait3A_301 = tpu.memref_slice %arg2[%dma_wait3A_299, %dma_wait3A_300] : memref<80000x128xf32, #tpu.memory_space<hbm>> -> memref<80000x128xf32, #tpu.memory_space<hbm>>
      tpu.wait_indirect_dma semaphore(%arg17 : memref<!tpu.dma_semaphore, #tpu.memory_space<semaphore_mem>>) src(%dma_wait3A_301 : memref<80000x128xf32, #tpu.memory_space<hbm>>) dst(%arg12 : memref<128x128xf32, #tpu.memory_space<vmem>>)
      %dma_wait3A_302 = arith.constant 0 : i32
      %dma_wait3A_303 = arith.constant 2 : i32
      "tpu.trace_stop"() : () -> ()
      "tpu.trace_start"() <{level = 10 : i32, message = "swait"}> : () -> ()
      %dma_wait3A_304 = arith.constant 0 : i32
      %dma_wait3A_305 = arith.constant 0 : i32
      %dma_wait3A_306 = tpu.memref_slice %arg10[%dma_wait3A_302, %dma_wait3A_304, %dma_wait3A_305] : memref<2x8x128xi32, #tpu.memory_space<vmem>> -> memref<1x8x128xi32, #tpu.memory_space<vmem>>
      %dma_wait3A_307 = tpu.memref_squeeze %dma_wait3A_306 : memref<1x8x128xi32, #tpu.memory_space<vmem>> -> memref<8x128xi32, #tpu.memory_space<vmem>>
      %dma_wait3A_308 = arith.constant 0 : i32
      %dma_wait3A_309 = tpu.memref_slice %dma_wait3A_307[%dma_wait3A_303, %dma_wait3A_308] : memref<8x128xi32, #tpu.memory_space<vmem>> -> memref<1x128xi32, #tpu.memory_space<vmem>>
      %dma_wait3A_310 = tpu.memref_squeeze %dma_wait3A_309 : memref<1x128xi32, #tpu.memory_space<vmem>> -> memref<128xi32, #tpu.memory_space<vmem>>
      %dma_wait3A_311 = arith.constant 0 : i32
      %dma_wait3A_312 = arith.constant 0 : i32
      %dma_wait3A_313 = tpu.memref_slice %arg14[%dma_wait3A_311, %dma_wait3A_312] : memref<10112x128xf32, #tpu.memory_space<vmem_shared>> -> memref<10112x128xf32, #tpu.memory_space<vmem_shared>>
      tpu.wait_indirect_dma semaphore(%arg18 : memref<!tpu.dma_semaphore, #tpu.memory_space<semaphore_mem>>) src(%arg11 : memref<128x128xf32, #tpu.memory_space<vmem>>) dst(%dma_wait3A_313 : memref<10112x128xf32, #tpu.memory_space<vmem_shared>>)
      %dma_wait3A_314 = arith.constant 0 : i32
      %dma_wait3A_315 = arith.constant 2 : i32
      %dma_wait3A_316 = arith.constant 0 : i32
      %dma_wait3A_317 = arith.constant 0 : i32
      %dma_wait3A_318 = tpu.memref_slice %arg10[%dma_wait3A_314, %dma_wait3A_316, %dma_wait3A_317] : memref<2x8x128xi32, #tpu.memory_space<vmem>> -> memref<1x8x128xi32, #tpu.memory_space<vmem>>
      %dma_wait3A_319 = tpu.memref_squeeze %dma_wait3A_318 : memref<1x8x128xi32, #tpu.memory_space<vmem>> -> memref<8x128xi32, #tpu.memory_space<vmem>>
      %dma_wait3A_320 = arith.constant 0 : i32
      %dma_wait3A_321 = tpu.memref_slice %dma_wait3A_319[%dma_wait3A_315, %dma_wait3A_320] : memref<8x128xi32, #tpu.memory_space<vmem>> -> memref<1x128xi32, #tpu.memory_space<vmem>>
      %dma_wait3A_322 = tpu.memref_squeeze %dma_wait3A_321 : memref<1x128xi32, #tpu.memory_space<vmem>> -> memref<128xi32, #tpu.memory_space<vmem>>
      %dma_wait3A_323 = arith.constant 0 : i32
      %dma_wait3A_324 = arith.constant 0 : i32
      %dma_wait3A_325 = tpu.memref_slice %arg15[%dma_wait3A_323, %dma_wait3A_324] : memref<10112x16xf32, #tpu.memory_space<vmem_shared>> -> memref<10112x16xf32, #tpu.memory_space<vmem_shared>>
      tpu.wait_indirect_dma semaphore(%arg20 : memref<!tpu.dma_semaphore, #tpu.memory_space<semaphore_mem>>) src(%arg13 : memref<128x16xf32, #tpu.memory_space<vmem>>) dst(%dma_wait3A_325 : memref<10112x16xf32, #tpu.memory_space<vmem_shared>>)
      %dma_start3A_326 = arith.constant 0 : i32
      %dma_start3A_327 = arith.constant 4 : i32
      "tpu.trace_stop"() : () -> ()
      %dma_start3A_328 = arith.constant 0 : i32
      %dma_start3A_329 = arith.constant 0 : i32
      %dma_start3A_330 = tpu.memref_slice %arg9[%dma_start3A_326, %dma_start3A_328, %dma_start3A_329] : memref<2x8x128xi32, #tpu.memory_space<vmem>> -> memref<1x8x128xi32, #tpu.memory_space<vmem>>
      %dma_start3A_331 = tpu.memref_squeeze %dma_start3A_330 : memref<1x8x128xi32, #tpu.memory_space<vmem>> -> memref<8x128xi32, #tpu.memory_space<vmem>>
      %dma_start3A_332 = arith.constant 0 : i32
      %dma_start3A_333 = tpu.memref_slice %dma_start3A_331[%dma_start3A_327, %dma_start3A_332] : memref<8x128xi32, #tpu.memory_space<vmem>> -> memref<1x128xi32, #tpu.memory_space<vmem>>
      %dma_start3A_334 = tpu.memref_squeeze %dma_start3A_333 : memref<1x128xi32, #tpu.memory_space<vmem>> -> memref<128xi32, #tpu.memory_space<vmem>>
      %dma_start3A_335 = arith.constant 0 : i32
      %dma_start3A_336 = arith.constant 0 : i32
      %dma_start3A_337 = tpu.memref_slice %arg2[%dma_start3A_335, %dma_start3A_336] : memref<80000x128xf32, #tpu.memory_space<hbm>> -> memref<80000x128xf32, #tpu.memory_space<hbm>>
      tpu.enqueue_indirect_dma source(%dma_start3A_337 : memref<80000x128xf32, #tpu.memory_space<hbm>>) target(%arg11 : memref<128x128xf32, #tpu.memory_space<vmem>>) offsets(%dma_start3A_334 : memref<128xi32, #tpu.memory_space<vmem>>) semaphore(%arg16 : memref<!tpu.dma_semaphore, #tpu.memory_space<semaphore_mem>>)
      %dma_start3A_338 = arith.constant 0 : i32
      %dma_start3A_339 = arith.constant 3 : i32
      "tpu.trace_start"() <{level = 10 : i32, message = "scat"}> : () -> ()
      %dma_start3A_340 = arith.constant 0 : i32
      %dma_start3A_341 = arith.constant 0 : i32
      %dma_start3A_342 = tpu.memref_slice %arg10[%dma_start3A_338, %dma_start3A_340, %dma_start3A_341] : memref<2x8x128xi32, #tpu.memory_space<vmem>> -> memref<1x8x128xi32, #tpu.memory_space<vmem>>
      %dma_start3A_343 = tpu.memref_squeeze %dma_start3A_342 : memref<1x8x128xi32, #tpu.memory_space<vmem>> -> memref<8x128xi32, #tpu.memory_space<vmem>>
      %dma_start3A_344 = arith.constant 0 : i32
      %dma_start3A_345 = tpu.memref_slice %dma_start3A_343[%dma_start3A_339, %dma_start3A_344] : memref<8x128xi32, #tpu.memory_space<vmem>> -> memref<1x128xi32, #tpu.memory_space<vmem>>
      %dma_start3A_346 = tpu.memref_squeeze %dma_start3A_345 : memref<1x128xi32, #tpu.memory_space<vmem>> -> memref<128xi32, #tpu.memory_space<vmem>>
      %dma_start3A_347 = arith.constant 0 : i32
      %dma_start3A_348 = arith.constant 0 : i32
      %dma_start3A_349 = tpu.memref_slice %arg14[%dma_start3A_347, %dma_start3A_348] : memref<10112x128xf32, #tpu.memory_space<vmem_shared>> -> memref<10112x128xf32, #tpu.memory_space<vmem_shared>>
      tpu.enqueue_indirect_dma source(%arg12 : memref<128x128xf32, #tpu.memory_space<vmem>>) target(%dma_start3A_349 : memref<10112x128xf32, #tpu.memory_space<vmem_shared>>) offsets(%dma_start3A_346 : memref<128xi32, #tpu.memory_space<vmem>>) semaphore(%arg19 : memref<!tpu.dma_semaphore, #tpu.memory_space<semaphore_mem>>) {add = true}
      %dma_start3A_350 = arith.constant 0 : i32
      %dma_start3A_351 = arith.constant 3 : i32
      %dma_start3A_352 = arith.constant 0 : i32
      %dma_start3A_353 = arith.constant 0 : i32
      %dma_start3A_354 = tpu.memref_slice %arg10[%dma_start3A_350, %dma_start3A_352, %dma_start3A_353] : memref<2x8x128xi32, #tpu.memory_space<vmem>> -> memref<1x8x128xi32, #tpu.memory_space<vmem>>
      %dma_start3A_355 = tpu.memref_squeeze %dma_start3A_354 : memref<1x8x128xi32, #tpu.memory_space<vmem>> -> memref<8x128xi32, #tpu.memory_space<vmem>>
      %dma_start3A_356 = arith.constant 0 : i32
      %dma_start3A_357 = tpu.memref_slice %dma_start3A_355[%dma_start3A_351, %dma_start3A_356] : memref<8x128xi32, #tpu.memory_space<vmem>> -> memref<1x128xi32, #tpu.memory_space<vmem>>
      %dma_start3A_358 = tpu.memref_squeeze %dma_start3A_357 : memref<1x128xi32, #tpu.memory_space<vmem>> -> memref<128xi32, #tpu.memory_space<vmem>>
      %dma_start3A_359 = arith.constant 0 : i32
      %dma_start3A_360 = arith.constant 0 : i32
      %dma_start3A_361 = tpu.memref_slice %arg15[%dma_start3A_359, %dma_start3A_360] : memref<10112x16xf32, #tpu.memory_space<vmem_shared>> -> memref<10112x16xf32, #tpu.memory_space<vmem_shared>>
      tpu.enqueue_indirect_dma source(%arg13 : memref<128x16xf32, #tpu.memory_space<vmem>>) target(%dma_start3A_361 : memref<10112x16xf32, #tpu.memory_space<vmem_shared>>) offsets(%dma_start3A_358 : memref<128xi32, #tpu.memory_space<vmem>>) semaphore(%arg21 : memref<!tpu.dma_semaphore, #tpu.memory_space<semaphore_mem>>) {add = true}
      %dma_wait3A_362 = arith.constant 0 : i32
      %dma_wait3A_363 = arith.constant 4 : i32
      "tpu.trace_stop"() : () -> ()
      "tpu.trace_start"() <{level = 10 : i32, message = "gwait"}> : () -> ()
      %dma_wait3A_364 = arith.constant 0 : i32
      %dma_wait3A_365 = arith.constant 0 : i32
      %dma_wait3A_366 = tpu.memref_slice %arg9[%dma_wait3A_362, %dma_wait3A_364, %dma_wait3A_365] : memref<2x8x128xi32, #tpu.memory_space<vmem>> -> memref<1x8x128xi32, #tpu.memory_space<vmem>>
      %dma_wait3A_367 = tpu.memref_squeeze %dma_wait3A_366 : memref<1x8x128xi32, #tpu.memory_space<vmem>> -> memref<8x128xi32, #tpu.memory_space<vmem>>
      %dma_wait3A_368 = arith.constant 0 : i32
      %dma_wait3A_369 = tpu.memref_slice %dma_wait3A_367[%dma_wait3A_363, %dma_wait3A_368] : memref<8x128xi32, #tpu.memory_space<vmem>> -> memref<1x128xi32, #tpu.memory_space<vmem>>
      %dma_wait3A_370 = tpu.memref_squeeze %dma_wait3A_369 : memref<1x128xi32, #tpu.memory_space<vmem>> -> memref<128xi32, #tpu.memory_space<vmem>>
      %dma_wait3A_371 = arith.constant 0 : i32
      %dma_wait3A_372 = arith.constant 0 : i32
      %dma_wait3A_373 = tpu.memref_slice %arg2[%dma_wait3A_371, %dma_wait3A_372] : memref<80000x128xf32, #tpu.memory_space<hbm>> -> memref<80000x128xf32, #tpu.memory_space<hbm>>
      tpu.wait_indirect_dma semaphore(%arg16 : memref<!tpu.dma_semaphore, #tpu.memory_space<semaphore_mem>>) src(%dma_wait3A_373 : memref<80000x128xf32, #tpu.memory_space<hbm>>) dst(%arg11 : memref<128x128xf32, #tpu.memory_space<vmem>>)
      %dma_wait3A_374 = arith.constant 0 : i32
      %dma_wait3A_375 = arith.constant 3 : i32
      "tpu.trace_stop"() : () -> ()
      "tpu.trace_start"() <{level = 10 : i32, message = "swait"}> : () -> ()
      %dma_wait3A_376 = arith.constant 0 : i32
      %dma_wait3A_377 = arith.constant 0 : i32
      %dma_wait3A_378 = tpu.memref_slice %arg10[%dma_wait3A_374, %dma_wait3A_376, %dma_wait3A_377] : memref<2x8x128xi32, #tpu.memory_space<vmem>> -> memref<1x8x128xi32, #tpu.memory_space<vmem>>
      %dma_wait3A_379 = tpu.memref_squeeze %dma_wait3A_378 : memref<1x8x128xi32, #tpu.memory_space<vmem>> -> memref<8x128xi32, #tpu.memory_space<vmem>>
      %dma_wait3A_380 = arith.constant 0 : i32
      %dma_wait3A_381 = tpu.memref_slice %dma_wait3A_379[%dma_wait3A_375, %dma_wait3A_380] : memref<8x128xi32, #tpu.memory_space<vmem>> -> memref<1x128xi32, #tpu.memory_space<vmem>>
      %dma_wait3A_382 = tpu.memref_squeeze %dma_wait3A_381 : memref<1x128xi32, #tpu.memory_space<vmem>> -> memref<128xi32, #tpu.memory_space<vmem>>
      %dma_wait3A_383 = arith.constant 0 : i32
      %dma_wait3A_384 = arith.constant 0 : i32
      %dma_wait3A_385 = tpu.memref_slice %arg14[%dma_wait3A_383, %dma_wait3A_384] : memref<10112x128xf32, #tpu.memory_space<vmem_shared>> -> memref<10112x128xf32, #tpu.memory_space<vmem_shared>>
      tpu.wait_indirect_dma semaphore(%arg19 : memref<!tpu.dma_semaphore, #tpu.memory_space<semaphore_mem>>) src(%arg12 : memref<128x128xf32, #tpu.memory_space<vmem>>) dst(%dma_wait3A_385 : memref<10112x128xf32, #tpu.memory_space<vmem_shared>>)
      %dma_wait3A_386 = arith.constant 0 : i32
      %dma_wait3A_387 = arith.constant 3 : i32
      %dma_wait3A_388 = arith.constant 0 : i32
      %dma_wait3A_389 = arith.constant 0 : i32
      %dma_wait3A_390 = tpu.memref_slice %arg10[%dma_wait3A_386, %dma_wait3A_388, %dma_wait3A_389] : memref<2x8x128xi32, #tpu.memory_space<vmem>> -> memref<1x8x128xi32, #tpu.memory_space<vmem>>
      %dma_wait3A_391 = tpu.memref_squeeze %dma_wait3A_390 : memref<1x8x128xi32, #tpu.memory_space<vmem>> -> memref<8x128xi32, #tpu.memory_space<vmem>>
      %dma_wait3A_392 = arith.constant 0 : i32
      %dma_wait3A_393 = tpu.memref_slice %dma_wait3A_391[%dma_wait3A_387, %dma_wait3A_392] : memref<8x128xi32, #tpu.memory_space<vmem>> -> memref<1x128xi32, #tpu.memory_space<vmem>>
      %dma_wait3A_394 = tpu.memref_squeeze %dma_wait3A_393 : memref<1x128xi32, #tpu.memory_space<vmem>> -> memref<128xi32, #tpu.memory_space<vmem>>
      %dma_wait3A_395 = arith.constant 0 : i32
      %dma_wait3A_396 = arith.constant 0 : i32
      %dma_wait3A_397 = tpu.memref_slice %arg15[%dma_wait3A_395, %dma_wait3A_396] : memref<10112x16xf32, #tpu.memory_space<vmem_shared>> -> memref<10112x16xf32, #tpu.memory_space<vmem_shared>>
      tpu.wait_indirect_dma semaphore(%arg21 : memref<!tpu.dma_semaphore, #tpu.memory_space<semaphore_mem>>) src(%arg13 : memref<128x16xf32, #tpu.memory_space<vmem>>) dst(%dma_wait3A_397 : memref<10112x16xf32, #tpu.memory_space<vmem_shared>>)
      %dma_start3A_398 = arith.constant 0 : i32
      %dma_start3A_399 = arith.constant 5 : i32
      "tpu.trace_stop"() : () -> ()
      %dma_start3A_400 = arith.constant 0 : i32
      %dma_start3A_401 = arith.constant 0 : i32
      %dma_start3A_402 = tpu.memref_slice %arg9[%dma_start3A_398, %dma_start3A_400, %dma_start3A_401] : memref<2x8x128xi32, #tpu.memory_space<vmem>> -> memref<1x8x128xi32, #tpu.memory_space<vmem>>
      %dma_start3A_403 = tpu.memref_squeeze %dma_start3A_402 : memref<1x8x128xi32, #tpu.memory_space<vmem>> -> memref<8x128xi32, #tpu.memory_space<vmem>>
      %dma_start3A_404 = arith.constant 0 : i32
      %dma_start3A_405 = tpu.memref_slice %dma_start3A_403[%dma_start3A_399, %dma_start3A_404] : memref<8x128xi32, #tpu.memory_space<vmem>> -> memref<1x128xi32, #tpu.memory_space<vmem>>
      %dma_start3A_406 = tpu.memref_squeeze %dma_start3A_405 : memref<1x128xi32, #tpu.memory_space<vmem>> -> memref<128xi32, #tpu.memory_space<vmem>>
      %dma_start3A_407 = arith.constant 0 : i32
      %dma_start3A_408 = arith.constant 0 : i32
      %dma_start3A_409 = tpu.memref_slice %arg2[%dma_start3A_407, %dma_start3A_408] : memref<80000x128xf32, #tpu.memory_space<hbm>> -> memref<80000x128xf32, #tpu.memory_space<hbm>>
      tpu.enqueue_indirect_dma source(%dma_start3A_409 : memref<80000x128xf32, #tpu.memory_space<hbm>>) target(%arg12 : memref<128x128xf32, #tpu.memory_space<vmem>>) offsets(%dma_start3A_406 : memref<128xi32, #tpu.memory_space<vmem>>) semaphore(%arg17 : memref<!tpu.dma_semaphore, #tpu.memory_space<semaphore_mem>>)
      %dma_start3A_410 = arith.constant 0 : i32
      %dma_start3A_411 = arith.constant 4 : i32
      "tpu.trace_start"() <{level = 10 : i32, message = "scat"}> : () -> ()
      %dma_start3A_412 = arith.constant 0 : i32
      %dma_start3A_413 = arith.constant 0 : i32
      %dma_start3A_414 = tpu.memref_slice %arg10[%dma_start3A_410, %dma_start3A_412, %dma_start3A_413] : memref<2x8x128xi32, #tpu.memory_space<vmem>> -> memref<1x8x128xi32, #tpu.memory_space<vmem>>
      %dma_start3A_415 = tpu.memref_squeeze %dma_start3A_414 : memref<1x8x128xi32, #tpu.memory_space<vmem>> -> memref<8x128xi32, #tpu.memory_space<vmem>>
      %dma_start3A_416 = arith.constant 0 : i32
      %dma_start3A_417 = tpu.memref_slice %dma_start3A_415[%dma_start3A_411, %dma_start3A_416] : memref<8x128xi32, #tpu.memory_space<vmem>> -> memref<1x128xi32, #tpu.memory_space<vmem>>
      %dma_start3A_418 = tpu.memref_squeeze %dma_start3A_417 : memref<1x128xi32, #tpu.memory_space<vmem>> -> memref<128xi32, #tpu.memory_space<vmem>>
      %dma_start3A_419 = arith.constant 0 : i32
      %dma_start3A_420 = arith.constant 0 : i32
      %dma_start3A_421 = tpu.memref_slice %arg14[%dma_start3A_419, %dma_start3A_420] : memref<10112x128xf32, #tpu.memory_space<vmem_shared>> -> memref<10112x128xf32, #tpu.memory_space<vmem_shared>>
      tpu.enqueue_indirect_dma source(%arg11 : memref<128x128xf32, #tpu.memory_space<vmem>>) target(%dma_start3A_421 : memref<10112x128xf32, #tpu.memory_space<vmem_shared>>) offsets(%dma_start3A_418 : memref<128xi32, #tpu.memory_space<vmem>>) semaphore(%arg18 : memref<!tpu.dma_semaphore, #tpu.memory_space<semaphore_mem>>) {add = true}
      %dma_start3A_422 = arith.constant 0 : i32
      %dma_start3A_423 = arith.constant 4 : i32
      %dma_start3A_424 = arith.constant 0 : i32
      %dma_start3A_425 = arith.constant 0 : i32
      %dma_start3A_426 = tpu.memref_slice %arg10[%dma_start3A_422, %dma_start3A_424, %dma_start3A_425] : memref<2x8x128xi32, #tpu.memory_space<vmem>> -> memref<1x8x128xi32, #tpu.memory_space<vmem>>
      %dma_start3A_427 = tpu.memref_squeeze %dma_start3A_426 : memref<1x8x128xi32, #tpu.memory_space<vmem>> -> memref<8x128xi32, #tpu.memory_space<vmem>>
      %dma_start3A_428 = arith.constant 0 : i32
      %dma_start3A_429 = tpu.memref_slice %dma_start3A_427[%dma_start3A_423, %dma_start3A_428] : memref<8x128xi32, #tpu.memory_space<vmem>> -> memref<1x128xi32, #tpu.memory_space<vmem>>
      %dma_start3A_430 = tpu.memref_squeeze %dma_start3A_429 : memref<1x128xi32, #tpu.memory_space<vmem>> -> memref<128xi32, #tpu.memory_space<vmem>>
      %dma_start3A_431 = arith.constant 0 : i32
      %dma_start3A_432 = arith.constant 0 : i32
      %dma_start3A_433 = tpu.memref_slice %arg15[%dma_start3A_431, %dma_start3A_432] : memref<10112x16xf32, #tpu.memory_space<vmem_shared>> -> memref<10112x16xf32, #tpu.memory_space<vmem_shared>>
      tpu.enqueue_indirect_dma source(%arg13 : memref<128x16xf32, #tpu.memory_space<vmem>>) target(%dma_start3A_433 : memref<10112x16xf32, #tpu.memory_space<vmem_shared>>) offsets(%dma_start3A_430 : memref<128xi32, #tpu.memory_space<vmem>>) semaphore(%arg20 : memref<!tpu.dma_semaphore, #tpu.memory_space<semaphore_mem>>) {add = true}
      %dma_wait3A_434 = arith.constant 0 : i32
      %dma_wait3A_435 = arith.constant 5 : i32
      "tpu.trace_stop"() : () -> ()
      "tpu.trace_start"() <{level = 10 : i32, message = "gwait"}> : () -> ()
      %dma_wait3A_436 = arith.constant 0 : i32
      %dma_wait3A_437 = arith.constant 0 : i32
      %dma_wait3A_438 = tpu.memref_slice %arg9[%dma_wait3A_434, %dma_wait3A_436, %dma_wait3A_437] : memref<2x8x128xi32, #tpu.memory_space<vmem>> -> memref<1x8x128xi32, #tpu.memory_space<vmem>>
      %dma_wait3A_439 = tpu.memref_squeeze %dma_wait3A_438 : memref<1x8x128xi32, #tpu.memory_space<vmem>> -> memref<8x128xi32, #tpu.memory_space<vmem>>
      %dma_wait3A_440 = arith.constant 0 : i32
      %dma_wait3A_441 = tpu.memref_slice %dma_wait3A_439[%dma_wait3A_435, %dma_wait3A_440] : memref<8x128xi32, #tpu.memory_space<vmem>> -> memref<1x128xi32, #tpu.memory_space<vmem>>
      %dma_wait3A_442 = tpu.memref_squeeze %dma_wait3A_441 : memref<1x128xi32, #tpu.memory_space<vmem>> -> memref<128xi32, #tpu.memory_space<vmem>>
      %dma_wait3A_443 = arith.constant 0 : i32
      %dma_wait3A_444 = arith.constant 0 : i32
      %dma_wait3A_445 = tpu.memref_slice %arg2[%dma_wait3A_443, %dma_wait3A_444] : memref<80000x128xf32, #tpu.memory_space<hbm>> -> memref<80000x128xf32, #tpu.memory_space<hbm>>
      tpu.wait_indirect_dma semaphore(%arg17 : memref<!tpu.dma_semaphore, #tpu.memory_space<semaphore_mem>>) src(%dma_wait3A_445 : memref<80000x128xf32, #tpu.memory_space<hbm>>) dst(%arg12 : memref<128x128xf32, #tpu.memory_space<vmem>>)
      %dma_wait3A_446 = arith.constant 0 : i32
      %dma_wait3A_447 = arith.constant 4 : i32
      "tpu.trace_stop"() : () -> ()
      "tpu.trace_start"() <{level = 10 : i32, message = "swait"}> : () -> ()
      %dma_wait3A_448 = arith.constant 0 : i32
      %dma_wait3A_449 = arith.constant 0 : i32
      %dma_wait3A_450 = tpu.memref_slice %arg10[%dma_wait3A_446, %dma_wait3A_448, %dma_wait3A_449] : memref<2x8x128xi32, #tpu.memory_space<vmem>> -> memref<1x8x128xi32, #tpu.memory_space<vmem>>
      %dma_wait3A_451 = tpu.memref_squeeze %dma_wait3A_450 : memref<1x8x128xi32, #tpu.memory_space<vmem>> -> memref<8x128xi32, #tpu.memory_space<vmem>>
      %dma_wait3A_452 = arith.constant 0 : i32
      %dma_wait3A_453 = tpu.memref_slice %dma_wait3A_451[%dma_wait3A_447, %dma_wait3A_452] : memref<8x128xi32, #tpu.memory_space<vmem>> -> memref<1x128xi32, #tpu.memory_space<vmem>>
      %dma_wait3A_454 = tpu.memref_squeeze %dma_wait3A_453 : memref<1x128xi32, #tpu.memory_space<vmem>> -> memref<128xi32, #tpu.memory_space<vmem>>
      %dma_wait3A_455 = arith.constant 0 : i32
      %dma_wait3A_456 = arith.constant 0 : i32
      %dma_wait3A_457 = tpu.memref_slice %arg14[%dma_wait3A_455, %dma_wait3A_456] : memref<10112x128xf32, #tpu.memory_space<vmem_shared>> -> memref<10112x128xf32, #tpu.memory_space<vmem_shared>>
      tpu.wait_indirect_dma semaphore(%arg18 : memref<!tpu.dma_semaphore, #tpu.memory_space<semaphore_mem>>) src(%arg11 : memref<128x128xf32, #tpu.memory_space<vmem>>) dst(%dma_wait3A_457 : memref<10112x128xf32, #tpu.memory_space<vmem_shared>>)
      %dma_wait3A_458 = arith.constant 0 : i32
      %dma_wait3A_459 = arith.constant 4 : i32
      %dma_wait3A_460 = arith.constant 0 : i32
      %dma_wait3A_461 = arith.constant 0 : i32
      %dma_wait3A_462 = tpu.memref_slice %arg10[%dma_wait3A_458, %dma_wait3A_460, %dma_wait3A_461] : memref<2x8x128xi32, #tpu.memory_space<vmem>> -> memref<1x8x128xi32, #tpu.memory_space<vmem>>
      %dma_wait3A_463 = tpu.memref_squeeze %dma_wait3A_462 : memref<1x8x128xi32, #tpu.memory_space<vmem>> -> memref<8x128xi32, #tpu.memory_space<vmem>>
      %dma_wait3A_464 = arith.constant 0 : i32
      %dma_wait3A_465 = tpu.memref_slice %dma_wait3A_463[%dma_wait3A_459, %dma_wait3A_464] : memref<8x128xi32, #tpu.memory_space<vmem>> -> memref<1x128xi32, #tpu.memory_space<vmem>>
      %dma_wait3A_466 = tpu.memref_squeeze %dma_wait3A_465 : memref<1x128xi32, #tpu.memory_space<vmem>> -> memref<128xi32, #tpu.memory_space<vmem>>
      %dma_wait3A_467 = arith.constant 0 : i32
      %dma_wait3A_468 = arith.constant 0 : i32
      %dma_wait3A_469 = tpu.memref_slice %arg15[%dma_wait3A_467, %dma_wait3A_468] : memref<10112x16xf32, #tpu.memory_space<vmem_shared>> -> memref<10112x16xf32, #tpu.memory_space<vmem_shared>>
      tpu.wait_indirect_dma semaphore(%arg20 : memref<!tpu.dma_semaphore, #tpu.memory_space<semaphore_mem>>) src(%arg13 : memref<128x16xf32, #tpu.memory_space<vmem>>) dst(%dma_wait3A_469 : memref<10112x16xf32, #tpu.memory_space<vmem_shared>>)
      %dma_start3A_470 = arith.constant 0 : i32
      %dma_start3A_471 = arith.constant 6 : i32
      "tpu.trace_stop"() : () -> ()
      %dma_start3A_472 = arith.constant 0 : i32
      %dma_start3A_473 = arith.constant 0 : i32
      %dma_start3A_474 = tpu.memref_slice %arg9[%dma_start3A_470, %dma_start3A_472, %dma_start3A_473] : memref<2x8x128xi32, #tpu.memory_space<vmem>> -> memref<1x8x128xi32, #tpu.memory_space<vmem>>
      %dma_start3A_475 = tpu.memref_squeeze %dma_start3A_474 : memref<1x8x128xi32, #tpu.memory_space<vmem>> -> memref<8x128xi32, #tpu.memory_space<vmem>>
      %dma_start3A_476 = arith.constant 0 : i32
      %dma_start3A_477 = tpu.memref_slice %dma_start3A_475[%dma_start3A_471, %dma_start3A_476] : memref<8x128xi32, #tpu.memory_space<vmem>> -> memref<1x128xi32, #tpu.memory_space<vmem>>
      %dma_start3A_478 = tpu.memref_squeeze %dma_start3A_477 : memref<1x128xi32, #tpu.memory_space<vmem>> -> memref<128xi32, #tpu.memory_space<vmem>>
      %dma_start3A_479 = arith.constant 0 : i32
      %dma_start3A_480 = arith.constant 0 : i32
      %dma_start3A_481 = tpu.memref_slice %arg2[%dma_start3A_479, %dma_start3A_480] : memref<80000x128xf32, #tpu.memory_space<hbm>> -> memref<80000x128xf32, #tpu.memory_space<hbm>>
      tpu.enqueue_indirect_dma source(%dma_start3A_481 : memref<80000x128xf32, #tpu.memory_space<hbm>>) target(%arg11 : memref<128x128xf32, #tpu.memory_space<vmem>>) offsets(%dma_start3A_478 : memref<128xi32, #tpu.memory_space<vmem>>) semaphore(%arg16 : memref<!tpu.dma_semaphore, #tpu.memory_space<semaphore_mem>>)
      %dma_start3A_482 = arith.constant 0 : i32
      %dma_start3A_483 = arith.constant 5 : i32
      "tpu.trace_start"() <{level = 10 : i32, message = "scat"}> : () -> ()
      %dma_start3A_484 = arith.constant 0 : i32
      %dma_start3A_485 = arith.constant 0 : i32
      %dma_start3A_486 = tpu.memref_slice %arg10[%dma_start3A_482, %dma_start3A_484, %dma_start3A_485] : memref<2x8x128xi32, #tpu.memory_space<vmem>> -> memref<1x8x128xi32, #tpu.memory_space<vmem>>
      %dma_start3A_487 = tpu.memref_squeeze %dma_start3A_486 : memref<1x8x128xi32, #tpu.memory_space<vmem>> -> memref<8x128xi32, #tpu.memory_space<vmem>>
      %dma_start3A_488 = arith.constant 0 : i32
      %dma_start3A_489 = tpu.memref_slice %dma_start3A_487[%dma_start3A_483, %dma_start3A_488] : memref<8x128xi32, #tpu.memory_space<vmem>> -> memref<1x128xi32, #tpu.memory_space<vmem>>
      %dma_start3A_490 = tpu.memref_squeeze %dma_start3A_489 : memref<1x128xi32, #tpu.memory_space<vmem>> -> memref<128xi32, #tpu.memory_space<vmem>>
      %dma_start3A_491 = arith.constant 0 : i32
      %dma_start3A_492 = arith.constant 0 : i32
      %dma_start3A_493 = tpu.memref_slice %arg14[%dma_start3A_491, %dma_start3A_492] : memref<10112x128xf32, #tpu.memory_space<vmem_shared>> -> memref<10112x128xf32, #tpu.memory_space<vmem_shared>>
      tpu.enqueue_indirect_dma source(%arg12 : memref<128x128xf32, #tpu.memory_space<vmem>>) target(%dma_start3A_493 : memref<10112x128xf32, #tpu.memory_space<vmem_shared>>) offsets(%dma_start3A_490 : memref<128xi32, #tpu.memory_space<vmem>>) semaphore(%arg19 : memref<!tpu.dma_semaphore, #tpu.memory_space<semaphore_mem>>) {add = true}
      %dma_start3A_494 = arith.constant 0 : i32
      %dma_start3A_495 = arith.constant 5 : i32
      %dma_start3A_496 = arith.constant 0 : i32
      %dma_start3A_497 = arith.constant 0 : i32
      %dma_start3A_498 = tpu.memref_slice %arg10[%dma_start3A_494, %dma_start3A_496, %dma_start3A_497] : memref<2x8x128xi32, #tpu.memory_space<vmem>> -> memref<1x8x128xi32, #tpu.memory_space<vmem>>
      %dma_start3A_499 = tpu.memref_squeeze %dma_start3A_498 : memref<1x8x128xi32, #tpu.memory_space<vmem>> -> memref<8x128xi32, #tpu.memory_space<vmem>>
      %dma_start3A_500 = arith.constant 0 : i32
      %dma_start3A_501 = tpu.memref_slice %dma_start3A_499[%dma_start3A_495, %dma_start3A_500] : memref<8x128xi32, #tpu.memory_space<vmem>> -> memref<1x128xi32, #tpu.memory_space<vmem>>
      %dma_start3A_502 = tpu.memref_squeeze %dma_start3A_501 : memref<1x128xi32, #tpu.memory_space<vmem>> -> memref<128xi32, #tpu.memory_space<vmem>>
      %dma_start3A_503 = arith.constant 0 : i32
      %dma_start3A_504 = arith.constant 0 : i32
      %dma_start3A_505 = tpu.memref_slice %arg15[%dma_start3A_503, %dma_start3A_504] : memref<10112x16xf32, #tpu.memory_space<vmem_shared>> -> memref<10112x16xf32, #tpu.memory_space<vmem_shared>>
      tpu.enqueue_indirect_dma source(%arg13 : memref<128x16xf32, #tpu.memory_space<vmem>>) target(%dma_start3A_505 : memref<10112x16xf32, #tpu.memory_space<vmem_shared>>) offsets(%dma_start3A_502 : memref<128xi32, #tpu.memory_space<vmem>>) semaphore(%arg21 : memref<!tpu.dma_semaphore, #tpu.memory_space<semaphore_mem>>) {add = true}
      %dma_wait3A_506 = arith.constant 0 : i32
      %dma_wait3A_507 = arith.constant 6 : i32
      "tpu.trace_stop"() : () -> ()
      "tpu.trace_start"() <{level = 10 : i32, message = "gwait"}> : () -> ()
      %dma_wait3A_508 = arith.constant 0 : i32
      %dma_wait3A_509 = arith.constant 0 : i32
      %dma_wait3A_510 = tpu.memref_slice %arg9[%dma_wait3A_506, %dma_wait3A_508, %dma_wait3A_509] : memref<2x8x128xi32, #tpu.memory_space<vmem>> -> memref<1x8x128xi32, #tpu.memory_space<vmem>>
      %dma_wait3A_511 = tpu.memref_squeeze %dma_wait3A_510 : memref<1x8x128xi32, #tpu.memory_space<vmem>> -> memref<8x128xi32, #tpu.memory_space<vmem>>
      %dma_wait3A_512 = arith.constant 0 : i32
      %dma_wait3A_513 = tpu.memref_slice %dma_wait3A_511[%dma_wait3A_507, %dma_wait3A_512] : memref<8x128xi32, #tpu.memory_space<vmem>> -> memref<1x128xi32, #tpu.memory_space<vmem>>
      %dma_wait3A_514 = tpu.memref_squeeze %dma_wait3A_513 : memref<1x128xi32, #tpu.memory_space<vmem>> -> memref<128xi32, #tpu.memory_space<vmem>>
      %dma_wait3A_515 = arith.constant 0 : i32
      %dma_wait3A_516 = arith.constant 0 : i32
      %dma_wait3A_517 = tpu.memref_slice %arg2[%dma_wait3A_515, %dma_wait3A_516] : memref<80000x128xf32, #tpu.memory_space<hbm>> -> memref<80000x128xf32, #tpu.memory_space<hbm>>
      tpu.wait_indirect_dma semaphore(%arg16 : memref<!tpu.dma_semaphore, #tpu.memory_space<semaphore_mem>>) src(%dma_wait3A_517 : memref<80000x128xf32, #tpu.memory_space<hbm>>) dst(%arg11 : memref<128x128xf32, #tpu.memory_space<vmem>>)
      %dma_wait3A_518 = arith.constant 0 : i32
      %dma_wait3A_519 = arith.constant 5 : i32
      "tpu.trace_stop"() : () -> ()
      "tpu.trace_start"() <{level = 10 : i32, message = "swait"}> : () -> ()
      %dma_wait3A_520 = arith.constant 0 : i32
      %dma_wait3A_521 = arith.constant 0 : i32
      %dma_wait3A_522 = tpu.memref_slice %arg10[%dma_wait3A_518, %dma_wait3A_520, %dma_wait3A_521] : memref<2x8x128xi32, #tpu.memory_space<vmem>> -> memref<1x8x128xi32, #tpu.memory_space<vmem>>
      %dma_wait3A_523 = tpu.memref_squeeze %dma_wait3A_522 : memref<1x8x128xi32, #tpu.memory_space<vmem>> -> memref<8x128xi32, #tpu.memory_space<vmem>>
      %dma_wait3A_524 = arith.constant 0 : i32
      %dma_wait3A_525 = tpu.memref_slice %dma_wait3A_523[%dma_wait3A_519, %dma_wait3A_524] : memref<8x128xi32, #tpu.memory_space<vmem>> -> memref<1x128xi32, #tpu.memory_space<vmem>>
      %dma_wait3A_526 = tpu.memref_squeeze %dma_wait3A_525 : memref<1x128xi32, #tpu.memory_space<vmem>> -> memref<128xi32, #tpu.memory_space<vmem>>
      %dma_wait3A_527 = arith.constant 0 : i32
      %dma_wait3A_528 = arith.constant 0 : i32
      %dma_wait3A_529 = tpu.memref_slice %arg14[%dma_wait3A_527, %dma_wait3A_528] : memref<10112x128xf32, #tpu.memory_space<vmem_shared>> -> memref<10112x128xf32, #tpu.memory_space<vmem_shared>>
      tpu.wait_indirect_dma semaphore(%arg19 : memref<!tpu.dma_semaphore, #tpu.memory_space<semaphore_mem>>) src(%arg12 : memref<128x128xf32, #tpu.memory_space<vmem>>) dst(%dma_wait3A_529 : memref<10112x128xf32, #tpu.memory_space<vmem_shared>>)
      %dma_wait3A_530 = arith.constant 0 : i32
      %dma_wait3A_531 = arith.constant 5 : i32
      %dma_wait3A_532 = arith.constant 0 : i32
      %dma_wait3A_533 = arith.constant 0 : i32
      %dma_wait3A_534 = tpu.memref_slice %arg10[%dma_wait3A_530, %dma_wait3A_532, %dma_wait3A_533] : memref<2x8x128xi32, #tpu.memory_space<vmem>> -> memref<1x8x128xi32, #tpu.memory_space<vmem>>
      %dma_wait3A_535 = tpu.memref_squeeze %dma_wait3A_534 : memref<1x8x128xi32, #tpu.memory_space<vmem>> -> memref<8x128xi32, #tpu.memory_space<vmem>>
      %dma_wait3A_536 = arith.constant 0 : i32
      %dma_wait3A_537 = tpu.memref_slice %dma_wait3A_535[%dma_wait3A_531, %dma_wait3A_536] : memref<8x128xi32, #tpu.memory_space<vmem>> -> memref<1x128xi32, #tpu.memory_space<vmem>>
      %dma_wait3A_538 = tpu.memref_squeeze %dma_wait3A_537 : memref<1x128xi32, #tpu.memory_space<vmem>> -> memref<128xi32, #tpu.memory_space<vmem>>
      %dma_wait3A_539 = arith.constant 0 : i32
      %dma_wait3A_540 = arith.constant 0 : i32
      %dma_wait3A_541 = tpu.memref_slice %arg15[%dma_wait3A_539, %dma_wait3A_540] : memref<10112x16xf32, #tpu.memory_space<vmem_shared>> -> memref<10112x16xf32, #tpu.memory_space<vmem_shared>>
      tpu.wait_indirect_dma semaphore(%arg21 : memref<!tpu.dma_semaphore, #tpu.memory_space<semaphore_mem>>) src(%arg13 : memref<128x16xf32, #tpu.memory_space<vmem>>) dst(%dma_wait3A_541 : memref<10112x16xf32, #tpu.memory_space<vmem_shared>>)
      %dma_start3A_542 = arith.constant 0 : i32
      %dma_start3A_543 = arith.constant 7 : i32
      "tpu.trace_stop"() : () -> ()
      %dma_start3A_544 = arith.constant 0 : i32
      %dma_start3A_545 = arith.constant 0 : i32
      %dma_start3A_546 = tpu.memref_slice %arg9[%dma_start3A_542, %dma_start3A_544, %dma_start3A_545] : memref<2x8x128xi32, #tpu.memory_space<vmem>> -> memref<1x8x128xi32, #tpu.memory_space<vmem>>
      %dma_start3A_547 = tpu.memref_squeeze %dma_start3A_546 : memref<1x8x128xi32, #tpu.memory_space<vmem>> -> memref<8x128xi32, #tpu.memory_space<vmem>>
      %dma_start3A_548 = arith.constant 0 : i32
      %dma_start3A_549 = tpu.memref_slice %dma_start3A_547[%dma_start3A_543, %dma_start3A_548] : memref<8x128xi32, #tpu.memory_space<vmem>> -> memref<1x128xi32, #tpu.memory_space<vmem>>
      %dma_start3A_550 = tpu.memref_squeeze %dma_start3A_549 : memref<1x128xi32, #tpu.memory_space<vmem>> -> memref<128xi32, #tpu.memory_space<vmem>>
      %dma_start3A_551 = arith.constant 0 : i32
      %dma_start3A_552 = arith.constant 0 : i32
      %dma_start3A_553 = tpu.memref_slice %arg2[%dma_start3A_551, %dma_start3A_552] : memref<80000x128xf32, #tpu.memory_space<hbm>> -> memref<80000x128xf32, #tpu.memory_space<hbm>>
      tpu.enqueue_indirect_dma source(%dma_start3A_553 : memref<80000x128xf32, #tpu.memory_space<hbm>>) target(%arg12 : memref<128x128xf32, #tpu.memory_space<vmem>>) offsets(%dma_start3A_550 : memref<128xi32, #tpu.memory_space<vmem>>) semaphore(%arg17 : memref<!tpu.dma_semaphore, #tpu.memory_space<semaphore_mem>>)
      %dma_start3A_554 = arith.constant 0 : i32
      %dma_start3A_555 = arith.constant 6 : i32
      "tpu.trace_start"() <{level = 10 : i32, message = "scat"}> : () -> ()
      %dma_start3A_556 = arith.constant 0 : i32
      %dma_start3A_557 = arith.constant 0 : i32
      %dma_start3A_558 = tpu.memref_slice %arg10[%dma_start3A_554, %dma_start3A_556, %dma_start3A_557] : memref<2x8x128xi32, #tpu.memory_space<vmem>> -> memref<1x8x128xi32, #tpu.memory_space<vmem>>
      %dma_start3A_559 = tpu.memref_squeeze %dma_start3A_558 : memref<1x8x128xi32, #tpu.memory_space<vmem>> -> memref<8x128xi32, #tpu.memory_space<vmem>>
      %dma_start3A_560 = arith.constant 0 : i32
      %dma_start3A_561 = tpu.memref_slice %dma_start3A_559[%dma_start3A_555, %dma_start3A_560] : memref<8x128xi32, #tpu.memory_space<vmem>> -> memref<1x128xi32, #tpu.memory_space<vmem>>
      %dma_start3A_562 = tpu.memref_squeeze %dma_start3A_561 : memref<1x128xi32, #tpu.memory_space<vmem>> -> memref<128xi32, #tpu.memory_space<vmem>>
      %dma_start3A_563 = arith.constant 0 : i32
      %dma_start3A_564 = arith.constant 0 : i32
      %dma_start3A_565 = tpu.memref_slice %arg14[%dma_start3A_563, %dma_start3A_564] : memref<10112x128xf32, #tpu.memory_space<vmem_shared>> -> memref<10112x128xf32, #tpu.memory_space<vmem_shared>>
      tpu.enqueue_indirect_dma source(%arg11 : memref<128x128xf32, #tpu.memory_space<vmem>>) target(%dma_start3A_565 : memref<10112x128xf32, #tpu.memory_space<vmem_shared>>) offsets(%dma_start3A_562 : memref<128xi32, #tpu.memory_space<vmem>>) semaphore(%arg18 : memref<!tpu.dma_semaphore, #tpu.memory_space<semaphore_mem>>) {add = true}
      %dma_start3A_566 = arith.constant 0 : i32
      %dma_start3A_567 = arith.constant 6 : i32
      %dma_start3A_568 = arith.constant 0 : i32
      %dma_start3A_569 = arith.constant 0 : i32
      %dma_start3A_570 = tpu.memref_slice %arg10[%dma_start3A_566, %dma_start3A_568, %dma_start3A_569] : memref<2x8x128xi32, #tpu.memory_space<vmem>> -> memref<1x8x128xi32, #tpu.memory_space<vmem>>
      %dma_start3A_571 = tpu.memref_squeeze %dma_start3A_570 : memref<1x8x128xi32, #tpu.memory_space<vmem>> -> memref<8x128xi32, #tpu.memory_space<vmem>>
      %dma_start3A_572 = arith.constant 0 : i32
      %dma_start3A_573 = tpu.memref_slice %dma_start3A_571[%dma_start3A_567, %dma_start3A_572] : memref<8x128xi32, #tpu.memory_space<vmem>> -> memref<1x128xi32, #tpu.memory_space<vmem>>
      %dma_start3A_574 = tpu.memref_squeeze %dma_start3A_573 : memref<1x128xi32, #tpu.memory_space<vmem>> -> memref<128xi32, #tpu.memory_space<vmem>>
      %dma_start3A_575 = arith.constant 0 : i32
      %dma_start3A_576 = arith.constant 0 : i32
      %dma_start3A_577 = tpu.memref_slice %arg15[%dma_start3A_575, %dma_start3A_576] : memref<10112x16xf32, #tpu.memory_space<vmem_shared>> -> memref<10112x16xf32, #tpu.memory_space<vmem_shared>>
      tpu.enqueue_indirect_dma source(%arg13 : memref<128x16xf32, #tpu.memory_space<vmem>>) target(%dma_start3A_577 : memref<10112x16xf32, #tpu.memory_space<vmem_shared>>) offsets(%dma_start3A_574 : memref<128xi32, #tpu.memory_space<vmem>>) semaphore(%arg20 : memref<!tpu.dma_semaphore, #tpu.memory_space<semaphore_mem>>) {add = true}
      %dma_wait3A_578 = arith.constant 0 : i32
      %dma_wait3A_579 = arith.constant 7 : i32
      "tpu.trace_stop"() : () -> ()
      "tpu.trace_start"() <{level = 10 : i32, message = "gwait"}> : () -> ()
      %dma_wait3A_580 = arith.constant 0 : i32
      %dma_wait3A_581 = arith.constant 0 : i32
      %dma_wait3A_582 = tpu.memref_slice %arg9[%dma_wait3A_578, %dma_wait3A_580, %dma_wait3A_581] : memref<2x8x128xi32, #tpu.memory_space<vmem>> -> memref<1x8x128xi32, #tpu.memory_space<vmem>>
      %dma_wait3A_583 = tpu.memref_squeeze %dma_wait3A_582 : memref<1x8x128xi32, #tpu.memory_space<vmem>> -> memref<8x128xi32, #tpu.memory_space<vmem>>
      %dma_wait3A_584 = arith.constant 0 : i32
      %dma_wait3A_585 = tpu.memref_slice %dma_wait3A_583[%dma_wait3A_579, %dma_wait3A_584] : memref<8x128xi32, #tpu.memory_space<vmem>> -> memref<1x128xi32, #tpu.memory_space<vmem>>
      %dma_wait3A_586 = tpu.memref_squeeze %dma_wait3A_585 : memref<1x128xi32, #tpu.memory_space<vmem>> -> memref<128xi32, #tpu.memory_space<vmem>>
      %dma_wait3A_587 = arith.constant 0 : i32
      %dma_wait3A_588 = arith.constant 0 : i32
      %dma_wait3A_589 = tpu.memref_slice %arg2[%dma_wait3A_587, %dma_wait3A_588] : memref<80000x128xf32, #tpu.memory_space<hbm>> -> memref<80000x128xf32, #tpu.memory_space<hbm>>
      tpu.wait_indirect_dma semaphore(%arg17 : memref<!tpu.dma_semaphore, #tpu.memory_space<semaphore_mem>>) src(%dma_wait3A_589 : memref<80000x128xf32, #tpu.memory_space<hbm>>) dst(%arg12 : memref<128x128xf32, #tpu.memory_space<vmem>>)
      %dma_start3A_590 = arith.constant 0 : i32
      %dma_start3A_591 = arith.constant 7 : i32
      "tpu.trace_stop"() : () -> ()
      "tpu.trace_start"() <{level = 10 : i32, message = "scat"}> : () -> ()
      %dma_start3A_592 = arith.constant 0 : i32
      %dma_start3A_593 = arith.constant 0 : i32
      %dma_start3A_594 = tpu.memref_slice %arg10[%dma_start3A_590, %dma_start3A_592, %dma_start3A_593] : memref<2x8x128xi32, #tpu.memory_space<vmem>> -> memref<1x8x128xi32, #tpu.memory_space<vmem>>
      %dma_start3A_595 = tpu.memref_squeeze %dma_start3A_594 : memref<1x8x128xi32, #tpu.memory_space<vmem>> -> memref<8x128xi32, #tpu.memory_space<vmem>>
      %dma_start3A_596 = arith.constant 0 : i32
      %dma_start3A_597 = tpu.memref_slice %dma_start3A_595[%dma_start3A_591, %dma_start3A_596] : memref<8x128xi32, #tpu.memory_space<vmem>> -> memref<1x128xi32, #tpu.memory_space<vmem>>
      %dma_start3A_598 = tpu.memref_squeeze %dma_start3A_597 : memref<1x128xi32, #tpu.memory_space<vmem>> -> memref<128xi32, #tpu.memory_space<vmem>>
      %dma_start3A_599 = arith.constant 0 : i32
      %dma_start3A_600 = arith.constant 0 : i32
      %dma_start3A_601 = tpu.memref_slice %arg14[%dma_start3A_599, %dma_start3A_600] : memref<10112x128xf32, #tpu.memory_space<vmem_shared>> -> memref<10112x128xf32, #tpu.memory_space<vmem_shared>>
      tpu.enqueue_indirect_dma source(%arg12 : memref<128x128xf32, #tpu.memory_space<vmem>>) target(%dma_start3A_601 : memref<10112x128xf32, #tpu.memory_space<vmem_shared>>) offsets(%dma_start3A_598 : memref<128xi32, #tpu.memory_space<vmem>>) semaphore(%arg19 : memref<!tpu.dma_semaphore, #tpu.memory_space<semaphore_mem>>) {add = true}
      %dma_start3A_602 = arith.constant 0 : i32
      %dma_start3A_603 = arith.constant 7 : i32
      %dma_start3A_604 = arith.constant 0 : i32
      %dma_start3A_605 = arith.constant 0 : i32
      %dma_start3A_606 = tpu.memref_slice %arg10[%dma_start3A_602, %dma_start3A_604, %dma_start3A_605] : memref<2x8x128xi32, #tpu.memory_space<vmem>> -> memref<1x8x128xi32, #tpu.memory_space<vmem>>
      %dma_start3A_607 = tpu.memref_squeeze %dma_start3A_606 : memref<1x8x128xi32, #tpu.memory_space<vmem>> -> memref<8x128xi32, #tpu.memory_space<vmem>>
      %dma_start3A_608 = arith.constant 0 : i32
      %dma_start3A_609 = tpu.memref_slice %dma_start3A_607[%dma_start3A_603, %dma_start3A_608] : memref<8x128xi32, #tpu.memory_space<vmem>> -> memref<1x128xi32, #tpu.memory_space<vmem>>
      %dma_start3A_610 = tpu.memref_squeeze %dma_start3A_609 : memref<1x128xi32, #tpu.memory_space<vmem>> -> memref<128xi32, #tpu.memory_space<vmem>>
      %dma_start3A_611 = arith.constant 0 : i32
      %dma_start3A_612 = arith.constant 0 : i32
      %dma_start3A_613 = tpu.memref_slice %arg15[%dma_start3A_611, %dma_start3A_612] : memref<10112x16xf32, #tpu.memory_space<vmem_shared>> -> memref<10112x16xf32, #tpu.memory_space<vmem_shared>>
      tpu.enqueue_indirect_dma source(%arg13 : memref<128x16xf32, #tpu.memory_space<vmem>>) target(%dma_start3A_613 : memref<10112x16xf32, #tpu.memory_space<vmem_shared>>) offsets(%dma_start3A_610 : memref<128xi32, #tpu.memory_space<vmem>>) semaphore(%arg21 : memref<!tpu.dma_semaphore, #tpu.memory_space<semaphore_mem>>) {add = true}
      %dma_wait3A_614 = arith.constant 0 : i32
      %dma_wait3A_615 = arith.constant 6 : i32
      "tpu.trace_stop"() : () -> ()
      "tpu.trace_start"() <{level = 10 : i32, message = "drain"}> : () -> ()
      %dma_wait3A_616 = arith.constant 0 : i32
      %dma_wait3A_617 = arith.constant 0 : i32
      %dma_wait3A_618 = tpu.memref_slice %arg10[%dma_wait3A_614, %dma_wait3A_616, %dma_wait3A_617] : memref<2x8x128xi32, #tpu.memory_space<vmem>> -> memref<1x8x128xi32, #tpu.memory_space<vmem>>
      %dma_wait3A_619 = tpu.memref_squeeze %dma_wait3A_618 : memref<1x8x128xi32, #tpu.memory_space<vmem>> -> memref<8x128xi32, #tpu.memory_space<vmem>>
      %dma_wait3A_620 = arith.constant 0 : i32
      %dma_wait3A_621 = tpu.memref_slice %dma_wait3A_619[%dma_wait3A_615, %dma_wait3A_620] : memref<8x128xi32, #tpu.memory_space<vmem>> -> memref<1x128xi32, #tpu.memory_space<vmem>>
      %dma_wait3A_622 = tpu.memref_squeeze %dma_wait3A_621 : memref<1x128xi32, #tpu.memory_space<vmem>> -> memref<128xi32, #tpu.memory_space<vmem>>
      %dma_wait3A_623 = arith.constant 0 : i32
      %dma_wait3A_624 = arith.constant 0 : i32
      %dma_wait3A_625 = tpu.memref_slice %arg14[%dma_wait3A_623, %dma_wait3A_624] : memref<10112x128xf32, #tpu.memory_space<vmem_shared>> -> memref<10112x128xf32, #tpu.memory_space<vmem_shared>>
      tpu.wait_indirect_dma semaphore(%arg18 : memref<!tpu.dma_semaphore, #tpu.memory_space<semaphore_mem>>) src(%arg11 : memref<128x128xf32, #tpu.memory_space<vmem>>) dst(%dma_wait3A_625 : memref<10112x128xf32, #tpu.memory_space<vmem_shared>>)
      %dma_wait3A_626 = arith.constant 0 : i32
      %dma_wait3A_627 = arith.constant 6 : i32
      %dma_wait3A_628 = arith.constant 0 : i32
      %dma_wait3A_629 = arith.constant 0 : i32
      %dma_wait3A_630 = tpu.memref_slice %arg10[%dma_wait3A_626, %dma_wait3A_628, %dma_wait3A_629] : memref<2x8x128xi32, #tpu.memory_space<vmem>> -> memref<1x8x128xi32, #tpu.memory_space<vmem>>
      %dma_wait3A_631 = tpu.memref_squeeze %dma_wait3A_630 : memref<1x8x128xi32, #tpu.memory_space<vmem>> -> memref<8x128xi32, #tpu.memory_space<vmem>>
      %dma_wait3A_632 = arith.constant 0 : i32
      %dma_wait3A_633 = tpu.memref_slice %dma_wait3A_631[%dma_wait3A_627, %dma_wait3A_632] : memref<8x128xi32, #tpu.memory_space<vmem>> -> memref<1x128xi32, #tpu.memory_space<vmem>>
      %dma_wait3A_634 = tpu.memref_squeeze %dma_wait3A_633 : memref<1x128xi32, #tpu.memory_space<vmem>> -> memref<128xi32, #tpu.memory_space<vmem>>
      %dma_wait3A_635 = arith.constant 0 : i32
      %dma_wait3A_636 = arith.constant 0 : i32
      %dma_wait3A_637 = tpu.memref_slice %arg15[%dma_wait3A_635, %dma_wait3A_636] : memref<10112x16xf32, #tpu.memory_space<vmem_shared>> -> memref<10112x16xf32, #tpu.memory_space<vmem_shared>>
      tpu.wait_indirect_dma semaphore(%arg20 : memref<!tpu.dma_semaphore, #tpu.memory_space<semaphore_mem>>) src(%arg13 : memref<128x16xf32, #tpu.memory_space<vmem>>) dst(%dma_wait3A_637 : memref<10112x16xf32, #tpu.memory_space<vmem_shared>>)
      %dma_wait3A_638 = arith.constant 0 : i32
      %dma_wait3A_639 = arith.constant 7 : i32
      %dma_wait3A_640 = arith.constant 0 : i32
      %dma_wait3A_641 = arith.constant 0 : i32
      %dma_wait3A_642 = tpu.memref_slice %arg10[%dma_wait3A_638, %dma_wait3A_640, %dma_wait3A_641] : memref<2x8x128xi32, #tpu.memory_space<vmem>> -> memref<1x8x128xi32, #tpu.memory_space<vmem>>
      %dma_wait3A_643 = tpu.memref_squeeze %dma_wait3A_642 : memref<1x8x128xi32, #tpu.memory_space<vmem>> -> memref<8x128xi32, #tpu.memory_space<vmem>>
      %dma_wait3A_644 = arith.constant 0 : i32
      %dma_wait3A_645 = tpu.memref_slice %dma_wait3A_643[%dma_wait3A_639, %dma_wait3A_644] : memref<8x128xi32, #tpu.memory_space<vmem>> -> memref<1x128xi32, #tpu.memory_space<vmem>>
      %dma_wait3A_646 = tpu.memref_squeeze %dma_wait3A_645 : memref<1x128xi32, #tpu.memory_space<vmem>> -> memref<128xi32, #tpu.memory_space<vmem>>
      %dma_wait3A_647 = arith.constant 0 : i32
      %dma_wait3A_648 = arith.constant 0 : i32
      %dma_wait3A_649 = tpu.memref_slice %arg14[%dma_wait3A_647, %dma_wait3A_648] : memref<10112x128xf32, #tpu.memory_space<vmem_shared>> -> memref<10112x128xf32, #tpu.memory_space<vmem_shared>>
      tpu.wait_indirect_dma semaphore(%arg19 : memref<!tpu.dma_semaphore, #tpu.memory_space<semaphore_mem>>) src(%arg12 : memref<128x128xf32, #tpu.memory_space<vmem>>) dst(%dma_wait3A_649 : memref<10112x128xf32, #tpu.memory_space<vmem_shared>>)
      %dma_wait3A_650 = arith.constant 0 : i32
      %dma_wait3A_651 = arith.constant 7 : i32
      %dma_wait3A_652 = arith.constant 0 : i32
      %dma_wait3A_653 = arith.constant 0 : i32
      %dma_wait3A_654 = tpu.memref_slice %arg10[%dma_wait3A_650, %dma_wait3A_652, %dma_wait3A_653] : memref<2x8x128xi32, #tpu.memory_space<vmem>> -> memref<1x8x128xi32, #tpu.memory_space<vmem>>
      %dma_wait3A_655 = tpu.memref_squeeze %dma_wait3A_654 : memref<1x8x128xi32, #tpu.memory_space<vmem>> -> memref<8x128xi32, #tpu.memory_space<vmem>>
      %dma_wait3A_656 = arith.constant 0 : i32
      %dma_wait3A_657 = tpu.memref_slice %dma_wait3A_655[%dma_wait3A_651, %dma_wait3A_656] : memref<8x128xi32, #tpu.memory_space<vmem>> -> memref<1x128xi32, #tpu.memory_space<vmem>>
      %dma_wait3A_658 = tpu.memref_squeeze %dma_wait3A_657 : memref<1x128xi32, #tpu.memory_space<vmem>> -> memref<128xi32, #tpu.memory_space<vmem>>
      %dma_wait3A_659 = arith.constant 0 : i32
      %dma_wait3A_660 = arith.constant 0 : i32
      %dma_wait3A_661 = tpu.memref_slice %arg15[%dma_wait3A_659, %dma_wait3A_660] : memref<10112x16xf32, #tpu.memory_space<vmem_shared>> -> memref<10112x16xf32, #tpu.memory_space<vmem_shared>>
      tpu.wait_indirect_dma semaphore(%arg21 : memref<!tpu.dma_semaphore, #tpu.memory_space<semaphore_mem>>) src(%arg13 : memref<128x16xf32, #tpu.memory_space<vmem>>) dst(%dma_wait3A_661 : memref<10112x16xf32, #tpu.memory_space<vmem_shared>>)
      "tpu.trace_stop"() : () -> ()
      %mul3A_662 = arith.constant 2 : i32
      %mul3A_663 = arith.muli %add3A_48, %mul3A_662 : i32
      %add3A_664 = arith.constant 1 : i32
      %add3A_665 = arith.addi %mul3A_663, %add3A_664 : i32
      "tpu.trace_start"() <{level = 10 : i32, message = "iwait"}> : () -> ()
      %mul3A_666 = arith.constant 8 : i32
      %mul3A_667 = arith.muli %add3A_665, %mul3A_666 : i32
      %add3A_668 = arith.addi %mul3A_4, %mul3A_667 : i32
      %mul3A_669 = arith.constant 8 : i32
      %mul3A_670 = arith.muli %add3A_665, %mul3A_669 : i32
      %add3A_671 = arith.addi %mul3A_4, %mul3A_670 : i32
      %dma_wait3A_672 = arith.constant 1 : i32
      %dma_wait3A_673 = arith.constant 0 : i32
      %dma_wait3A_674 = arith.constant 0 : i32
      %dma_wait3A_675 = tpu.memref_slice %arg9[%dma_wait3A_672, %dma_wait3A_673, %dma_wait3A_674] : memref<2x8x128xi32, #tpu.memory_space<vmem>> -> memref<1x8x128xi32, #tpu.memory_space<vmem>>
      %dma_wait3A_676 = tpu.memref_squeeze %dma_wait3A_675 : memref<1x8x128xi32, #tpu.memory_space<vmem>> -> memref<8x128xi32, #tpu.memory_space<vmem>>
      %dma_wait3A_677 = arith.constant 0 : i32
      %dma_wait3A_678 = tpu.memref_slice %arg3[%add3A_668, %dma_wait3A_677] : memref<2560x128xi32, #tpu.memory_space<hbm>> -> memref<8x128xi32, #tpu.memory_space<hbm>>
      %dma_wait3A_679 = arith.constant 0 : i32
      %dma_wait3A_680 = arith.constant 0 : i32
      %dma_wait3A_681 = tpu.memref_slice %arg9[%dma_wait3A_672, %dma_wait3A_679, %dma_wait3A_680] : memref<2x8x128xi32, #tpu.memory_space<vmem>> -> memref<1x8x128xi32, #tpu.memory_space<vmem>>
      %dma_wait3A_682 = tpu.memref_squeeze %dma_wait3A_681 : memref<1x8x128xi32, #tpu.memory_space<vmem>> -> memref<8x128xi32, #tpu.memory_space<vmem>>
      %dma_wait3A_683 = arith.constant 0 : i32
      %dma_wait3A_684 = tpu.memref_slice %arg3[%add3A_668, %dma_wait3A_683] : memref<2560x128xi32, #tpu.memory_space<hbm>> -> memref<8x128xi32, #tpu.memory_space<hbm>>
      tpu.wait_dma2 semaphore(%arg23 : memref<!tpu.dma_semaphore, #tpu.memory_space<semaphore_mem>>) src(%dma_wait3A_684 : memref<8x128xi32, #tpu.memory_space<hbm>>) dst(%dma_wait3A_682 : memref<8x128xi32, #tpu.memory_space<vmem>>)
      %dma_wait3A_685 = arith.constant 1 : i32
      %dma_wait3A_686 = arith.constant 0 : i32
      %dma_wait3A_687 = arith.constant 0 : i32
      %dma_wait3A_688 = tpu.memref_slice %arg10[%dma_wait3A_685, %dma_wait3A_686, %dma_wait3A_687] : memref<2x8x128xi32, #tpu.memory_space<vmem>> -> memref<1x8x128xi32, #tpu.memory_space<vmem>>
      %dma_wait3A_689 = tpu.memref_squeeze %dma_wait3A_688 : memref<1x8x128xi32, #tpu.memory_space<vmem>> -> memref<8x128xi32, #tpu.memory_space<vmem>>
      %dma_wait3A_690 = arith.constant 0 : i32
      %dma_wait3A_691 = tpu.memref_slice %arg4[%add3A_671, %dma_wait3A_690] : memref<2560x128xi32, #tpu.memory_space<hbm>> -> memref<8x128xi32, #tpu.memory_space<hbm>>
      %dma_wait3A_692 = arith.constant 0 : i32
      %dma_wait3A_693 = arith.constant 0 : i32
      %dma_wait3A_694 = tpu.memref_slice %arg10[%dma_wait3A_685, %dma_wait3A_692, %dma_wait3A_693] : memref<2x8x128xi32, #tpu.memory_space<vmem>> -> memref<1x8x128xi32, #tpu.memory_space<vmem>>
      %dma_wait3A_695 = tpu.memref_squeeze %dma_wait3A_694 : memref<1x8x128xi32, #tpu.memory_space<vmem>> -> memref<8x128xi32, #tpu.memory_space<vmem>>
      %dma_wait3A_696 = arith.constant 0 : i32
      %dma_wait3A_697 = tpu.memref_slice %arg4[%add3A_671, %dma_wait3A_696] : memref<2560x128xi32, #tpu.memory_space<hbm>> -> memref<8x128xi32, #tpu.memory_space<hbm>>
      tpu.wait_dma2 semaphore(%arg25 : memref<!tpu.dma_semaphore, #tpu.memory_space<semaphore_mem>>) src(%dma_wait3A_697 : memref<8x128xi32, #tpu.memory_space<hbm>>) dst(%dma_wait3A_695 : memref<8x128xi32, #tpu.memory_space<vmem>>)
      %lt3A_698 = arith.constant 9 : i32
      "tpu.trace_stop"() : () -> ()
      %lt3A_699 = arith.cmpi slt, %add3A_665, %lt3A_698 : i32
      %convert_element_type3A_700 = arith.extui %lt3A_699 : i1 to i32
      %cond3A_701 = arith.constant 0 : i32
      %cond3A_702 = arith.cmpi ne, %convert_element_type3A_700, %cond3A_701 : i32
      scf.if %cond3A_702 {
        %add3A_1279 = arith.constant 1 : i32
        %add3A_1280 = arith.addi %add3A_665, %add3A_1279 : i32
        %mul3A_1281 = arith.constant 8 : i32
        %mul3A_1282 = arith.muli %add3A_1280, %mul3A_1281 : i32
        %add3A_1283 = arith.addi %mul3A_4, %mul3A_1282 : i32
        %mul3A_1284 = arith.constant 8 : i32
        %mul3A_1285 = arith.muli %add3A_1280, %mul3A_1284 : i32
        %add3A_1286 = arith.addi %mul3A_4, %mul3A_1285 : i32
        %dma_start3A_1287 = arith.constant 0 : i32
        %dma_start3A_1288 = arith.constant 0 : i32
        %dma_start3A_1289 = arith.constant 0 : i32
        %dma_start3A_1290 = tpu.memref_slice %arg9[%dma_start3A_1287, %dma_start3A_1288, %dma_start3A_1289] : memref<2x8x128xi32, #tpu.memory_space<vmem>> -> memref<1x8x128xi32, #tpu.memory_space<vmem>>
        %dma_start3A_1291 = tpu.memref_squeeze %dma_start3A_1290 : memref<1x8x128xi32, #tpu.memory_space<vmem>> -> memref<8x128xi32, #tpu.memory_space<vmem>>
        %dma_start3A_1292 = arith.constant 0 : i32
        %dma_start3A_1293 = tpu.memref_slice %arg3[%add3A_1283, %dma_start3A_1292] : memref<2560x128xi32, #tpu.memory_space<hbm>> -> memref<8x128xi32, #tpu.memory_space<hbm>>
        %dma_start3A_1294 = arith.constant 0 : i32
        %dma_start3A_1295 = arith.constant 0 : i32
        %dma_start3A_1296 = tpu.memref_slice %arg9[%dma_start3A_1287, %dma_start3A_1294, %dma_start3A_1295] : memref<2x8x128xi32, #tpu.memory_space<vmem>> -> memref<1x8x128xi32, #tpu.memory_space<vmem>>
        %dma_start3A_1297 = tpu.memref_squeeze %dma_start3A_1296 : memref<1x8x128xi32, #tpu.memory_space<vmem>> -> memref<8x128xi32, #tpu.memory_space<vmem>>
        %dma_start3A_1298 = arith.constant 0 : i32
        %dma_start3A_1299 = tpu.memref_slice %arg3[%add3A_1283, %dma_start3A_1298] : memref<2560x128xi32, #tpu.memory_space<hbm>> -> memref<8x128xi32, #tpu.memory_space<hbm>>
        tpu.enqueue_dma source(%dma_start3A_1299 : memref<8x128xi32, #tpu.memory_space<hbm>>) target(%dma_start3A_1297 : memref<8x128xi32, #tpu.memory_space<vmem>>) target_semaphore(%arg22 : memref<!tpu.dma_semaphore, #tpu.memory_space<semaphore_mem>>)
        %dma_start3A_1300 = arith.constant 0 : i32
        %dma_start3A_1301 = arith.constant 0 : i32
        %dma_start3A_1302 = arith.constant 0 : i32
        %dma_start3A_1303 = tpu.memref_slice %arg10[%dma_start3A_1300, %dma_start3A_1301, %dma_start3A_1302] : memref<2x8x128xi32, #tpu.memory_space<vmem>> -> memref<1x8x128xi32, #tpu.memory_space<vmem>>
        %dma_start3A_1304 = tpu.memref_squeeze %dma_start3A_1303 : memref<1x8x128xi32, #tpu.memory_space<vmem>> -> memref<8x128xi32, #tpu.memory_space<vmem>>
        %dma_start3A_1305 = arith.constant 0 : i32
        %dma_start3A_1306 = tpu.memref_slice %arg4[%add3A_1286, %dma_start3A_1305] : memref<2560x128xi32, #tpu.memory_space<hbm>> -> memref<8x128xi32, #tpu.memory_space<hbm>>
        %dma_start3A_1307 = arith.constant 0 : i32
        %dma_start3A_1308 = arith.constant 0 : i32
        %dma_start3A_1309 = tpu.memref_slice %arg10[%dma_start3A_1300, %dma_start3A_1307, %dma_start3A_1308] : memref<2x8x128xi32, #tpu.memory_space<vmem>> -> memref<1x8x128xi32, #tpu.memory_space<vmem>>
        %dma_start3A_1310 = tpu.memref_squeeze %dma_start3A_1309 : memref<1x8x128xi32, #tpu.memory_space<vmem>> -> memref<8x128xi32, #tpu.memory_space<vmem>>
        %dma_start3A_1311 = arith.constant 0 : i32
        %dma_start3A_1312 = tpu.memref_slice %arg4[%add3A_1286, %dma_start3A_1311] : memref<2560x128xi32, #tpu.memory_space<hbm>> -> memref<8x128xi32, #tpu.memory_space<hbm>>
        tpu.enqueue_dma source(%dma_start3A_1312 : memref<8x128xi32, #tpu.memory_space<hbm>>) target(%dma_start3A_1310 : memref<8x128xi32, #tpu.memory_space<vmem>>) target_semaphore(%arg24 : memref<!tpu.dma_semaphore, #tpu.memory_space<semaphore_mem>>)
      } else {
      }
      %dma_start3A_703 = arith.constant 1 : i32
      %dma_start3A_704 = arith.constant 0 : i32
      %dma_start3A_705 = arith.constant 0 : i32
      %dma_start3A_706 = arith.constant 0 : i32
      %dma_start3A_707 = tpu.memref_slice %arg9[%dma_start3A_703, %dma_start3A_705, %dma_start3A_706] : memref<2x8x128xi32, #tpu.memory_space<vmem>> -> memref<1x8x128xi32, #tpu.memory_space<vmem>>
      %dma_start3A_708 = tpu.memref_squeeze %dma_start3A_707 : memref<1x8x128xi32, #tpu.memory_space<vmem>> -> memref<8x128xi32, #tpu.memory_space<vmem>>
      %dma_start3A_709 = arith.constant 0 : i32
      %dma_start3A_710 = tpu.memref_slice %dma_start3A_708[%dma_start3A_704, %dma_start3A_709] : memref<8x128xi32, #tpu.memory_space<vmem>> -> memref<1x128xi32, #tpu.memory_space<vmem>>
      %dma_start3A_711 = tpu.memref_squeeze %dma_start3A_710 : memref<1x128xi32, #tpu.memory_space<vmem>> -> memref<128xi32, #tpu.memory_space<vmem>>
      %dma_start3A_712 = arith.constant 0 : i32
      %dma_start3A_713 = arith.constant 0 : i32
      %dma_start3A_714 = tpu.memref_slice %arg2[%dma_start3A_712, %dma_start3A_713] : memref<80000x128xf32, #tpu.memory_space<hbm>> -> memref<80000x128xf32, #tpu.memory_space<hbm>>
      tpu.enqueue_indirect_dma source(%dma_start3A_714 : memref<80000x128xf32, #tpu.memory_space<hbm>>) target(%arg11 : memref<128x128xf32, #tpu.memory_space<vmem>>) offsets(%dma_start3A_711 : memref<128xi32, #tpu.memory_space<vmem>>) semaphore(%arg16 : memref<!tpu.dma_semaphore, #tpu.memory_space<semaphore_mem>>)
      %dma_wait3A_715 = arith.constant 1 : i32
      %dma_wait3A_716 = arith.constant 0 : i32
      "tpu.trace_start"() <{level = 10 : i32, message = "gwait"}> : () -> ()
      %dma_wait3A_717 = arith.constant 0 : i32
      %dma_wait3A_718 = arith.constant 0 : i32
      %dma_wait3A_719 = tpu.memref_slice %arg9[%dma_wait3A_715, %dma_wait3A_717, %dma_wait3A_718] : memref<2x8x128xi32, #tpu.memory_space<vmem>> -> memref<1x8x128xi32, #tpu.memory_space<vmem>>
      %dma_wait3A_720 = tpu.memref_squeeze %dma_wait3A_719 : memref<1x8x128xi32, #tpu.memory_space<vmem>> -> memref<8x128xi32, #tpu.memory_space<vmem>>
      %dma_wait3A_721 = arith.constant 0 : i32
      %dma_wait3A_722 = tpu.memref_slice %dma_wait3A_720[%dma_wait3A_716, %dma_wait3A_721] : memref<8x128xi32, #tpu.memory_space<vmem>> -> memref<1x128xi32, #tpu.memory_space<vmem>>
      %dma_wait3A_723 = tpu.memref_squeeze %dma_wait3A_722 : memref<1x128xi32, #tpu.memory_space<vmem>> -> memref<128xi32, #tpu.memory_space<vmem>>
      %dma_wait3A_724 = arith.constant 0 : i32
      %dma_wait3A_725 = arith.constant 0 : i32
      %dma_wait3A_726 = tpu.memref_slice %arg2[%dma_wait3A_724, %dma_wait3A_725] : memref<80000x128xf32, #tpu.memory_space<hbm>> -> memref<80000x128xf32, #tpu.memory_space<hbm>>
      tpu.wait_indirect_dma semaphore(%arg16 : memref<!tpu.dma_semaphore, #tpu.memory_space<semaphore_mem>>) src(%dma_wait3A_726 : memref<80000x128xf32, #tpu.memory_space<hbm>>) dst(%arg11 : memref<128x128xf32, #tpu.memory_space<vmem>>)
      %dma_start3A_727 = arith.constant 1 : i32
      %dma_start3A_728 = arith.constant 1 : i32
      "tpu.trace_stop"() : () -> ()
      %dma_start3A_729 = arith.constant 0 : i32
      %dma_start3A_730 = arith.constant 0 : i32
      %dma_start3A_731 = tpu.memref_slice %arg9[%dma_start3A_727, %dma_start3A_729, %dma_start3A_730] : memref<2x8x128xi32, #tpu.memory_space<vmem>> -> memref<1x8x128xi32, #tpu.memory_space<vmem>>
      %dma_start3A_732 = tpu.memref_squeeze %dma_start3A_731 : memref<1x8x128xi32, #tpu.memory_space<vmem>> -> memref<8x128xi32, #tpu.memory_space<vmem>>
      %dma_start3A_733 = arith.constant 0 : i32
      %dma_start3A_734 = tpu.memref_slice %dma_start3A_732[%dma_start3A_728, %dma_start3A_733] : memref<8x128xi32, #tpu.memory_space<vmem>> -> memref<1x128xi32, #tpu.memory_space<vmem>>
      %dma_start3A_735 = tpu.memref_squeeze %dma_start3A_734 : memref<1x128xi32, #tpu.memory_space<vmem>> -> memref<128xi32, #tpu.memory_space<vmem>>
      %dma_start3A_736 = arith.constant 0 : i32
      %dma_start3A_737 = arith.constant 0 : i32
      %dma_start3A_738 = tpu.memref_slice %arg2[%dma_start3A_736, %dma_start3A_737] : memref<80000x128xf32, #tpu.memory_space<hbm>> -> memref<80000x128xf32, #tpu.memory_space<hbm>>
      tpu.enqueue_indirect_dma source(%dma_start3A_738 : memref<80000x128xf32, #tpu.memory_space<hbm>>) target(%arg12 : memref<128x128xf32, #tpu.memory_space<vmem>>) offsets(%dma_start3A_735 : memref<128xi32, #tpu.memory_space<vmem>>) semaphore(%arg17 : memref<!tpu.dma_semaphore, #tpu.memory_space<semaphore_mem>>)
      %dma_start3A_739 = arith.constant 1 : i32
      %dma_start3A_740 = arith.constant 0 : i32
      "tpu.trace_start"() <{level = 10 : i32, message = "scat"}> : () -> ()
      %dma_start3A_741 = arith.constant 0 : i32
      %dma_start3A_742 = arith.constant 0 : i32
      %dma_start3A_743 = tpu.memref_slice %arg10[%dma_start3A_739, %dma_start3A_741, %dma_start3A_742] : memref<2x8x128xi32, #tpu.memory_space<vmem>> -> memref<1x8x128xi32, #tpu.memory_space<vmem>>
      %dma_start3A_744 = tpu.memref_squeeze %dma_start3A_743 : memref<1x8x128xi32, #tpu.memory_space<vmem>> -> memref<8x128xi32, #tpu.memory_space<vmem>>
      %dma_start3A_745 = arith.constant 0 : i32
      %dma_start3A_746 = tpu.memref_slice %dma_start3A_744[%dma_start3A_740, %dma_start3A_745] : memref<8x128xi32, #tpu.memory_space<vmem>> -> memref<1x128xi32, #tpu.memory_space<vmem>>
      %dma_start3A_747 = tpu.memref_squeeze %dma_start3A_746 : memref<1x128xi32, #tpu.memory_space<vmem>> -> memref<128xi32, #tpu.memory_space<vmem>>
      %dma_start3A_748 = arith.constant 0 : i32
      %dma_start3A_749 = arith.constant 0 : i32
      %dma_start3A_750 = tpu.memref_slice %arg14[%dma_start3A_748, %dma_start3A_749] : memref<10112x128xf32, #tpu.memory_space<vmem_shared>> -> memref<10112x128xf32, #tpu.memory_space<vmem_shared>>
      tpu.enqueue_indirect_dma source(%arg11 : memref<128x128xf32, #tpu.memory_space<vmem>>) target(%dma_start3A_750 : memref<10112x128xf32, #tpu.memory_space<vmem_shared>>) offsets(%dma_start3A_747 : memref<128xi32, #tpu.memory_space<vmem>>) semaphore(%arg18 : memref<!tpu.dma_semaphore, #tpu.memory_space<semaphore_mem>>) {add = true}
      %dma_start3A_751 = arith.constant 1 : i32
      %dma_start3A_752 = arith.constant 0 : i32
      %dma_start3A_753 = arith.constant 0 : i32
      %dma_start3A_754 = arith.constant 0 : i32
      %dma_start3A_755 = tpu.memref_slice %arg10[%dma_start3A_751, %dma_start3A_753, %dma_start3A_754] : memref<2x8x128xi32, #tpu.memory_space<vmem>> -> memref<1x8x128xi32, #tpu.memory_space<vmem>>
      %dma_start3A_756 = tpu.memref_squeeze %dma_start3A_755 : memref<1x8x128xi32, #tpu.memory_space<vmem>> -> memref<8x128xi32, #tpu.memory_space<vmem>>
      %dma_start3A_757 = arith.constant 0 : i32
      %dma_start3A_758 = tpu.memref_slice %dma_start3A_756[%dma_start3A_752, %dma_start3A_757] : memref<8x128xi32, #tpu.memory_space<vmem>> -> memref<1x128xi32, #tpu.memory_space<vmem>>
      %dma_start3A_759 = tpu.memref_squeeze %dma_start3A_758 : memref<1x128xi32, #tpu.memory_space<vmem>> -> memref<128xi32, #tpu.memory_space<vmem>>
      %dma_start3A_760 = arith.constant 0 : i32
      %dma_start3A_761 = arith.constant 0 : i32
      %dma_start3A_762 = tpu.memref_slice %arg15[%dma_start3A_760, %dma_start3A_761] : memref<10112x16xf32, #tpu.memory_space<vmem_shared>> -> memref<10112x16xf32, #tpu.memory_space<vmem_shared>>
      tpu.enqueue_indirect_dma source(%arg13 : memref<128x16xf32, #tpu.memory_space<vmem>>) target(%dma_start3A_762 : memref<10112x16xf32, #tpu.memory_space<vmem_shared>>) offsets(%dma_start3A_759 : memref<128xi32, #tpu.memory_space<vmem>>) semaphore(%arg20 : memref<!tpu.dma_semaphore, #tpu.memory_space<semaphore_mem>>) {add = true}
      %dma_wait3A_763 = arith.constant 1 : i32
      %dma_wait3A_764 = arith.constant 1 : i32
      "tpu.trace_stop"() : () -> ()
      "tpu.trace_start"() <{level = 10 : i32, message = "gwait"}> : () -> ()
      %dma_wait3A_765 = arith.constant 0 : i32
      %dma_wait3A_766 = arith.constant 0 : i32
      %dma_wait3A_767 = tpu.memref_slice %arg9[%dma_wait3A_763, %dma_wait3A_765, %dma_wait3A_766] : memref<2x8x128xi32, #tpu.memory_space<vmem>> -> memref<1x8x128xi32, #tpu.memory_space<vmem>>
      %dma_wait3A_768 = tpu.memref_squeeze %dma_wait3A_767 : memref<1x8x128xi32, #tpu.memory_space<vmem>> -> memref<8x128xi32, #tpu.memory_space<vmem>>
      %dma_wait3A_769 = arith.constant 0 : i32
      %dma_wait3A_770 = tpu.memref_slice %dma_wait3A_768[%dma_wait3A_764, %dma_wait3A_769] : memref<8x128xi32, #tpu.memory_space<vmem>> -> memref<1x128xi32, #tpu.memory_space<vmem>>
      %dma_wait3A_771 = tpu.memref_squeeze %dma_wait3A_770 : memref<1x128xi32, #tpu.memory_space<vmem>> -> memref<128xi32, #tpu.memory_space<vmem>>
      %dma_wait3A_772 = arith.constant 0 : i32
      %dma_wait3A_773 = arith.constant 0 : i32
      %dma_wait3A_774 = tpu.memref_slice %arg2[%dma_wait3A_772, %dma_wait3A_773] : memref<80000x128xf32, #tpu.memory_space<hbm>> -> memref<80000x128xf32, #tpu.memory_space<hbm>>
      tpu.wait_indirect_dma semaphore(%arg17 : memref<!tpu.dma_semaphore, #tpu.memory_space<semaphore_mem>>) src(%dma_wait3A_774 : memref<80000x128xf32, #tpu.memory_space<hbm>>) dst(%arg12 : memref<128x128xf32, #tpu.memory_space<vmem>>)
      %dma_wait3A_775 = arith.constant 1 : i32
      %dma_wait3A_776 = arith.constant 0 : i32
      "tpu.trace_stop"() : () -> ()
      "tpu.trace_start"() <{level = 10 : i32, message = "swait"}> : () -> ()
      %dma_wait3A_777 = arith.constant 0 : i32
      %dma_wait3A_778 = arith.constant 0 : i32
      %dma_wait3A_779 = tpu.memref_slice %arg10[%dma_wait3A_775, %dma_wait3A_777, %dma_wait3A_778] : memref<2x8x128xi32, #tpu.memory_space<vmem>> -> memref<1x8x128xi32, #tpu.memory_space<vmem>>
      %dma_wait3A_780 = tpu.memref_squeeze %dma_wait3A_779 : memref<1x8x128xi32, #tpu.memory_space<vmem>> -> memref<8x128xi32, #tpu.memory_space<vmem>>
      %dma_wait3A_781 = arith.constant 0 : i32
      %dma_wait3A_782 = tpu.memref_slice %dma_wait3A_780[%dma_wait3A_776, %dma_wait3A_781] : memref<8x128xi32, #tpu.memory_space<vmem>> -> memref<1x128xi32, #tpu.memory_space<vmem>>
      %dma_wait3A_783 = tpu.memref_squeeze %dma_wait3A_782 : memref<1x128xi32, #tpu.memory_space<vmem>> -> memref<128xi32, #tpu.memory_space<vmem>>
      %dma_wait3A_784 = arith.constant 0 : i32
      %dma_wait3A_785 = arith.constant 0 : i32
      %dma_wait3A_786 = tpu.memref_slice %arg14[%dma_wait3A_784, %dma_wait3A_785] : memref<10112x128xf32, #tpu.memory_space<vmem_shared>> -> memref<10112x128xf32, #tpu.memory_space<vmem_shared>>
      tpu.wait_indirect_dma semaphore(%arg18 : memref<!tpu.dma_semaphore, #tpu.memory_space<semaphore_mem>>) src(%arg11 : memref<128x128xf32, #tpu.memory_space<vmem>>) dst(%dma_wait3A_786 : memref<10112x128xf32, #tpu.memory_space<vmem_shared>>)
      %dma_wait3A_787 = arith.constant 1 : i32
      %dma_wait3A_788 = arith.constant 0 : i32
      %dma_wait3A_789 = arith.constant 0 : i32
      %dma_wait3A_790 = arith.constant 0 : i32
      %dma_wait3A_791 = tpu.memref_slice %arg10[%dma_wait3A_787, %dma_wait3A_789, %dma_wait3A_790] : memref<2x8x128xi32, #tpu.memory_space<vmem>> -> memref<1x8x128xi32, #tpu.memory_space<vmem>>
      %dma_wait3A_792 = tpu.memref_squeeze %dma_wait3A_791 : memref<1x8x128xi32, #tpu.memory_space<vmem>> -> memref<8x128xi32, #tpu.memory_space<vmem>>
      %dma_wait3A_793 = arith.constant 0 : i32
      %dma_wait3A_794 = tpu.memref_slice %dma_wait3A_792[%dma_wait3A_788, %dma_wait3A_793] : memref<8x128xi32, #tpu.memory_space<vmem>> -> memref<1x128xi32, #tpu.memory_space<vmem>>
      %dma_wait3A_795 = tpu.memref_squeeze %dma_wait3A_794 : memref<1x128xi32, #tpu.memory_space<vmem>> -> memref<128xi32, #tpu.memory_space<vmem>>
      %dma_wait3A_796 = arith.constant 0 : i32
      %dma_wait3A_797 = arith.constant 0 : i32
      %dma_wait3A_798 = tpu.memref_slice %arg15[%dma_wait3A_796, %dma_wait3A_797] : memref<10112x16xf32, #tpu.memory_space<vmem_shared>> -> memref<10112x16xf32, #tpu.memory_space<vmem_shared>>
      tpu.wait_indirect_dma semaphore(%arg20 : memref<!tpu.dma_semaphore, #tpu.memory_space<semaphore_mem>>) src(%arg13 : memref<128x16xf32, #tpu.memory_space<vmem>>) dst(%dma_wait3A_798 : memref<10112x16xf32, #tpu.memory_space<vmem_shared>>)
      %dma_start3A_799 = arith.constant 1 : i32
      %dma_start3A_800 = arith.constant 2 : i32
      "tpu.trace_stop"() : () -> ()
      %dma_start3A_801 = arith.constant 0 : i32
      %dma_start3A_802 = arith.constant 0 : i32
      %dma_start3A_803 = tpu.memref_slice %arg9[%dma_start3A_799, %dma_start3A_801, %dma_start3A_802] : memref<2x8x128xi32, #tpu.memory_space<vmem>> -> memref<1x8x128xi32, #tpu.memory_space<vmem>>
      %dma_start3A_804 = tpu.memref_squeeze %dma_start3A_803 : memref<1x8x128xi32, #tpu.memory_space<vmem>> -> memref<8x128xi32, #tpu.memory_space<vmem>>
      %dma_start3A_805 = arith.constant 0 : i32
      %dma_start3A_806 = tpu.memref_slice %dma_start3A_804[%dma_start3A_800, %dma_start3A_805] : memref<8x128xi32, #tpu.memory_space<vmem>> -> memref<1x128xi32, #tpu.memory_space<vmem>>
      %dma_start3A_807 = tpu.memref_squeeze %dma_start3A_806 : memref<1x128xi32, #tpu.memory_space<vmem>> -> memref<128xi32, #tpu.memory_space<vmem>>
      %dma_start3A_808 = arith.constant 0 : i32
      %dma_start3A_809 = arith.constant 0 : i32
      %dma_start3A_810 = tpu.memref_slice %arg2[%dma_start3A_808, %dma_start3A_809] : memref<80000x128xf32, #tpu.memory_space<hbm>> -> memref<80000x128xf32, #tpu.memory_space<hbm>>
      tpu.enqueue_indirect_dma source(%dma_start3A_810 : memref<80000x128xf32, #tpu.memory_space<hbm>>) target(%arg11 : memref<128x128xf32, #tpu.memory_space<vmem>>) offsets(%dma_start3A_807 : memref<128xi32, #tpu.memory_space<vmem>>) semaphore(%arg16 : memref<!tpu.dma_semaphore, #tpu.memory_space<semaphore_mem>>)
      %dma_start3A_811 = arith.constant 1 : i32
      %dma_start3A_812 = arith.constant 1 : i32
      "tpu.trace_start"() <{level = 10 : i32, message = "scat"}> : () -> ()
      %dma_start3A_813 = arith.constant 0 : i32
      %dma_start3A_814 = arith.constant 0 : i32
      %dma_start3A_815 = tpu.memref_slice %arg10[%dma_start3A_811, %dma_start3A_813, %dma_start3A_814] : memref<2x8x128xi32, #tpu.memory_space<vmem>> -> memref<1x8x128xi32, #tpu.memory_space<vmem>>
      %dma_start3A_816 = tpu.memref_squeeze %dma_start3A_815 : memref<1x8x128xi32, #tpu.memory_space<vmem>> -> memref<8x128xi32, #tpu.memory_space<vmem>>
      %dma_start3A_817 = arith.constant 0 : i32
      %dma_start3A_818 = tpu.memref_slice %dma_start3A_816[%dma_start3A_812, %dma_start3A_817] : memref<8x128xi32, #tpu.memory_space<vmem>> -> memref<1x128xi32, #tpu.memory_space<vmem>>
      %dma_start3A_819 = tpu.memref_squeeze %dma_start3A_818 : memref<1x128xi32, #tpu.memory_space<vmem>> -> memref<128xi32, #tpu.memory_space<vmem>>
      %dma_start3A_820 = arith.constant 0 : i32
      %dma_start3A_821 = arith.constant 0 : i32
      %dma_start3A_822 = tpu.memref_slice %arg14[%dma_start3A_820, %dma_start3A_821] : memref<10112x128xf32, #tpu.memory_space<vmem_shared>> -> memref<10112x128xf32, #tpu.memory_space<vmem_shared>>
      tpu.enqueue_indirect_dma source(%arg12 : memref<128x128xf32, #tpu.memory_space<vmem>>) target(%dma_start3A_822 : memref<10112x128xf32, #tpu.memory_space<vmem_shared>>) offsets(%dma_start3A_819 : memref<128xi32, #tpu.memory_space<vmem>>) semaphore(%arg19 : memref<!tpu.dma_semaphore, #tpu.memory_space<semaphore_mem>>) {add = true}
      %dma_start3A_823 = arith.constant 1 : i32
      %dma_start3A_824 = arith.constant 1 : i32
      %dma_start3A_825 = arith.constant 0 : i32
      %dma_start3A_826 = arith.constant 0 : i32
      %dma_start3A_827 = tpu.memref_slice %arg10[%dma_start3A_823, %dma_start3A_825, %dma_start3A_826] : memref<2x8x128xi32, #tpu.memory_space<vmem>> -> memref<1x8x128xi32, #tpu.memory_space<vmem>>
      %dma_start3A_828 = tpu.memref_squeeze %dma_start3A_827 : memref<1x8x128xi32, #tpu.memory_space<vmem>> -> memref<8x128xi32, #tpu.memory_space<vmem>>
      %dma_start3A_829 = arith.constant 0 : i32
      %dma_start3A_830 = tpu.memref_slice %dma_start3A_828[%dma_start3A_824, %dma_start3A_829] : memref<8x128xi32, #tpu.memory_space<vmem>> -> memref<1x128xi32, #tpu.memory_space<vmem>>
      %dma_start3A_831 = tpu.memref_squeeze %dma_start3A_830 : memref<1x128xi32, #tpu.memory_space<vmem>> -> memref<128xi32, #tpu.memory_space<vmem>>
      %dma_start3A_832 = arith.constant 0 : i32
      %dma_start3A_833 = arith.constant 0 : i32
      %dma_start3A_834 = tpu.memref_slice %arg15[%dma_start3A_832, %dma_start3A_833] : memref<10112x16xf32, #tpu.memory_space<vmem_shared>> -> memref<10112x16xf32, #tpu.memory_space<vmem_shared>>
      tpu.enqueue_indirect_dma source(%arg13 : memref<128x16xf32, #tpu.memory_space<vmem>>) target(%dma_start3A_834 : memref<10112x16xf32, #tpu.memory_space<vmem_shared>>) offsets(%dma_start3A_831 : memref<128xi32, #tpu.memory_space<vmem>>) semaphore(%arg21 : memref<!tpu.dma_semaphore, #tpu.memory_space<semaphore_mem>>) {add = true}
      %dma_wait3A_835 = arith.constant 1 : i32
      %dma_wait3A_836 = arith.constant 2 : i32
      "tpu.trace_stop"() : () -> ()
      "tpu.trace_start"() <{level = 10 : i32, message = "gwait"}> : () -> ()
      %dma_wait3A_837 = arith.constant 0 : i32
      %dma_wait3A_838 = arith.constant 0 : i32
      %dma_wait3A_839 = tpu.memref_slice %arg9[%dma_wait3A_835, %dma_wait3A_837, %dma_wait3A_838] : memref<2x8x128xi32, #tpu.memory_space<vmem>> -> memref<1x8x128xi32, #tpu.memory_space<vmem>>
      %dma_wait3A_840 = tpu.memref_squeeze %dma_wait3A_839 : memref<1x8x128xi32, #tpu.memory_space<vmem>> -> memref<8x128xi32, #tpu.memory_space<vmem>>
      %dma_wait3A_841 = arith.constant 0 : i32
      %dma_wait3A_842 = tpu.memref_slice %dma_wait3A_840[%dma_wait3A_836, %dma_wait3A_841] : memref<8x128xi32, #tpu.memory_space<vmem>> -> memref<1x128xi32, #tpu.memory_space<vmem>>
      %dma_wait3A_843 = tpu.memref_squeeze %dma_wait3A_842 : memref<1x128xi32, #tpu.memory_space<vmem>> -> memref<128xi32, #tpu.memory_space<vmem>>
      %dma_wait3A_844 = arith.constant 0 : i32
      %dma_wait3A_845 = arith.constant 0 : i32
      %dma_wait3A_846 = tpu.memref_slice %arg2[%dma_wait3A_844, %dma_wait3A_845] : memref<80000x128xf32, #tpu.memory_space<hbm>> -> memref<80000x128xf32, #tpu.memory_space<hbm>>
      tpu.wait_indirect_dma semaphore(%arg16 : memref<!tpu.dma_semaphore, #tpu.memory_space<semaphore_mem>>) src(%dma_wait3A_846 : memref<80000x128xf32, #tpu.memory_space<hbm>>) dst(%arg11 : memref<128x128xf32, #tpu.memory_space<vmem>>)
      %dma_wait3A_847 = arith.constant 1 : i32
      %dma_wait3A_848 = arith.constant 1 : i32
      "tpu.trace_stop"() : () -> ()
      "tpu.trace_start"() <{level = 10 : i32, message = "swait"}> : () -> ()
      %dma_wait3A_849 = arith.constant 0 : i32
      %dma_wait3A_850 = arith.constant 0 : i32
      %dma_wait3A_851 = tpu.memref_slice %arg10[%dma_wait3A_847, %dma_wait3A_849, %dma_wait3A_850] : memref<2x8x128xi32, #tpu.memory_space<vmem>> -> memref<1x8x128xi32, #tpu.memory_space<vmem>>
      %dma_wait3A_852 = tpu.memref_squeeze %dma_wait3A_851 : memref<1x8x128xi32, #tpu.memory_space<vmem>> -> memref<8x128xi32, #tpu.memory_space<vmem>>
      %dma_wait3A_853 = arith.constant 0 : i32
      %dma_wait3A_854 = tpu.memref_slice %dma_wait3A_852[%dma_wait3A_848, %dma_wait3A_853] : memref<8x128xi32, #tpu.memory_space<vmem>> -> memref<1x128xi32, #tpu.memory_space<vmem>>
      %dma_wait3A_855 = tpu.memref_squeeze %dma_wait3A_854 : memref<1x128xi32, #tpu.memory_space<vmem>> -> memref<128xi32, #tpu.memory_space<vmem>>
      %dma_wait3A_856 = arith.constant 0 : i32
      %dma_wait3A_857 = arith.constant 0 : i32
      %dma_wait3A_858 = tpu.memref_slice %arg14[%dma_wait3A_856, %dma_wait3A_857] : memref<10112x128xf32, #tpu.memory_space<vmem_shared>> -> memref<10112x128xf32, #tpu.memory_space<vmem_shared>>
      tpu.wait_indirect_dma semaphore(%arg19 : memref<!tpu.dma_semaphore, #tpu.memory_space<semaphore_mem>>) src(%arg12 : memref<128x128xf32, #tpu.memory_space<vmem>>) dst(%dma_wait3A_858 : memref<10112x128xf32, #tpu.memory_space<vmem_shared>>)
      %dma_wait3A_859 = arith.constant 1 : i32
      %dma_wait3A_860 = arith.constant 1 : i32
      %dma_wait3A_861 = arith.constant 0 : i32
      %dma_wait3A_862 = arith.constant 0 : i32
      %dma_wait3A_863 = tpu.memref_slice %arg10[%dma_wait3A_859, %dma_wait3A_861, %dma_wait3A_862] : memref<2x8x128xi32, #tpu.memory_space<vmem>> -> memref<1x8x128xi32, #tpu.memory_space<vmem>>
      %dma_wait3A_864 = tpu.memref_squeeze %dma_wait3A_863 : memref<1x8x128xi32, #tpu.memory_space<vmem>> -> memref<8x128xi32, #tpu.memory_space<vmem>>
      %dma_wait3A_865 = arith.constant 0 : i32
      %dma_wait3A_866 = tpu.memref_slice %dma_wait3A_864[%dma_wait3A_860, %dma_wait3A_865] : memref<8x128xi32, #tpu.memory_space<vmem>> -> memref<1x128xi32, #tpu.memory_space<vmem>>
      %dma_wait3A_867 = tpu.memref_squeeze %dma_wait3A_866 : memref<1x128xi32, #tpu.memory_space<vmem>> -> memref<128xi32, #tpu.memory_space<vmem>>
      %dma_wait3A_868 = arith.constant 0 : i32
      %dma_wait3A_869 = arith.constant 0 : i32
      %dma_wait3A_870 = tpu.memref_slice %arg15[%dma_wait3A_868, %dma_wait3A_869] : memref<10112x16xf32, #tpu.memory_space<vmem_shared>> -> memref<10112x16xf32, #tpu.memory_space<vmem_shared>>
      tpu.wait_indirect_dma semaphore(%arg21 : memref<!tpu.dma_semaphore, #tpu.memory_space<semaphore_mem>>) src(%arg13 : memref<128x16xf32, #tpu.memory_space<vmem>>) dst(%dma_wait3A_870 : memref<10112x16xf32, #tpu.memory_space<vmem_shared>>)
      %dma_start3A_871 = arith.constant 1 : i32
      %dma_start3A_872 = arith.constant 3 : i32
      "tpu.trace_stop"() : () -> ()
      %dma_start3A_873 = arith.constant 0 : i32
      %dma_start3A_874 = arith.constant 0 : i32
      %dma_start3A_875 = tpu.memref_slice %arg9[%dma_start3A_871, %dma_start3A_873, %dma_start3A_874] : memref<2x8x128xi32, #tpu.memory_space<vmem>> -> memref<1x8x128xi32, #tpu.memory_space<vmem>>
      %dma_start3A_876 = tpu.memref_squeeze %dma_start3A_875 : memref<1x8x128xi32, #tpu.memory_space<vmem>> -> memref<8x128xi32, #tpu.memory_space<vmem>>
      %dma_start3A_877 = arith.constant 0 : i32
      %dma_start3A_878 = tpu.memref_slice %dma_start3A_876[%dma_start3A_872, %dma_start3A_877] : memref<8x128xi32, #tpu.memory_space<vmem>> -> memref<1x128xi32, #tpu.memory_space<vmem>>
      %dma_start3A_879 = tpu.memref_squeeze %dma_start3A_878 : memref<1x128xi32, #tpu.memory_space<vmem>> -> memref<128xi32, #tpu.memory_space<vmem>>
      %dma_start3A_880 = arith.constant 0 : i32
      %dma_start3A_881 = arith.constant 0 : i32
      %dma_start3A_882 = tpu.memref_slice %arg2[%dma_start3A_880, %dma_start3A_881] : memref<80000x128xf32, #tpu.memory_space<hbm>> -> memref<80000x128xf32, #tpu.memory_space<hbm>>
      tpu.enqueue_indirect_dma source(%dma_start3A_882 : memref<80000x128xf32, #tpu.memory_space<hbm>>) target(%arg12 : memref<128x128xf32, #tpu.memory_space<vmem>>) offsets(%dma_start3A_879 : memref<128xi32, #tpu.memory_space<vmem>>) semaphore(%arg17 : memref<!tpu.dma_semaphore, #tpu.memory_space<semaphore_mem>>)
      %dma_start3A_883 = arith.constant 1 : i32
      %dma_start3A_884 = arith.constant 2 : i32
      "tpu.trace_start"() <{level = 10 : i32, message = "scat"}> : () -> ()
      %dma_start3A_885 = arith.constant 0 : i32
      %dma_start3A_886 = arith.constant 0 : i32
      %dma_start3A_887 = tpu.memref_slice %arg10[%dma_start3A_883, %dma_start3A_885, %dma_start3A_886] : memref<2x8x128xi32, #tpu.memory_space<vmem>> -> memref<1x8x128xi32, #tpu.memory_space<vmem>>
      %dma_start3A_888 = tpu.memref_squeeze %dma_start3A_887 : memref<1x8x128xi32, #tpu.memory_space<vmem>> -> memref<8x128xi32, #tpu.memory_space<vmem>>
      %dma_start3A_889 = arith.constant 0 : i32
      %dma_start3A_890 = tpu.memref_slice %dma_start3A_888[%dma_start3A_884, %dma_start3A_889] : memref<8x128xi32, #tpu.memory_space<vmem>> -> memref<1x128xi32, #tpu.memory_space<vmem>>
      %dma_start3A_891 = tpu.memref_squeeze %dma_start3A_890 : memref<1x128xi32, #tpu.memory_space<vmem>> -> memref<128xi32, #tpu.memory_space<vmem>>
      %dma_start3A_892 = arith.constant 0 : i32
      %dma_start3A_893 = arith.constant 0 : i32
      %dma_start3A_894 = tpu.memref_slice %arg14[%dma_start3A_892, %dma_start3A_893] : memref<10112x128xf32, #tpu.memory_space<vmem_shared>> -> memref<10112x128xf32, #tpu.memory_space<vmem_shared>>
      tpu.enqueue_indirect_dma source(%arg11 : memref<128x128xf32, #tpu.memory_space<vmem>>) target(%dma_start3A_894 : memref<10112x128xf32, #tpu.memory_space<vmem_shared>>) offsets(%dma_start3A_891 : memref<128xi32, #tpu.memory_space<vmem>>) semaphore(%arg18 : memref<!tpu.dma_semaphore, #tpu.memory_space<semaphore_mem>>) {add = true}
      %dma_start3A_895 = arith.constant 1 : i32
      %dma_start3A_896 = arith.constant 2 : i32
      %dma_start3A_897 = arith.constant 0 : i32
      %dma_start3A_898 = arith.constant 0 : i32
      %dma_start3A_899 = tpu.memref_slice %arg10[%dma_start3A_895, %dma_start3A_897, %dma_start3A_898] : memref<2x8x128xi32, #tpu.memory_space<vmem>> -> memref<1x8x128xi32, #tpu.memory_space<vmem>>
      %dma_start3A_900 = tpu.memref_squeeze %dma_start3A_899 : memref<1x8x128xi32, #tpu.memory_space<vmem>> -> memref<8x128xi32, #tpu.memory_space<vmem>>
      %dma_start3A_901 = arith.constant 0 : i32
      %dma_start3A_902 = tpu.memref_slice %dma_start3A_900[%dma_start3A_896, %dma_start3A_901] : memref<8x128xi32, #tpu.memory_space<vmem>> -> memref<1x128xi32, #tpu.memory_space<vmem>>
      %dma_start3A_903 = tpu.memref_squeeze %dma_start3A_902 : memref<1x128xi32, #tpu.memory_space<vmem>> -> memref<128xi32, #tpu.memory_space<vmem>>
      %dma_start3A_904 = arith.constant 0 : i32
      %dma_start3A_905 = arith.constant 0 : i32
      %dma_start3A_906 = tpu.memref_slice %arg15[%dma_start3A_904, %dma_start3A_905] : memref<10112x16xf32, #tpu.memory_space<vmem_shared>> -> memref<10112x16xf32, #tpu.memory_space<vmem_shared>>
      tpu.enqueue_indirect_dma source(%arg13 : memref<128x16xf32, #tpu.memory_space<vmem>>) target(%dma_start3A_906 : memref<10112x16xf32, #tpu.memory_space<vmem_shared>>) offsets(%dma_start3A_903 : memref<128xi32, #tpu.memory_space<vmem>>) semaphore(%arg20 : memref<!tpu.dma_semaphore, #tpu.memory_space<semaphore_mem>>) {add = true}
      %dma_wait3A_907 = arith.constant 1 : i32
      %dma_wait3A_908 = arith.constant 3 : i32
      "tpu.trace_stop"() : () -> ()
      "tpu.trace_start"() <{level = 10 : i32, message = "gwait"}> : () -> ()
      %dma_wait3A_909 = arith.constant 0 : i32
      %dma_wait3A_910 = arith.constant 0 : i32
      %dma_wait3A_911 = tpu.memref_slice %arg9[%dma_wait3A_907, %dma_wait3A_909, %dma_wait3A_910] : memref<2x8x128xi32, #tpu.memory_space<vmem>> -> memref<1x8x128xi32, #tpu.memory_space<vmem>>
      %dma_wait3A_912 = tpu.memref_squeeze %dma_wait3A_911 : memref<1x8x128xi32, #tpu.memory_space<vmem>> -> memref<8x128xi32, #tpu.memory_space<vmem>>
      %dma_wait3A_913 = arith.constant 0 : i32
      %dma_wait3A_914 = tpu.memref_slice %dma_wait3A_912[%dma_wait3A_908, %dma_wait3A_913] : memref<8x128xi32, #tpu.memory_space<vmem>> -> memref<1x128xi32, #tpu.memory_space<vmem>>
      %dma_wait3A_915 = tpu.memref_squeeze %dma_wait3A_914 : memref<1x128xi32, #tpu.memory_space<vmem>> -> memref<128xi32, #tpu.memory_space<vmem>>
      %dma_wait3A_916 = arith.constant 0 : i32
      %dma_wait3A_917 = arith.constant 0 : i32
      %dma_wait3A_918 = tpu.memref_slice %arg2[%dma_wait3A_916, %dma_wait3A_917] : memref<80000x128xf32, #tpu.memory_space<hbm>> -> memref<80000x128xf32, #tpu.memory_space<hbm>>
      tpu.wait_indirect_dma semaphore(%arg17 : memref<!tpu.dma_semaphore, #tpu.memory_space<semaphore_mem>>) src(%dma_wait3A_918 : memref<80000x128xf32, #tpu.memory_space<hbm>>) dst(%arg12 : memref<128x128xf32, #tpu.memory_space<vmem>>)
      %dma_wait3A_919 = arith.constant 1 : i32
      %dma_wait3A_920 = arith.constant 2 : i32
      "tpu.trace_stop"() : () -> ()
      "tpu.trace_start"() <{level = 10 : i32, message = "swait"}> : () -> ()
      %dma_wait3A_921 = arith.constant 0 : i32
      %dma_wait3A_922 = arith.constant 0 : i32
      %dma_wait3A_923 = tpu.memref_slice %arg10[%dma_wait3A_919, %dma_wait3A_921, %dma_wait3A_922] : memref<2x8x128xi32, #tpu.memory_space<vmem>> -> memref<1x8x128xi32, #tpu.memory_space<vmem>>
      %dma_wait3A_924 = tpu.memref_squeeze %dma_wait3A_923 : memref<1x8x128xi32, #tpu.memory_space<vmem>> -> memref<8x128xi32, #tpu.memory_space<vmem>>
      %dma_wait3A_925 = arith.constant 0 : i32
      %dma_wait3A_926 = tpu.memref_slice %dma_wait3A_924[%dma_wait3A_920, %dma_wait3A_925] : memref<8x128xi32, #tpu.memory_space<vmem>> -> memref<1x128xi32, #tpu.memory_space<vmem>>
      %dma_wait3A_927 = tpu.memref_squeeze %dma_wait3A_926 : memref<1x128xi32, #tpu.memory_space<vmem>> -> memref<128xi32, #tpu.memory_space<vmem>>
      %dma_wait3A_928 = arith.constant 0 : i32
      %dma_wait3A_929 = arith.constant 0 : i32
      %dma_wait3A_930 = tpu.memref_slice %arg14[%dma_wait3A_928, %dma_wait3A_929] : memref<10112x128xf32, #tpu.memory_space<vmem_shared>> -> memref<10112x128xf32, #tpu.memory_space<vmem_shared>>
      tpu.wait_indirect_dma semaphore(%arg18 : memref<!tpu.dma_semaphore, #tpu.memory_space<semaphore_mem>>) src(%arg11 : memref<128x128xf32, #tpu.memory_space<vmem>>) dst(%dma_wait3A_930 : memref<10112x128xf32, #tpu.memory_space<vmem_shared>>)
      %dma_wait3A_931 = arith.constant 1 : i32
      %dma_wait3A_932 = arith.constant 2 : i32
      %dma_wait3A_933 = arith.constant 0 : i32
      %dma_wait3A_934 = arith.constant 0 : i32
      %dma_wait3A_935 = tpu.memref_slice %arg10[%dma_wait3A_931, %dma_wait3A_933, %dma_wait3A_934] : memref<2x8x128xi32, #tpu.memory_space<vmem>> -> memref<1x8x128xi32, #tpu.memory_space<vmem>>
      %dma_wait3A_936 = tpu.memref_squeeze %dma_wait3A_935 : memref<1x8x128xi32, #tpu.memory_space<vmem>> -> memref<8x128xi32, #tpu.memory_space<vmem>>
      %dma_wait3A_937 = arith.constant 0 : i32
      %dma_wait3A_938 = tpu.memref_slice %dma_wait3A_936[%dma_wait3A_932, %dma_wait3A_937] : memref<8x128xi32, #tpu.memory_space<vmem>> -> memref<1x128xi32, #tpu.memory_space<vmem>>
      %dma_wait3A_939 = tpu.memref_squeeze %dma_wait3A_938 : memref<1x128xi32, #tpu.memory_space<vmem>> -> memref<128xi32, #tpu.memory_space<vmem>>
      %dma_wait3A_940 = arith.constant 0 : i32
      %dma_wait3A_941 = arith.constant 0 : i32
      %dma_wait3A_942 = tpu.memref_slice %arg15[%dma_wait3A_940, %dma_wait3A_941] : memref<10112x16xf32, #tpu.memory_space<vmem_shared>> -> memref<10112x16xf32, #tpu.memory_space<vmem_shared>>
      tpu.wait_indirect_dma semaphore(%arg20 : memref<!tpu.dma_semaphore, #tpu.memory_space<semaphore_mem>>) src(%arg13 : memref<128x16xf32, #tpu.memory_space<vmem>>) dst(%dma_wait3A_942 : memref<10112x16xf32, #tpu.memory_space<vmem_shared>>)
      %dma_start3A_943 = arith.constant 1 : i32
      %dma_start3A_944 = arith.constant 4 : i32
      "tpu.trace_stop"() : () -> ()
      %dma_start3A_945 = arith.constant 0 : i32
      %dma_start3A_946 = arith.constant 0 : i32
      %dma_start3A_947 = tpu.memref_slice %arg9[%dma_start3A_943, %dma_start3A_945, %dma_start3A_946] : memref<2x8x128xi32, #tpu.memory_space<vmem>> -> memref<1x8x128xi32, #tpu.memory_space<vmem>>
      %dma_start3A_948 = tpu.memref_squeeze %dma_start3A_947 : memref<1x8x128xi32, #tpu.memory_space<vmem>> -> memref<8x128xi32, #tpu.memory_space<vmem>>
      %dma_start3A_949 = arith.constant 0 : i32
      %dma_start3A_950 = tpu.memref_slice %dma_start3A_948[%dma_start3A_944, %dma_start3A_949] : memref<8x128xi32, #tpu.memory_space<vmem>> -> memref<1x128xi32, #tpu.memory_space<vmem>>
      %dma_start3A_951 = tpu.memref_squeeze %dma_start3A_950 : memref<1x128xi32, #tpu.memory_space<vmem>> -> memref<128xi32, #tpu.memory_space<vmem>>
      %dma_start3A_952 = arith.constant 0 : i32
      %dma_start3A_953 = arith.constant 0 : i32
      %dma_start3A_954 = tpu.memref_slice %arg2[%dma_start3A_952, %dma_start3A_953] : memref<80000x128xf32, #tpu.memory_space<hbm>> -> memref<80000x128xf32, #tpu.memory_space<hbm>>
      tpu.enqueue_indirect_dma source(%dma_start3A_954 : memref<80000x128xf32, #tpu.memory_space<hbm>>) target(%arg11 : memref<128x128xf32, #tpu.memory_space<vmem>>) offsets(%dma_start3A_951 : memref<128xi32, #tpu.memory_space<vmem>>) semaphore(%arg16 : memref<!tpu.dma_semaphore, #tpu.memory_space<semaphore_mem>>)
      %dma_start3A_955 = arith.constant 1 : i32
      %dma_start3A_956 = arith.constant 3 : i32
      "tpu.trace_start"() <{level = 10 : i32, message = "scat"}> : () -> ()
      %dma_start3A_957 = arith.constant 0 : i32
      %dma_start3A_958 = arith.constant 0 : i32
      %dma_start3A_959 = tpu.memref_slice %arg10[%dma_start3A_955, %dma_start3A_957, %dma_start3A_958] : memref<2x8x128xi32, #tpu.memory_space<vmem>> -> memref<1x8x128xi32, #tpu.memory_space<vmem>>
      %dma_start3A_960 = tpu.memref_squeeze %dma_start3A_959 : memref<1x8x128xi32, #tpu.memory_space<vmem>> -> memref<8x128xi32, #tpu.memory_space<vmem>>
      %dma_start3A_961 = arith.constant 0 : i32
      %dma_start3A_962 = tpu.memref_slice %dma_start3A_960[%dma_start3A_956, %dma_start3A_961] : memref<8x128xi32, #tpu.memory_space<vmem>> -> memref<1x128xi32, #tpu.memory_space<vmem>>
      %dma_start3A_963 = tpu.memref_squeeze %dma_start3A_962 : memref<1x128xi32, #tpu.memory_space<vmem>> -> memref<128xi32, #tpu.memory_space<vmem>>
      %dma_start3A_964 = arith.constant 0 : i32
      %dma_start3A_965 = arith.constant 0 : i32
      %dma_start3A_966 = tpu.memref_slice %arg14[%dma_start3A_964, %dma_start3A_965] : memref<10112x128xf32, #tpu.memory_space<vmem_shared>> -> memref<10112x128xf32, #tpu.memory_space<vmem_shared>>
      tpu.enqueue_indirect_dma source(%arg12 : memref<128x128xf32, #tpu.memory_space<vmem>>) target(%dma_start3A_966 : memref<10112x128xf32, #tpu.memory_space<vmem_shared>>) offsets(%dma_start3A_963 : memref<128xi32, #tpu.memory_space<vmem>>) semaphore(%arg19 : memref<!tpu.dma_semaphore, #tpu.memory_space<semaphore_mem>>) {add = true}
      %dma_start3A_967 = arith.constant 1 : i32
      %dma_start3A_968 = arith.constant 3 : i32
      %dma_start3A_969 = arith.constant 0 : i32
      %dma_start3A_970 = arith.constant 0 : i32
      %dma_start3A_971 = tpu.memref_slice %arg10[%dma_start3A_967, %dma_start3A_969, %dma_start3A_970] : memref<2x8x128xi32, #tpu.memory_space<vmem>> -> memref<1x8x128xi32, #tpu.memory_space<vmem>>
      %dma_start3A_972 = tpu.memref_squeeze %dma_start3A_971 : memref<1x8x128xi32, #tpu.memory_space<vmem>> -> memref<8x128xi32, #tpu.memory_space<vmem>>
      %dma_start3A_973 = arith.constant 0 : i32
      %dma_start3A_974 = tpu.memref_slice %dma_start3A_972[%dma_start3A_968, %dma_start3A_973] : memref<8x128xi32, #tpu.memory_space<vmem>> -> memref<1x128xi32, #tpu.memory_space<vmem>>
      %dma_start3A_975 = tpu.memref_squeeze %dma_start3A_974 : memref<1x128xi32, #tpu.memory_space<vmem>> -> memref<128xi32, #tpu.memory_space<vmem>>
      %dma_start3A_976 = arith.constant 0 : i32
      %dma_start3A_977 = arith.constant 0 : i32
      %dma_start3A_978 = tpu.memref_slice %arg15[%dma_start3A_976, %dma_start3A_977] : memref<10112x16xf32, #tpu.memory_space<vmem_shared>> -> memref<10112x16xf32, #tpu.memory_space<vmem_shared>>
      tpu.enqueue_indirect_dma source(%arg13 : memref<128x16xf32, #tpu.memory_space<vmem>>) target(%dma_start3A_978 : memref<10112x16xf32, #tpu.memory_space<vmem_shared>>) offsets(%dma_start3A_975 : memref<128xi32, #tpu.memory_space<vmem>>) semaphore(%arg21 : memref<!tpu.dma_semaphore, #tpu.memory_space<semaphore_mem>>) {add = true}
      %dma_wait3A_979 = arith.constant 1 : i32
      %dma_wait3A_980 = arith.constant 4 : i32
      "tpu.trace_stop"() : () -> ()
      "tpu.trace_start"() <{level = 10 : i32, message = "gwait"}> : () -> ()
      %dma_wait3A_981 = arith.constant 0 : i32
      %dma_wait3A_982 = arith.constant 0 : i32
      %dma_wait3A_983 = tpu.memref_slice %arg9[%dma_wait3A_979, %dma_wait3A_981, %dma_wait3A_982] : memref<2x8x128xi32, #tpu.memory_space<vmem>> -> memref<1x8x128xi32, #tpu.memory_space<vmem>>
      %dma_wait3A_984 = tpu.memref_squeeze %dma_wait3A_983 : memref<1x8x128xi32, #tpu.memory_space<vmem>> -> memref<8x128xi32, #tpu.memory_space<vmem>>
      %dma_wait3A_985 = arith.constant 0 : i32
      %dma_wait3A_986 = tpu.memref_slice %dma_wait3A_984[%dma_wait3A_980, %dma_wait3A_985] : memref<8x128xi32, #tpu.memory_space<vmem>> -> memref<1x128xi32, #tpu.memory_space<vmem>>
      %dma_wait3A_987 = tpu.memref_squeeze %dma_wait3A_986 : memref<1x128xi32, #tpu.memory_space<vmem>> -> memref<128xi32, #tpu.memory_space<vmem>>
      %dma_wait3A_988 = arith.constant 0 : i32
      %dma_wait3A_989 = arith.constant 0 : i32
      %dma_wait3A_990 = tpu.memref_slice %arg2[%dma_wait3A_988, %dma_wait3A_989] : memref<80000x128xf32, #tpu.memory_space<hbm>> -> memref<80000x128xf32, #tpu.memory_space<hbm>>
      tpu.wait_indirect_dma semaphore(%arg16 : memref<!tpu.dma_semaphore, #tpu.memory_space<semaphore_mem>>) src(%dma_wait3A_990 : memref<80000x128xf32, #tpu.memory_space<hbm>>) dst(%arg11 : memref<128x128xf32, #tpu.memory_space<vmem>>)
      %dma_wait3A_991 = arith.constant 1 : i32
      %dma_wait3A_992 = arith.constant 3 : i32
      "tpu.trace_stop"() : () -> ()
      "tpu.trace_start"() <{level = 10 : i32, message = "swait"}> : () -> ()
      %dma_wait3A_993 = arith.constant 0 : i32
      %dma_wait3A_994 = arith.constant 0 : i32
      %dma_wait3A_995 = tpu.memref_slice %arg10[%dma_wait3A_991, %dma_wait3A_993, %dma_wait3A_994] : memref<2x8x128xi32, #tpu.memory_space<vmem>> -> memref<1x8x128xi32, #tpu.memory_space<vmem>>
      %dma_wait3A_996 = tpu.memref_squeeze %dma_wait3A_995 : memref<1x8x128xi32, #tpu.memory_space<vmem>> -> memref<8x128xi32, #tpu.memory_space<vmem>>
      %dma_wait3A_997 = arith.constant 0 : i32
      %dma_wait3A_998 = tpu.memref_slice %dma_wait3A_996[%dma_wait3A_992, %dma_wait3A_997] : memref<8x128xi32, #tpu.memory_space<vmem>> -> memref<1x128xi32, #tpu.memory_space<vmem>>
      %dma_wait3A_999 = tpu.memref_squeeze %dma_wait3A_998 : memref<1x128xi32, #tpu.memory_space<vmem>> -> memref<128xi32, #tpu.memory_space<vmem>>
      %dma_wait3A_1000 = arith.constant 0 : i32
      %dma_wait3A_1001 = arith.constant 0 : i32
      %dma_wait3A_1002 = tpu.memref_slice %arg14[%dma_wait3A_1000, %dma_wait3A_1001] : memref<10112x128xf32, #tpu.memory_space<vmem_shared>> -> memref<10112x128xf32, #tpu.memory_space<vmem_shared>>
      tpu.wait_indirect_dma semaphore(%arg19 : memref<!tpu.dma_semaphore, #tpu.memory_space<semaphore_mem>>) src(%arg12 : memref<128x128xf32, #tpu.memory_space<vmem>>) dst(%dma_wait3A_1002 : memref<10112x128xf32, #tpu.memory_space<vmem_shared>>)
      %dma_wait3A_1003 = arith.constant 1 : i32
      %dma_wait3A_1004 = arith.constant 3 : i32
      %dma_wait3A_1005 = arith.constant 0 : i32
      %dma_wait3A_1006 = arith.constant 0 : i32
      %dma_wait3A_1007 = tpu.memref_slice %arg10[%dma_wait3A_1003, %dma_wait3A_1005, %dma_wait3A_1006] : memref<2x8x128xi32, #tpu.memory_space<vmem>> -> memref<1x8x128xi32, #tpu.memory_space<vmem>>
      %dma_wait3A_1008 = tpu.memref_squeeze %dma_wait3A_1007 : memref<1x8x128xi32, #tpu.memory_space<vmem>> -> memref<8x128xi32, #tpu.memory_space<vmem>>
      %dma_wait3A_1009 = arith.constant 0 : i32
      %dma_wait3A_1010 = tpu.memref_slice %dma_wait3A_1008[%dma_wait3A_1004, %dma_wait3A_1009] : memref<8x128xi32, #tpu.memory_space<vmem>> -> memref<1x128xi32, #tpu.memory_space<vmem>>
      %dma_wait3A_1011 = tpu.memref_squeeze %dma_wait3A_1010 : memref<1x128xi32, #tpu.memory_space<vmem>> -> memref<128xi32, #tpu.memory_space<vmem>>
      %dma_wait3A_1012 = arith.constant 0 : i32
      %dma_wait3A_1013 = arith.constant 0 : i32
      %dma_wait3A_1014 = tpu.memref_slice %arg15[%dma_wait3A_1012, %dma_wait3A_1013] : memref<10112x16xf32, #tpu.memory_space<vmem_shared>> -> memref<10112x16xf32, #tpu.memory_space<vmem_shared>>
      tpu.wait_indirect_dma semaphore(%arg21 : memref<!tpu.dma_semaphore, #tpu.memory_space<semaphore_mem>>) src(%arg13 : memref<128x16xf32, #tpu.memory_space<vmem>>) dst(%dma_wait3A_1014 : memref<10112x16xf32, #tpu.memory_space<vmem_shared>>)
      %dma_start3A_1015 = arith.constant 1 : i32
      %dma_start3A_1016 = arith.constant 5 : i32
      "tpu.trace_stop"() : () -> ()
      %dma_start3A_1017 = arith.constant 0 : i32
      %dma_start3A_1018 = arith.constant 0 : i32
      %dma_start3A_1019 = tpu.memref_slice %arg9[%dma_start3A_1015, %dma_start3A_1017, %dma_start3A_1018] : memref<2x8x128xi32, #tpu.memory_space<vmem>> -> memref<1x8x128xi32, #tpu.memory_space<vmem>>
      %dma_start3A_1020 = tpu.memref_squeeze %dma_start3A_1019 : memref<1x8x128xi32, #tpu.memory_space<vmem>> -> memref<8x128xi32, #tpu.memory_space<vmem>>
      %dma_start3A_1021 = arith.constant 0 : i32
      %dma_start3A_1022 = tpu.memref_slice %dma_start3A_1020[%dma_start3A_1016, %dma_start3A_1021] : memref<8x128xi32, #tpu.memory_space<vmem>> -> memref<1x128xi32, #tpu.memory_space<vmem>>
      %dma_start3A_1023 = tpu.memref_squeeze %dma_start3A_1022 : memref<1x128xi32, #tpu.memory_space<vmem>> -> memref<128xi32, #tpu.memory_space<vmem>>
      %dma_start3A_1024 = arith.constant 0 : i32
      %dma_start3A_1025 = arith.constant 0 : i32
      %dma_start3A_1026 = tpu.memref_slice %arg2[%dma_start3A_1024, %dma_start3A_1025] : memref<80000x128xf32, #tpu.memory_space<hbm>> -> memref<80000x128xf32, #tpu.memory_space<hbm>>
      tpu.enqueue_indirect_dma source(%dma_start3A_1026 : memref<80000x128xf32, #tpu.memory_space<hbm>>) target(%arg12 : memref<128x128xf32, #tpu.memory_space<vmem>>) offsets(%dma_start3A_1023 : memref<128xi32, #tpu.memory_space<vmem>>) semaphore(%arg17 : memref<!tpu.dma_semaphore, #tpu.memory_space<semaphore_mem>>)
      %dma_start3A_1027 = arith.constant 1 : i32
      %dma_start3A_1028 = arith.constant 4 : i32
      "tpu.trace_start"() <{level = 10 : i32, message = "scat"}> : () -> ()
      %dma_start3A_1029 = arith.constant 0 : i32
      %dma_start3A_1030 = arith.constant 0 : i32
      %dma_start3A_1031 = tpu.memref_slice %arg10[%dma_start3A_1027, %dma_start3A_1029, %dma_start3A_1030] : memref<2x8x128xi32, #tpu.memory_space<vmem>> -> memref<1x8x128xi32, #tpu.memory_space<vmem>>
      %dma_start3A_1032 = tpu.memref_squeeze %dma_start3A_1031 : memref<1x8x128xi32, #tpu.memory_space<vmem>> -> memref<8x128xi32, #tpu.memory_space<vmem>>
      %dma_start3A_1033 = arith.constant 0 : i32
      %dma_start3A_1034 = tpu.memref_slice %dma_start3A_1032[%dma_start3A_1028, %dma_start3A_1033] : memref<8x128xi32, #tpu.memory_space<vmem>> -> memref<1x128xi32, #tpu.memory_space<vmem>>
      %dma_start3A_1035 = tpu.memref_squeeze %dma_start3A_1034 : memref<1x128xi32, #tpu.memory_space<vmem>> -> memref<128xi32, #tpu.memory_space<vmem>>
      %dma_start3A_1036 = arith.constant 0 : i32
      %dma_start3A_1037 = arith.constant 0 : i32
      %dma_start3A_1038 = tpu.memref_slice %arg14[%dma_start3A_1036, %dma_start3A_1037] : memref<10112x128xf32, #tpu.memory_space<vmem_shared>> -> memref<10112x128xf32, #tpu.memory_space<vmem_shared>>
      tpu.enqueue_indirect_dma source(%arg11 : memref<128x128xf32, #tpu.memory_space<vmem>>) target(%dma_start3A_1038 : memref<10112x128xf32, #tpu.memory_space<vmem_shared>>) offsets(%dma_start3A_1035 : memref<128xi32, #tpu.memory_space<vmem>>) semaphore(%arg18 : memref<!tpu.dma_semaphore, #tpu.memory_space<semaphore_mem>>) {add = true}
      %dma_start3A_1039 = arith.constant 1 : i32
      %dma_start3A_1040 = arith.constant 4 : i32
      %dma_start3A_1041 = arith.constant 0 : i32
      %dma_start3A_1042 = arith.constant 0 : i32
      %dma_start3A_1043 = tpu.memref_slice %arg10[%dma_start3A_1039, %dma_start3A_1041, %dma_start3A_1042] : memref<2x8x128xi32, #tpu.memory_space<vmem>> -> memref<1x8x128xi32, #tpu.memory_space<vmem>>
      %dma_start3A_1044 = tpu.memref_squeeze %dma_start3A_1043 : memref<1x8x128xi32, #tpu.memory_space<vmem>> -> memref<8x128xi32, #tpu.memory_space<vmem>>
      %dma_start3A_1045 = arith.constant 0 : i32
      %dma_start3A_1046 = tpu.memref_slice %dma_start3A_1044[%dma_start3A_1040, %dma_start3A_1045] : memref<8x128xi32, #tpu.memory_space<vmem>> -> memref<1x128xi32, #tpu.memory_space<vmem>>
      %dma_start3A_1047 = tpu.memref_squeeze %dma_start3A_1046 : memref<1x128xi32, #tpu.memory_space<vmem>> -> memref<128xi32, #tpu.memory_space<vmem>>
      %dma_start3A_1048 = arith.constant 0 : i32
      %dma_start3A_1049 = arith.constant 0 : i32
      %dma_start3A_1050 = tpu.memref_slice %arg15[%dma_start3A_1048, %dma_start3A_1049] : memref<10112x16xf32, #tpu.memory_space<vmem_shared>> -> memref<10112x16xf32, #tpu.memory_space<vmem_shared>>
      tpu.enqueue_indirect_dma source(%arg13 : memref<128x16xf32, #tpu.memory_space<vmem>>) target(%dma_start3A_1050 : memref<10112x16xf32, #tpu.memory_space<vmem_shared>>) offsets(%dma_start3A_1047 : memref<128xi32, #tpu.memory_space<vmem>>) semaphore(%arg20 : memref<!tpu.dma_semaphore, #tpu.memory_space<semaphore_mem>>) {add = true}
      %dma_wait3A_1051 = arith.constant 1 : i32
      %dma_wait3A_1052 = arith.constant 5 : i32
      "tpu.trace_stop"() : () -> ()
      "tpu.trace_start"() <{level = 10 : i32, message = "gwait"}> : () -> ()
      %dma_wait3A_1053 = arith.constant 0 : i32
      %dma_wait3A_1054 = arith.constant 0 : i32
      %dma_wait3A_1055 = tpu.memref_slice %arg9[%dma_wait3A_1051, %dma_wait3A_1053, %dma_wait3A_1054] : memref<2x8x128xi32, #tpu.memory_space<vmem>> -> memref<1x8x128xi32, #tpu.memory_space<vmem>>
      %dma_wait3A_1056 = tpu.memref_squeeze %dma_wait3A_1055 : memref<1x8x128xi32, #tpu.memory_space<vmem>> -> memref<8x128xi32, #tpu.memory_space<vmem>>
      %dma_wait3A_1057 = arith.constant 0 : i32
      %dma_wait3A_1058 = tpu.memref_slice %dma_wait3A_1056[%dma_wait3A_1052, %dma_wait3A_1057] : memref<8x128xi32, #tpu.memory_space<vmem>> -> memref<1x128xi32, #tpu.memory_space<vmem>>
      %dma_wait3A_1059 = tpu.memref_squeeze %dma_wait3A_1058 : memref<1x128xi32, #tpu.memory_space<vmem>> -> memref<128xi32, #tpu.memory_space<vmem>>
      %dma_wait3A_1060 = arith.constant 0 : i32
      %dma_wait3A_1061 = arith.constant 0 : i32
      %dma_wait3A_1062 = tpu.memref_slice %arg2[%dma_wait3A_1060, %dma_wait3A_1061] : memref<80000x128xf32, #tpu.memory_space<hbm>> -> memref<80000x128xf32, #tpu.memory_space<hbm>>
      tpu.wait_indirect_dma semaphore(%arg17 : memref<!tpu.dma_semaphore, #tpu.memory_space<semaphore_mem>>) src(%dma_wait3A_1062 : memref<80000x128xf32, #tpu.memory_space<hbm>>) dst(%arg12 : memref<128x128xf32, #tpu.memory_space<vmem>>)
      %dma_wait3A_1063 = arith.constant 1 : i32
      %dma_wait3A_1064 = arith.constant 4 : i32
      "tpu.trace_stop"() : () -> ()
      "tpu.trace_start"() <{level = 10 : i32, message = "swait"}> : () -> ()
      %dma_wait3A_1065 = arith.constant 0 : i32
      %dma_wait3A_1066 = arith.constant 0 : i32
      %dma_wait3A_1067 = tpu.memref_slice %arg10[%dma_wait3A_1063, %dma_wait3A_1065, %dma_wait3A_1066] : memref<2x8x128xi32, #tpu.memory_space<vmem>> -> memref<1x8x128xi32, #tpu.memory_space<vmem>>
      %dma_wait3A_1068 = tpu.memref_squeeze %dma_wait3A_1067 : memref<1x8x128xi32, #tpu.memory_space<vmem>> -> memref<8x128xi32, #tpu.memory_space<vmem>>
      %dma_wait3A_1069 = arith.constant 0 : i32
      %dma_wait3A_1070 = tpu.memref_slice %dma_wait3A_1068[%dma_wait3A_1064, %dma_wait3A_1069] : memref<8x128xi32, #tpu.memory_space<vmem>> -> memref<1x128xi32, #tpu.memory_space<vmem>>
      %dma_wait3A_1071 = tpu.memref_squeeze %dma_wait3A_1070 : memref<1x128xi32, #tpu.memory_space<vmem>> -> memref<128xi32, #tpu.memory_space<vmem>>
      %dma_wait3A_1072 = arith.constant 0 : i32
      %dma_wait3A_1073 = arith.constant 0 : i32
      %dma_wait3A_1074 = tpu.memref_slice %arg14[%dma_wait3A_1072, %dma_wait3A_1073] : memref<10112x128xf32, #tpu.memory_space<vmem_shared>> -> memref<10112x128xf32, #tpu.memory_space<vmem_shared>>
      tpu.wait_indirect_dma semaphore(%arg18 : memref<!tpu.dma_semaphore, #tpu.memory_space<semaphore_mem>>) src(%arg11 : memref<128x128xf32, #tpu.memory_space<vmem>>) dst(%dma_wait3A_1074 : memref<10112x128xf32, #tpu.memory_space<vmem_shared>>)
      %dma_wait3A_1075 = arith.constant 1 : i32
      %dma_wait3A_1076 = arith.constant 4 : i32
      %dma_wait3A_1077 = arith.constant 0 : i32
      %dma_wait3A_1078 = arith.constant 0 : i32
      %dma_wait3A_1079 = tpu.memref_slice %arg10[%dma_wait3A_1075, %dma_wait3A_1077, %dma_wait3A_1078] : memref<2x8x128xi32, #tpu.memory_space<vmem>> -> memref<1x8x128xi32, #tpu.memory_space<vmem>>
      %dma_wait3A_1080 = tpu.memref_squeeze %dma_wait3A_1079 : memref<1x8x128xi32, #tpu.memory_space<vmem>> -> memref<8x128xi32, #tpu.memory_space<vmem>>
      %dma_wait3A_1081 = arith.constant 0 : i32
      %dma_wait3A_1082 = tpu.memref_slice %dma_wait3A_1080[%dma_wait3A_1076, %dma_wait3A_1081] : memref<8x128xi32, #tpu.memory_space<vmem>> -> memref<1x128xi32, #tpu.memory_space<vmem>>
      %dma_wait3A_1083 = tpu.memref_squeeze %dma_wait3A_1082 : memref<1x128xi32, #tpu.memory_space<vmem>> -> memref<128xi32, #tpu.memory_space<vmem>>
      %dma_wait3A_1084 = arith.constant 0 : i32
      %dma_wait3A_1085 = arith.constant 0 : i32
      %dma_wait3A_1086 = tpu.memref_slice %arg15[%dma_wait3A_1084, %dma_wait3A_1085] : memref<10112x16xf32, #tpu.memory_space<vmem_shared>> -> memref<10112x16xf32, #tpu.memory_space<vmem_shared>>
      tpu.wait_indirect_dma semaphore(%arg20 : memref<!tpu.dma_semaphore, #tpu.memory_space<semaphore_mem>>) src(%arg13 : memref<128x16xf32, #tpu.memory_space<vmem>>) dst(%dma_wait3A_1086 : memref<10112x16xf32, #tpu.memory_space<vmem_shared>>)
      %dma_start3A_1087 = arith.constant 1 : i32
      %dma_start3A_1088 = arith.constant 6 : i32
      "tpu.trace_stop"() : () -> ()
      %dma_start3A_1089 = arith.constant 0 : i32
      %dma_start3A_1090 = arith.constant 0 : i32
      %dma_start3A_1091 = tpu.memref_slice %arg9[%dma_start3A_1087, %dma_start3A_1089, %dma_start3A_1090] : memref<2x8x128xi32, #tpu.memory_space<vmem>> -> memref<1x8x128xi32, #tpu.memory_space<vmem>>
      %dma_start3A_1092 = tpu.memref_squeeze %dma_start3A_1091 : memref<1x8x128xi32, #tpu.memory_space<vmem>> -> memref<8x128xi32, #tpu.memory_space<vmem>>
      %dma_start3A_1093 = arith.constant 0 : i32
      %dma_start3A_1094 = tpu.memref_slice %dma_start3A_1092[%dma_start3A_1088, %dma_start3A_1093] : memref<8x128xi32, #tpu.memory_space<vmem>> -> memref<1x128xi32, #tpu.memory_space<vmem>>
      %dma_start3A_1095 = tpu.memref_squeeze %dma_start3A_1094 : memref<1x128xi32, #tpu.memory_space<vmem>> -> memref<128xi32, #tpu.memory_space<vmem>>
      %dma_start3A_1096 = arith.constant 0 : i32
      %dma_start3A_1097 = arith.constant 0 : i32
      %dma_start3A_1098 = tpu.memref_slice %arg2[%dma_start3A_1096, %dma_start3A_1097] : memref<80000x128xf32, #tpu.memory_space<hbm>> -> memref<80000x128xf32, #tpu.memory_space<hbm>>
      tpu.enqueue_indirect_dma source(%dma_start3A_1098 : memref<80000x128xf32, #tpu.memory_space<hbm>>) target(%arg11 : memref<128x128xf32, #tpu.memory_space<vmem>>) offsets(%dma_start3A_1095 : memref<128xi32, #tpu.memory_space<vmem>>) semaphore(%arg16 : memref<!tpu.dma_semaphore, #tpu.memory_space<semaphore_mem>>)
      %dma_start3A_1099 = arith.constant 1 : i32
      %dma_start3A_1100 = arith.constant 5 : i32
      "tpu.trace_start"() <{level = 10 : i32, message = "scat"}> : () -> ()
      %dma_start3A_1101 = arith.constant 0 : i32
      %dma_start3A_1102 = arith.constant 0 : i32
      %dma_start3A_1103 = tpu.memref_slice %arg10[%dma_start3A_1099, %dma_start3A_1101, %dma_start3A_1102] : memref<2x8x128xi32, #tpu.memory_space<vmem>> -> memref<1x8x128xi32, #tpu.memory_space<vmem>>
      %dma_start3A_1104 = tpu.memref_squeeze %dma_start3A_1103 : memref<1x8x128xi32, #tpu.memory_space<vmem>> -> memref<8x128xi32, #tpu.memory_space<vmem>>
      %dma_start3A_1105 = arith.constant 0 : i32
      %dma_start3A_1106 = tpu.memref_slice %dma_start3A_1104[%dma_start3A_1100, %dma_start3A_1105] : memref<8x128xi32, #tpu.memory_space<vmem>> -> memref<1x128xi32, #tpu.memory_space<vmem>>
      %dma_start3A_1107 = tpu.memref_squeeze %dma_start3A_1106 : memref<1x128xi32, #tpu.memory_space<vmem>> -> memref<128xi32, #tpu.memory_space<vmem>>
      %dma_start3A_1108 = arith.constant 0 : i32
      %dma_start3A_1109 = arith.constant 0 : i32
      %dma_start3A_1110 = tpu.memref_slice %arg14[%dma_start3A_1108, %dma_start3A_1109] : memref<10112x128xf32, #tpu.memory_space<vmem_shared>> -> memref<10112x128xf32, #tpu.memory_space<vmem_shared>>
      tpu.enqueue_indirect_dma source(%arg12 : memref<128x128xf32, #tpu.memory_space<vmem>>) target(%dma_start3A_1110 : memref<10112x128xf32, #tpu.memory_space<vmem_shared>>) offsets(%dma_start3A_1107 : memref<128xi32, #tpu.memory_space<vmem>>) semaphore(%arg19 : memref<!tpu.dma_semaphore, #tpu.memory_space<semaphore_mem>>) {add = true}
      %dma_start3A_1111 = arith.constant 1 : i32
      %dma_start3A_1112 = arith.constant 5 : i32
      %dma_start3A_1113 = arith.constant 0 : i32
      %dma_start3A_1114 = arith.constant 0 : i32
      %dma_start3A_1115 = tpu.memref_slice %arg10[%dma_start3A_1111, %dma_start3A_1113, %dma_start3A_1114] : memref<2x8x128xi32, #tpu.memory_space<vmem>> -> memref<1x8x128xi32, #tpu.memory_space<vmem>>
      %dma_start3A_1116 = tpu.memref_squeeze %dma_start3A_1115 : memref<1x8x128xi32, #tpu.memory_space<vmem>> -> memref<8x128xi32, #tpu.memory_space<vmem>>
      %dma_start3A_1117 = arith.constant 0 : i32
      %dma_start3A_1118 = tpu.memref_slice %dma_start3A_1116[%dma_start3A_1112, %dma_start3A_1117] : memref<8x128xi32, #tpu.memory_space<vmem>> -> memref<1x128xi32, #tpu.memory_space<vmem>>
      %dma_start3A_1119 = tpu.memref_squeeze %dma_start3A_1118 : memref<1x128xi32, #tpu.memory_space<vmem>> -> memref<128xi32, #tpu.memory_space<vmem>>
      %dma_start3A_1120 = arith.constant 0 : i32
      %dma_start3A_1121 = arith.constant 0 : i32
      %dma_start3A_1122 = tpu.memref_slice %arg15[%dma_start3A_1120, %dma_start3A_1121] : memref<10112x16xf32, #tpu.memory_space<vmem_shared>> -> memref<10112x16xf32, #tpu.memory_space<vmem_shared>>
      tpu.enqueue_indirect_dma source(%arg13 : memref<128x16xf32, #tpu.memory_space<vmem>>) target(%dma_start3A_1122 : memref<10112x16xf32, #tpu.memory_space<vmem_shared>>) offsets(%dma_start3A_1119 : memref<128xi32, #tpu.memory_space<vmem>>) semaphore(%arg21 : memref<!tpu.dma_semaphore, #tpu.memory_space<semaphore_mem>>) {add = true}
      %dma_wait3A_1123 = arith.constant 1 : i32
      %dma_wait3A_1124 = arith.constant 6 : i32
      "tpu.trace_stop"() : () -> ()
      "tpu.trace_start"() <{level = 10 : i32, message = "gwait"}> : () -> ()
      %dma_wait3A_1125 = arith.constant 0 : i32
      %dma_wait3A_1126 = arith.constant 0 : i32
      %dma_wait3A_1127 = tpu.memref_slice %arg9[%dma_wait3A_1123, %dma_wait3A_1125, %dma_wait3A_1126] : memref<2x8x128xi32, #tpu.memory_space<vmem>> -> memref<1x8x128xi32, #tpu.memory_space<vmem>>
      %dma_wait3A_1128 = tpu.memref_squeeze %dma_wait3A_1127 : memref<1x8x128xi32, #tpu.memory_space<vmem>> -> memref<8x128xi32, #tpu.memory_space<vmem>>
      %dma_wait3A_1129 = arith.constant 0 : i32
      %dma_wait3A_1130 = tpu.memref_slice %dma_wait3A_1128[%dma_wait3A_1124, %dma_wait3A_1129] : memref<8x128xi32, #tpu.memory_space<vmem>> -> memref<1x128xi32, #tpu.memory_space<vmem>>
      %dma_wait3A_1131 = tpu.memref_squeeze %dma_wait3A_1130 : memref<1x128xi32, #tpu.memory_space<vmem>> -> memref<128xi32, #tpu.memory_space<vmem>>
      %dma_wait3A_1132 = arith.constant 0 : i32
      %dma_wait3A_1133 = arith.constant 0 : i32
      %dma_wait3A_1134 = tpu.memref_slice %arg2[%dma_wait3A_1132, %dma_wait3A_1133] : memref<80000x128xf32, #tpu.memory_space<hbm>> -> memref<80000x128xf32, #tpu.memory_space<hbm>>
      tpu.wait_indirect_dma semaphore(%arg16 : memref<!tpu.dma_semaphore, #tpu.memory_space<semaphore_mem>>) src(%dma_wait3A_1134 : memref<80000x128xf32, #tpu.memory_space<hbm>>) dst(%arg11 : memref<128x128xf32, #tpu.memory_space<vmem>>)
      %dma_wait3A_1135 = arith.constant 1 : i32
      %dma_wait3A_1136 = arith.constant 5 : i32
      "tpu.trace_stop"() : () -> ()
      "tpu.trace_start"() <{level = 10 : i32, message = "swait"}> : () -> ()
      %dma_wait3A_1137 = arith.constant 0 : i32
      %dma_wait3A_1138 = arith.constant 0 : i32
      %dma_wait3A_1139 = tpu.memref_slice %arg10[%dma_wait3A_1135, %dma_wait3A_1137, %dma_wait3A_1138] : memref<2x8x128xi32, #tpu.memory_space<vmem>> -> memref<1x8x128xi32, #tpu.memory_space<vmem>>
      %dma_wait3A_1140 = tpu.memref_squeeze %dma_wait3A_1139 : memref<1x8x128xi32, #tpu.memory_space<vmem>> -> memref<8x128xi32, #tpu.memory_space<vmem>>
      %dma_wait3A_1141 = arith.constant 0 : i32
      %dma_wait3A_1142 = tpu.memref_slice %dma_wait3A_1140[%dma_wait3A_1136, %dma_wait3A_1141] : memref<8x128xi32, #tpu.memory_space<vmem>> -> memref<1x128xi32, #tpu.memory_space<vmem>>
      %dma_wait3A_1143 = tpu.memref_squeeze %dma_wait3A_1142 : memref<1x128xi32, #tpu.memory_space<vmem>> -> memref<128xi32, #tpu.memory_space<vmem>>
      %dma_wait3A_1144 = arith.constant 0 : i32
      %dma_wait3A_1145 = arith.constant 0 : i32
      %dma_wait3A_1146 = tpu.memref_slice %arg14[%dma_wait3A_1144, %dma_wait3A_1145] : memref<10112x128xf32, #tpu.memory_space<vmem_shared>> -> memref<10112x128xf32, #tpu.memory_space<vmem_shared>>
      tpu.wait_indirect_dma semaphore(%arg19 : memref<!tpu.dma_semaphore, #tpu.memory_space<semaphore_mem>>) src(%arg12 : memref<128x128xf32, #tpu.memory_space<vmem>>) dst(%dma_wait3A_1146 : memref<10112x128xf32, #tpu.memory_space<vmem_shared>>)
      %dma_wait3A_1147 = arith.constant 1 : i32
      %dma_wait3A_1148 = arith.constant 5 : i32
      %dma_wait3A_1149 = arith.constant 0 : i32
      %dma_wait3A_1150 = arith.constant 0 : i32
      %dma_wait3A_1151 = tpu.memref_slice %arg10[%dma_wait3A_1147, %dma_wait3A_1149, %dma_wait3A_1150] : memref<2x8x128xi32, #tpu.memory_space<vmem>> -> memref<1x8x128xi32, #tpu.memory_space<vmem>>
      %dma_wait3A_1152 = tpu.memref_squeeze %dma_wait3A_1151 : memref<1x8x128xi32, #tpu.memory_space<vmem>> -> memref<8x128xi32, #tpu.memory_space<vmem>>
      %dma_wait3A_1153 = arith.constant 0 : i32
      %dma_wait3A_1154 = tpu.memref_slice %dma_wait3A_1152[%dma_wait3A_1148, %dma_wait3A_1153] : memref<8x128xi32, #tpu.memory_space<vmem>> -> memref<1x128xi32, #tpu.memory_space<vmem>>
      %dma_wait3A_1155 = tpu.memref_squeeze %dma_wait3A_1154 : memref<1x128xi32, #tpu.memory_space<vmem>> -> memref<128xi32, #tpu.memory_space<vmem>>
      %dma_wait3A_1156 = arith.constant 0 : i32
      %dma_wait3A_1157 = arith.constant 0 : i32
      %dma_wait3A_1158 = tpu.memref_slice %arg15[%dma_wait3A_1156, %dma_wait3A_1157] : memref<10112x16xf32, #tpu.memory_space<vmem_shared>> -> memref<10112x16xf32, #tpu.memory_space<vmem_shared>>
      tpu.wait_indirect_dma semaphore(%arg21 : memref<!tpu.dma_semaphore, #tpu.memory_space<semaphore_mem>>) src(%arg13 : memref<128x16xf32, #tpu.memory_space<vmem>>) dst(%dma_wait3A_1158 : memref<10112x16xf32, #tpu.memory_space<vmem_shared>>)
      %dma_start3A_1159 = arith.constant 1 : i32
      %dma_start3A_1160 = arith.constant 7 : i32
      "tpu.trace_stop"() : () -> ()
      %dma_start3A_1161 = arith.constant 0 : i32
      %dma_start3A_1162 = arith.constant 0 : i32
      %dma_start3A_1163 = tpu.memref_slice %arg9[%dma_start3A_1159, %dma_start3A_1161, %dma_start3A_1162] : memref<2x8x128xi32, #tpu.memory_space<vmem>> -> memref<1x8x128xi32, #tpu.memory_space<vmem>>
      %dma_start3A_1164 = tpu.memref_squeeze %dma_start3A_1163 : memref<1x8x128xi32, #tpu.memory_space<vmem>> -> memref<8x128xi32, #tpu.memory_space<vmem>>
      %dma_start3A_1165 = arith.constant 0 : i32
      %dma_start3A_1166 = tpu.memref_slice %dma_start3A_1164[%dma_start3A_1160, %dma_start3A_1165] : memref<8x128xi32, #tpu.memory_space<vmem>> -> memref<1x128xi32, #tpu.memory_space<vmem>>
      %dma_start3A_1167 = tpu.memref_squeeze %dma_start3A_1166 : memref<1x128xi32, #tpu.memory_space<vmem>> -> memref<128xi32, #tpu.memory_space<vmem>>
      %dma_start3A_1168 = arith.constant 0 : i32
      %dma_start3A_1169 = arith.constant 0 : i32
      %dma_start3A_1170 = tpu.memref_slice %arg2[%dma_start3A_1168, %dma_start3A_1169] : memref<80000x128xf32, #tpu.memory_space<hbm>> -> memref<80000x128xf32, #tpu.memory_space<hbm>>
      tpu.enqueue_indirect_dma source(%dma_start3A_1170 : memref<80000x128xf32, #tpu.memory_space<hbm>>) target(%arg12 : memref<128x128xf32, #tpu.memory_space<vmem>>) offsets(%dma_start3A_1167 : memref<128xi32, #tpu.memory_space<vmem>>) semaphore(%arg17 : memref<!tpu.dma_semaphore, #tpu.memory_space<semaphore_mem>>)
      %dma_start3A_1171 = arith.constant 1 : i32
      %dma_start3A_1172 = arith.constant 6 : i32
      "tpu.trace_start"() <{level = 10 : i32, message = "scat"}> : () -> ()
      %dma_start3A_1173 = arith.constant 0 : i32
      %dma_start3A_1174 = arith.constant 0 : i32
      %dma_start3A_1175 = tpu.memref_slice %arg10[%dma_start3A_1171, %dma_start3A_1173, %dma_start3A_1174] : memref<2x8x128xi32, #tpu.memory_space<vmem>> -> memref<1x8x128xi32, #tpu.memory_space<vmem>>
      %dma_start3A_1176 = tpu.memref_squeeze %dma_start3A_1175 : memref<1x8x128xi32, #tpu.memory_space<vmem>> -> memref<8x128xi32, #tpu.memory_space<vmem>>
      %dma_start3A_1177 = arith.constant 0 : i32
      %dma_start3A_1178 = tpu.memref_slice %dma_start3A_1176[%dma_start3A_1172, %dma_start3A_1177] : memref<8x128xi32, #tpu.memory_space<vmem>> -> memref<1x128xi32, #tpu.memory_space<vmem>>
      %dma_start3A_1179 = tpu.memref_squeeze %dma_start3A_1178 : memref<1x128xi32, #tpu.memory_space<vmem>> -> memref<128xi32, #tpu.memory_space<vmem>>
      %dma_start3A_1180 = arith.constant 0 : i32
      %dma_start3A_1181 = arith.constant 0 : i32
      %dma_start3A_1182 = tpu.memref_slice %arg14[%dma_start3A_1180, %dma_start3A_1181] : memref<10112x128xf32, #tpu.memory_space<vmem_shared>> -> memref<10112x128xf32, #tpu.memory_space<vmem_shared>>
      tpu.enqueue_indirect_dma source(%arg11 : memref<128x128xf32, #tpu.memory_space<vmem>>) target(%dma_start3A_1182 : memref<10112x128xf32, #tpu.memory_space<vmem_shared>>) offsets(%dma_start3A_1179 : memref<128xi32, #tpu.memory_space<vmem>>) semaphore(%arg18 : memref<!tpu.dma_semaphore, #tpu.memory_space<semaphore_mem>>) {add = true}
      %dma_start3A_1183 = arith.constant 1 : i32
      %dma_start3A_1184 = arith.constant 6 : i32
      %dma_start3A_1185 = arith.constant 0 : i32
      %dma_start3A_1186 = arith.constant 0 : i32
      %dma_start3A_1187 = tpu.memref_slice %arg10[%dma_start3A_1183, %dma_start3A_1185, %dma_start3A_1186] : memref<2x8x128xi32, #tpu.memory_space<vmem>> -> memref<1x8x128xi32, #tpu.memory_space<vmem>>
      %dma_start3A_1188 = tpu.memref_squeeze %dma_start3A_1187 : memref<1x8x128xi32, #tpu.memory_space<vmem>> -> memref<8x128xi32, #tpu.memory_space<vmem>>
      %dma_start3A_1189 = arith.constant 0 : i32
      %dma_start3A_1190 = tpu.memref_slice %dma_start3A_1188[%dma_start3A_1184, %dma_start3A_1189] : memref<8x128xi32, #tpu.memory_space<vmem>> -> memref<1x128xi32, #tpu.memory_space<vmem>>
      %dma_start3A_1191 = tpu.memref_squeeze %dma_start3A_1190 : memref<1x128xi32, #tpu.memory_space<vmem>> -> memref<128xi32, #tpu.memory_space<vmem>>
      %dma_start3A_1192 = arith.constant 0 : i32
      %dma_start3A_1193 = arith.constant 0 : i32
      %dma_start3A_1194 = tpu.memref_slice %arg15[%dma_start3A_1192, %dma_start3A_1193] : memref<10112x16xf32, #tpu.memory_space<vmem_shared>> -> memref<10112x16xf32, #tpu.memory_space<vmem_shared>>
      tpu.enqueue_indirect_dma source(%arg13 : memref<128x16xf32, #tpu.memory_space<vmem>>) target(%dma_start3A_1194 : memref<10112x16xf32, #tpu.memory_space<vmem_shared>>) offsets(%dma_start3A_1191 : memref<128xi32, #tpu.memory_space<vmem>>) semaphore(%arg20 : memref<!tpu.dma_semaphore, #tpu.memory_space<semaphore_mem>>) {add = true}
      %dma_wait3A_1195 = arith.constant 1 : i32
      %dma_wait3A_1196 = arith.constant 7 : i32
      "tpu.trace_stop"() : () -> ()
      "tpu.trace_start"() <{level = 10 : i32, message = "gwait"}> : () -> ()
      %dma_wait3A_1197 = arith.constant 0 : i32
      %dma_wait3A_1198 = arith.constant 0 : i32
      %dma_wait3A_1199 = tpu.memref_slice %arg9[%dma_wait3A_1195, %dma_wait3A_1197, %dma_wait3A_1198] : memref<2x8x128xi32, #tpu.memory_space<vmem>> -> memref<1x8x128xi32, #tpu.memory_space<vmem>>
      %dma_wait3A_1200 = tpu.memref_squeeze %dma_wait3A_1199 : memref<1x8x128xi32, #tpu.memory_space<vmem>> -> memref<8x128xi32, #tpu.memory_space<vmem>>
      %dma_wait3A_1201 = arith.constant 0 : i32
      %dma_wait3A_1202 = tpu.memref_slice %dma_wait3A_1200[%dma_wait3A_1196, %dma_wait3A_1201] : memref<8x128xi32, #tpu.memory_space<vmem>> -> memref<1x128xi32, #tpu.memory_space<vmem>>
      %dma_wait3A_1203 = tpu.memref_squeeze %dma_wait3A_1202 : memref<1x128xi32, #tpu.memory_space<vmem>> -> memref<128xi32, #tpu.memory_space<vmem>>
      %dma_wait3A_1204 = arith.constant 0 : i32
      %dma_wait3A_1205 = arith.constant 0 : i32
      %dma_wait3A_1206 = tpu.memref_slice %arg2[%dma_wait3A_1204, %dma_wait3A_1205] : memref<80000x128xf32, #tpu.memory_space<hbm>> -> memref<80000x128xf32, #tpu.memory_space<hbm>>
      tpu.wait_indirect_dma semaphore(%arg17 : memref<!tpu.dma_semaphore, #tpu.memory_space<semaphore_mem>>) src(%dma_wait3A_1206 : memref<80000x128xf32, #tpu.memory_space<hbm>>) dst(%arg12 : memref<128x128xf32, #tpu.memory_space<vmem>>)
      %dma_start3A_1207 = arith.constant 1 : i32
      %dma_start3A_1208 = arith.constant 7 : i32
      "tpu.trace_stop"() : () -> ()
      "tpu.trace_start"() <{level = 10 : i32, message = "scat"}> : () -> ()
      %dma_start3A_1209 = arith.constant 0 : i32
      %dma_start3A_1210 = arith.constant 0 : i32
      %dma_start3A_1211 = tpu.memref_slice %arg10[%dma_start3A_1207, %dma_start3A_1209, %dma_start3A_1210] : memref<2x8x128xi32, #tpu.memory_space<vmem>> -> memref<1x8x128xi32, #tpu.memory_space<vmem>>
      %dma_start3A_1212 = tpu.memref_squeeze %dma_start3A_1211 : memref<1x8x128xi32, #tpu.memory_space<vmem>> -> memref<8x128xi32, #tpu.memory_space<vmem>>
      %dma_start3A_1213 = arith.constant 0 : i32
      %dma_start3A_1214 = tpu.memref_slice %dma_start3A_1212[%dma_start3A_1208, %dma_start3A_1213] : memref<8x128xi32, #tpu.memory_space<vmem>> -> memref<1x128xi32, #tpu.memory_space<vmem>>
      %dma_start3A_1215 = tpu.memref_squeeze %dma_start3A_1214 : memref<1x128xi32, #tpu.memory_space<vmem>> -> memref<128xi32, #tpu.memory_space<vmem>>
      %dma_start3A_1216 = arith.constant 0 : i32
      %dma_start3A_1217 = arith.constant 0 : i32
      %dma_start3A_1218 = tpu.memref_slice %arg14[%dma_start3A_1216, %dma_start3A_1217] : memref<10112x128xf32, #tpu.memory_space<vmem_shared>> -> memref<10112x128xf32, #tpu.memory_space<vmem_shared>>
      tpu.enqueue_indirect_dma source(%arg12 : memref<128x128xf32, #tpu.memory_space<vmem>>) target(%dma_start3A_1218 : memref<10112x128xf32, #tpu.memory_space<vmem_shared>>) offsets(%dma_start3A_1215 : memref<128xi32, #tpu.memory_space<vmem>>) semaphore(%arg19 : memref<!tpu.dma_semaphore, #tpu.memory_space<semaphore_mem>>) {add = true}
      %dma_start3A_1219 = arith.constant 1 : i32
      %dma_start3A_1220 = arith.constant 7 : i32
      %dma_start3A_1221 = arith.constant 0 : i32
      %dma_start3A_1222 = arith.constant 0 : i32
      %dma_start3A_1223 = tpu.memref_slice %arg10[%dma_start3A_1219, %dma_start3A_1221, %dma_start3A_1222] : memref<2x8x128xi32, #tpu.memory_space<vmem>> -> memref<1x8x128xi32, #tpu.memory_space<vmem>>
      %dma_start3A_1224 = tpu.memref_squeeze %dma_start3A_1223 : memref<1x8x128xi32, #tpu.memory_space<vmem>> -> memref<8x128xi32, #tpu.memory_space<vmem>>
      %dma_start3A_1225 = arith.constant 0 : i32
      %dma_start3A_1226 = tpu.memref_slice %dma_start3A_1224[%dma_start3A_1220, %dma_start3A_1225] : memref<8x128xi32, #tpu.memory_space<vmem>> -> memref<1x128xi32, #tpu.memory_space<vmem>>
      %dma_start3A_1227 = tpu.memref_squeeze %dma_start3A_1226 : memref<1x128xi32, #tpu.memory_space<vmem>> -> memref<128xi32, #tpu.memory_space<vmem>>
      %dma_start3A_1228 = arith.constant 0 : i32
      %dma_start3A_1229 = arith.constant 0 : i32
      %dma_start3A_1230 = tpu.memref_slice %arg15[%dma_start3A_1228, %dma_start3A_1229] : memref<10112x16xf32, #tpu.memory_space<vmem_shared>> -> memref<10112x16xf32, #tpu.memory_space<vmem_shared>>
      tpu.enqueue_indirect_dma source(%arg13 : memref<128x16xf32, #tpu.memory_space<vmem>>) target(%dma_start3A_1230 : memref<10112x16xf32, #tpu.memory_space<vmem_shared>>) offsets(%dma_start3A_1227 : memref<128xi32, #tpu.memory_space<vmem>>) semaphore(%arg21 : memref<!tpu.dma_semaphore, #tpu.memory_space<semaphore_mem>>) {add = true}
      %dma_wait3A_1231 = arith.constant 1 : i32
      %dma_wait3A_1232 = arith.constant 6 : i32
      "tpu.trace_stop"() : () -> ()
      "tpu.trace_start"() <{level = 10 : i32, message = "drain"}> : () -> ()
      %dma_wait3A_1233 = arith.constant 0 : i32
      %dma_wait3A_1234 = arith.constant 0 : i32
      %dma_wait3A_1235 = tpu.memref_slice %arg10[%dma_wait3A_1231, %dma_wait3A_1233, %dma_wait3A_1234] : memref<2x8x128xi32, #tpu.memory_space<vmem>> -> memref<1x8x128xi32, #tpu.memory_space<vmem>>
      %dma_wait3A_1236 = tpu.memref_squeeze %dma_wait3A_1235 : memref<1x8x128xi32, #tpu.memory_space<vmem>> -> memref<8x128xi32, #tpu.memory_space<vmem>>
      %dma_wait3A_1237 = arith.constant 0 : i32
      %dma_wait3A_1238 = tpu.memref_slice %dma_wait3A_1236[%dma_wait3A_1232, %dma_wait3A_1237] : memref<8x128xi32, #tpu.memory_space<vmem>> -> memref<1x128xi32, #tpu.memory_space<vmem>>
      %dma_wait3A_1239 = tpu.memref_squeeze %dma_wait3A_1238 : memref<1x128xi32, #tpu.memory_space<vmem>> -> memref<128xi32, #tpu.memory_space<vmem>>
      %dma_wait3A_1240 = arith.constant 0 : i32
      %dma_wait3A_1241 = arith.constant 0 : i32
      %dma_wait3A_1242 = tpu.memref_slice %arg14[%dma_wait3A_1240, %dma_wait3A_1241] : memref<10112x128xf32, #tpu.memory_space<vmem_shared>> -> memref<10112x128xf32, #tpu.memory_space<vmem_shared>>
      tpu.wait_indirect_dma semaphore(%arg18 : memref<!tpu.dma_semaphore, #tpu.memory_space<semaphore_mem>>) src(%arg11 : memref<128x128xf32, #tpu.memory_space<vmem>>) dst(%dma_wait3A_1242 : memref<10112x128xf32, #tpu.memory_space<vmem_shared>>)
      %dma_wait3A_1243 = arith.constant 1 : i32
      %dma_wait3A_1244 = arith.constant 6 : i32
      %dma_wait3A_1245 = arith.constant 0 : i32
      %dma_wait3A_1246 = arith.constant 0 : i32
      %dma_wait3A_1247 = tpu.memref_slice %arg10[%dma_wait3A_1243, %dma_wait3A_1245, %dma_wait3A_1246] : memref<2x8x128xi32, #tpu.memory_space<vmem>> -> memref<1x8x128xi32, #tpu.memory_space<vmem>>
      %dma_wait3A_1248 = tpu.memref_squeeze %dma_wait3A_1247 : memref<1x8x128xi32, #tpu.memory_space<vmem>> -> memref<8x128xi32, #tpu.memory_space<vmem>>
      %dma_wait3A_1249 = arith.constant 0 : i32
      %dma_wait3A_1250 = tpu.memref_slice %dma_wait3A_1248[%dma_wait3A_1244, %dma_wait3A_1249] : memref<8x128xi32, #tpu.memory_space<vmem>> -> memref<1x128xi32, #tpu.memory_space<vmem>>
      %dma_wait3A_1251 = tpu.memref_squeeze %dma_wait3A_1250 : memref<1x128xi32, #tpu.memory_space<vmem>> -> memref<128xi32, #tpu.memory_space<vmem>>
      %dma_wait3A_1252 = arith.constant 0 : i32
      %dma_wait3A_1253 = arith.constant 0 : i32
      %dma_wait3A_1254 = tpu.memref_slice %arg15[%dma_wait3A_1252, %dma_wait3A_1253] : memref<10112x16xf32, #tpu.memory_space<vmem_shared>> -> memref<10112x16xf32, #tpu.memory_space<vmem_shared>>
      tpu.wait_indirect_dma semaphore(%arg20 : memref<!tpu.dma_semaphore, #tpu.memory_space<semaphore_mem>>) src(%arg13 : memref<128x16xf32, #tpu.memory_space<vmem>>) dst(%dma_wait3A_1254 : memref<10112x16xf32, #tpu.memory_space<vmem_shared>>)
      %dma_wait3A_1255 = arith.constant 1 : i32
      %dma_wait3A_1256 = arith.constant 7 : i32
      %dma_wait3A_1257 = arith.constant 0 : i32
      %dma_wait3A_1258 = arith.constant 0 : i32
      %dma_wait3A_1259 = tpu.memref_slice %arg10[%dma_wait3A_1255, %dma_wait3A_1257, %dma_wait3A_1258] : memref<2x8x128xi32, #tpu.memory_space<vmem>> -> memref<1x8x128xi32, #tpu.memory_space<vmem>>
      %dma_wait3A_1260 = tpu.memref_squeeze %dma_wait3A_1259 : memref<1x8x128xi32, #tpu.memory_space<vmem>> -> memref<8x128xi32, #tpu.memory_space<vmem>>
      %dma_wait3A_1261 = arith.constant 0 : i32
      %dma_wait3A_1262 = tpu.memref_slice %dma_wait3A_1260[%dma_wait3A_1256, %dma_wait3A_1261] : memref<8x128xi32, #tpu.memory_space<vmem>> -> memref<1x128xi32, #tpu.memory_space<vmem>>
      %dma_wait3A_1263 = tpu.memref_squeeze %dma_wait3A_1262 : memref<1x128xi32, #tpu.memory_space<vmem>> -> memref<128xi32, #tpu.memory_space<vmem>>
      %dma_wait3A_1264 = arith.constant 0 : i32
      %dma_wait3A_1265 = arith.constant 0 : i32
      %dma_wait3A_1266 = tpu.memref_slice %arg14[%dma_wait3A_1264, %dma_wait3A_1265] : memref<10112x128xf32, #tpu.memory_space<vmem_shared>> -> memref<10112x128xf32, #tpu.memory_space<vmem_shared>>
      tpu.wait_indirect_dma semaphore(%arg19 : memref<!tpu.dma_semaphore, #tpu.memory_space<semaphore_mem>>) src(%arg12 : memref<128x128xf32, #tpu.memory_space<vmem>>) dst(%dma_wait3A_1266 : memref<10112x128xf32, #tpu.memory_space<vmem_shared>>)
      %dma_wait3A_1267 = arith.constant 1 : i32
      %dma_wait3A_1268 = arith.constant 7 : i32
      %dma_wait3A_1269 = arith.constant 0 : i32
      %dma_wait3A_1270 = arith.constant 0 : i32
      %dma_wait3A_1271 = tpu.memref_slice %arg10[%dma_wait3A_1267, %dma_wait3A_1269, %dma_wait3A_1270] : memref<2x8x128xi32, #tpu.memory_space<vmem>> -> memref<1x8x128xi32, #tpu.memory_space<vmem>>
      %dma_wait3A_1272 = tpu.memref_squeeze %dma_wait3A_1271 : memref<1x8x128xi32, #tpu.memory_space<vmem>> -> memref<8x128xi32, #tpu.memory_space<vmem>>
      %dma_wait3A_1273 = arith.constant 0 : i32
      %dma_wait3A_1274 = tpu.memref_slice %dma_wait3A_1272[%dma_wait3A_1268, %dma_wait3A_1273] : memref<8x128xi32, #tpu.memory_space<vmem>> -> memref<1x128xi32, #tpu.memory_space<vmem>>
      %dma_wait3A_1275 = tpu.memref_squeeze %dma_wait3A_1274 : memref<1x128xi32, #tpu.memory_space<vmem>> -> memref<128xi32, #tpu.memory_space<vmem>>
      %dma_wait3A_1276 = arith.constant 0 : i32
      %dma_wait3A_1277 = arith.constant 0 : i32
      %dma_wait3A_1278 = tpu.memref_slice %arg15[%dma_wait3A_1276, %dma_wait3A_1277] : memref<10112x16xf32, #tpu.memory_space<vmem_shared>> -> memref<10112x16xf32, #tpu.memory_space<vmem_shared>>
      tpu.wait_indirect_dma semaphore(%arg21 : memref<!tpu.dma_semaphore, #tpu.memory_space<semaphore_mem>>) src(%arg13 : memref<128x16xf32, #tpu.memory_space<vmem>>) dst(%dma_wait3A_1278 : memref<10112x16xf32, #tpu.memory_space<vmem_shared>>)
      "tpu.trace_stop"() : () -> ()
    }
    %scan3A_42 = arith.constant 5 : i32
    "tpu.trace_start"() <{level = 10 : i32, message = "bar2"}> : () -> ()
    %barrier3A_43 = arith.constant 0 : index
    tpu.barrier barrier_id(%barrier3A_43)
    "tpu.trace_stop"() : () -> ()
    "tpu.trace_start"() <{level = 10 : i32, message = "wout"}> : () -> ()
    "tpu.region"() ({
      %run_scoped3A = tpu.sem_alloc : memref<!tpu.dma_semaphore, #tpu.memory_space<semaphore_mem>>
      %dma_start3A_44 = arith.constant 0 : i32
      %dma_start3A_45 = tpu.memref_slice %arg7[%arg0, %mul3A_2, %dma_start3A_44] : memref<2x10112x128xf32, #tpu.memory_space<hbm>> -> memref<1x632x128xf32, #tpu.memory_space<hbm>>
      %dma_start3A_46 = tpu.memref_squeeze %dma_start3A_45 : memref<1x632x128xf32, #tpu.memory_space<hbm>> -> memref<632x128xf32, #tpu.memory_space<hbm>>
      %dma_start3A_47 = arith.constant 0 : i32
      %dma_start3A_48 = tpu.memref_slice %arg14[%mul3A_2, %dma_start3A_47] : memref<10112x128xf32, #tpu.memory_space<vmem_shared>> -> memref<632x128xf32, #tpu.memory_space<vmem_shared>>
      tpu.enqueue_dma source(%dma_start3A_48 : memref<632x128xf32, #tpu.memory_space<vmem_shared>>) target(%dma_start3A_46 : memref<632x128xf32, #tpu.memory_space<hbm>>) target_semaphore(%run_scoped3A : memref<!tpu.dma_semaphore, #tpu.memory_space<semaphore_mem>>)
      %dma_wait3A = arith.constant 0 : i32
      %dma_wait3A_49 = tpu.memref_slice %arg7[%arg0, %mul3A_2, %dma_wait3A] : memref<2x10112x128xf32, #tpu.memory_space<hbm>> -> memref<1x632x128xf32, #tpu.memory_space<hbm>>
      %dma_wait3A_50 = tpu.memref_squeeze %dma_wait3A_49 : memref<1x632x128xf32, #tpu.memory_space<hbm>> -> memref<632x128xf32, #tpu.memory_space<hbm>>
      %dma_wait3A_51 = arith.constant 0 : i32
      %dma_wait3A_52 = tpu.memref_slice %arg14[%mul3A_2, %dma_wait3A_51] : memref<10112x128xf32, #tpu.memory_space<vmem_shared>> -> memref<632x128xf32, #tpu.memory_space<vmem_shared>>
      tpu.wait_dma2 semaphore(%run_scoped3A : memref<!tpu.dma_semaphore, #tpu.memory_space<semaphore_mem>>) src(%dma_wait3A_52 : memref<632x128xf32, #tpu.memory_space<vmem_shared>>) dst(%dma_wait3A_50 : memref<632x128xf32, #tpu.memory_space<hbm>>)
      tpu.yield
    }) : () -> ()
    "tpu.region"() ({
      %run_scoped3A = tpu.sem_alloc : memref<!tpu.dma_semaphore, #tpu.memory_space<semaphore_mem>>
      %dma_start3A_44 = arith.constant 0 : i32
      %dma_start3A_45 = tpu.memref_slice %arg8[%arg0, %mul3A_2, %dma_start3A_44] : memref<2x10112x16xf32, #tpu.memory_space<hbm>> -> memref<1x632x16xf32, #tpu.memory_space<hbm>>
      %dma_start3A_46 = tpu.memref_squeeze %dma_start3A_45 : memref<1x632x16xf32, #tpu.memory_space<hbm>> -> memref<632x16xf32, #tpu.memory_space<hbm>>
      %dma_start3A_47 = arith.constant 0 : i32
      %dma_start3A_48 = tpu.memref_slice %arg15[%mul3A_2, %dma_start3A_47] : memref<10112x16xf32, #tpu.memory_space<vmem_shared>> -> memref<632x16xf32, #tpu.memory_space<vmem_shared>>
      tpu.enqueue_dma source(%dma_start3A_48 : memref<632x16xf32, #tpu.memory_space<vmem_shared>>) target(%dma_start3A_46 : memref<632x16xf32, #tpu.memory_space<hbm>>) target_semaphore(%run_scoped3A : memref<!tpu.dma_semaphore, #tpu.memory_space<semaphore_mem>>)
      %dma_wait3A = arith.constant 0 : i32
      %dma_wait3A_49 = tpu.memref_slice %arg8[%arg0, %mul3A_2, %dma_wait3A] : memref<2x10112x16xf32, #tpu.memory_space<hbm>> -> memref<1x632x16xf32, #tpu.memory_space<hbm>>
      %dma_wait3A_50 = tpu.memref_squeeze %dma_wait3A_49 : memref<1x632x16xf32, #tpu.memory_space<hbm>> -> memref<632x16xf32, #tpu.memory_space<hbm>>
      %dma_wait3A_51 = arith.constant 0 : i32
      %dma_wait3A_52 = tpu.memref_slice %arg15[%mul3A_2, %dma_wait3A_51] : memref<10112x16xf32, #tpu.memory_space<vmem_shared>> -> memref<632x16xf32, #tpu.memory_space<vmem_shared>>
      tpu.wait_dma2 semaphore(%run_scoped3A : memref<!tpu.dma_semaphore, #tpu.memory_space<semaphore_mem>>) src(%dma_wait3A_52 : memref<632x16xf32, #tpu.memory_space<vmem_shared>>) dst(%dma_wait3A_50 : memref<632x16xf32, #tpu.memory_space<hbm>>)
      tpu.yield
    }) : () -> ()
    "tpu.trace_stop"() : () -> ()
    return
  }
}

module attributes {stable_mosaic.version = 14 : i64} {
  func.func @_xw_body(%arg0: i32, %arg1: i32, %arg2: memref<8x4xf32, #tpu.memory_space<smem>>, %arg3: memref<2000x128xf32, #tpu.memory_space<vmem>>, %arg4: memref<4x128x128xf32, #tpu.memory_space<vmem>>, %arg5: memref<2000x128xf32, #tpu.memory_space<vmem>>) attributes {dimension_semantics = [#tpu.dimension_semantics<arbitrary>, #tpu.dimension_semantics<arbitrary>], iteration_bounds = array<i64: 5, 8>, scalar_prefetch = 0 : i64, scratch_operands = 0 : i64, tpu.core_type = #tpu.core_type<tc>, window_params = [{transform_indices = @transform_0, window_bounds = array<i64: 8, 4>}, {transform_indices = @transform_1, window_bounds = array<i64: 2000, 128>}, {pipeline_mode = #tpu.pipeline_mode<synchronous>, transform_indices = @transform_2, window_bounds = array<i64: 4, 128, 128>}, {transform_indices = @transform_3, window_bounds = array<i64: 2000, 128>}]} {
    %get3A = arith.index_cast %arg1 : i32 to index
    %get3A_0 = arith.constant 0 : index
    %get3A_1 = memref.load %arg2[%get3A, %get3A_0] : memref<8x4xf32, #tpu.memory_space<smem>>
    %get3A_2 = arith.constant 0 : index
    %get3A_3 = arith.constant 0 : index
    %get3A_4 = arith.constant 0 : index
    %get3A_5 = vector.load %arg4[%get3A_2, %get3A_3, %get3A_4] : memref<4x128x128xf32, #tpu.memory_space<vmem>>, vector<1x128x128xf32>
    %get3A_6 = vector.shape_cast %get3A_5 : vector<1x128x128xf32> to vector<128x128xf32>
    %mul3A = vector.broadcast %get3A_1 : f32 to vector<128x128xf32>
    %mul3A_7 = arith.mulf %mul3A, %get3A_6 : vector<128x128xf32>
    %get3A_8 = arith.index_cast %arg1 : i32 to index
    %get3A_9 = arith.constant 1 : index
    %get3A_10 = memref.load %arg2[%get3A_8, %get3A_9] : memref<8x4xf32, #tpu.memory_space<smem>>
    %get3A_11 = arith.constant 1 : index
    %get3A_12 = arith.constant 0 : index
    %get3A_13 = arith.constant 0 : index
    %get3A_14 = vector.load %arg4[%get3A_11, %get3A_12, %get3A_13] : memref<4x128x128xf32, #tpu.memory_space<vmem>>, vector<1x128x128xf32>
    %get3A_15 = vector.shape_cast %get3A_14 : vector<1x128x128xf32> to vector<128x128xf32>
    %mul3A_16 = vector.broadcast %get3A_10 : f32 to vector<128x128xf32>
    %mul3A_17 = arith.mulf %mul3A_16, %get3A_15 : vector<128x128xf32>
    %add3A = arith.addf %mul3A_7, %mul3A_17 : vector<128x128xf32>
    %get3A_18 = arith.index_cast %arg1 : i32 to index
    %get3A_19 = arith.constant 2 : index
    %get3A_20 = memref.load %arg2[%get3A_18, %get3A_19] : memref<8x4xf32, #tpu.memory_space<smem>>
    %get3A_21 = arith.constant 2 : index
    %get3A_22 = arith.constant 0 : index
    %get3A_23 = arith.constant 0 : index
    %get3A_24 = vector.load %arg4[%get3A_21, %get3A_22, %get3A_23] : memref<4x128x128xf32, #tpu.memory_space<vmem>>, vector<1x128x128xf32>
    %get3A_25 = vector.shape_cast %get3A_24 : vector<1x128x128xf32> to vector<128x128xf32>
    %mul3A_26 = vector.broadcast %get3A_20 : f32 to vector<128x128xf32>
    %mul3A_27 = arith.mulf %mul3A_26, %get3A_25 : vector<128x128xf32>
    %add3A_28 = arith.addf %add3A, %mul3A_27 : vector<128x128xf32>
    %get3A_29 = arith.index_cast %arg1 : i32 to index
    %get3A_30 = arith.constant 3 : index
    %get3A_31 = memref.load %arg2[%get3A_29, %get3A_30] : memref<8x4xf32, #tpu.memory_space<smem>>
    %get3A_32 = arith.constant 3 : index
    %get3A_33 = arith.constant 0 : index
    %get3A_34 = arith.constant 0 : index
    %get3A_35 = vector.load %arg4[%get3A_32, %get3A_33, %get3A_34] : memref<4x128x128xf32, #tpu.memory_space<vmem>>, vector<1x128x128xf32>
    %get3A_36 = vector.shape_cast %get3A_35 : vector<1x128x128xf32> to vector<128x128xf32>
    %mul3A_37 = vector.broadcast %get3A_31 : f32 to vector<128x128xf32>
    %mul3A_38 = arith.mulf %mul3A_37, %get3A_36 : vector<128x128xf32>
    %add3A_39 = arith.addf %add3A_28, %mul3A_38 : vector<128x128xf32>
    %get3A_40 = arith.constant 0 : index
    %get3A_41 = arith.constant 0 : index
    %get3A_42 = vector.load %arg3[%get3A_40, %get3A_41] : memref<2000x128xf32, #tpu.memory_space<vmem>>, vector<2000x128xf32>
    %dot_general3A = arith.constant dense<0.000000e+00> : vector<2000x128xf32>
    %dot_general3A_43 = tpu.matmul %get3A_42, %add3A_39, %dot_general3A {dimension_numbers = #tpu.dot_dimension_numbers<[1], [0], [0], [1], [0, 0, 1, 1], [], []>, transpose_lhs_hint = false} : vector<2000x128xf32>, vector<128x128xf32>, vector<2000x128xf32> -> vector<2000x128xf32>
    %swap3A = arith.constant 0 : index
    %swap3A_44 = arith.constant 0 : index
    %swap3A_45 = vector.load %arg5[%swap3A, %swap3A_44] : memref<2000x128xf32, #tpu.memory_space<vmem>>, vector<2000x128xf32>
    tpu.vector_store %arg5[%swap3A, %swap3A_44], %dot_general3A_43 {strides = array<i32>} : memref<2000x128xf32, #tpu.memory_space<vmem>>, vector<2000x128xf32>,
    return
  }
  func.func @transform_0(%arg0: i32, %arg1: i32) -> (i32, i32) {
    %c0_i32 = arith.constant 0 : i32
    %c0_i32_0 = arith.constant 0 : i32
    %c0_i32_1 = arith.constant 0 : i32
    return %c0_i32, %c0_i32_0 : i32, i32
  }
  func.func @transform_1(%arg0: i32, %arg1: i32) -> (i32, i32) {
    %c0_i32 = arith.constant 0 : i32
    %c0_i32_0 = arith.constant 0 : i32
    return %arg0, %c0_i32 : i32, i32
  }
  func.func @transform_2(%arg0: i32, %arg1: i32) -> (i32, i32, i32) {
    %c0_i32 = arith.constant 0 : i32
    %c0_i32_0 = arith.constant 0 : i32
    %c0_i32_1 = arith.constant 0 : i32
    %c0_i32_2 = arith.constant 0 : i32
    return %c0_i32, %c0_i32_0, %c0_i32_1 : i32, i32, i32
  }
  func.func @transform_3(%arg0: i32, %arg1: i32) -> (i32, i32) {
    %mul3A = arith.constant 5 : i32
    %mul3A_0 = arith.muli %arg1, %mul3A : i32
    %add3A = arith.addi %mul3A_0, %arg0 : i32
    %c0_i32 = arith.constant 0 : i32
    %c0_i32_1 = arith.constant 0 : i32
    return %add3A, %c0_i32 : i32, i32
  }
}

module attributes {stable_mosaic.version = 14 : i64} {
  func.func @_fin_body(%arg0: i32, %arg1: memref<2x2000x128xf32, #tpu.memory_space<vmem>>, %arg2: memref<2x2000x16xf32, #tpu.memory_space<vmem>>, %arg3: memref<2000x128xf32, #tpu.memory_space<vmem>>, %arg4: memref<128x128xf32, #tpu.memory_space<vmem>>, %arg5: memref<2000x128xf32, #tpu.memory_space<vmem>>) attributes {dimension_semantics = [#tpu.dimension_semantics<arbitrary>], iteration_bounds = array<i64: 5>, scalar_prefetch = 0 : i64, scratch_operands = 0 : i64, tpu.core_type = #tpu.core_type<tc>, window_params = [{transform_indices = @transform_0, window_bounds = array<i64: 2, 2000, 128>}, {transform_indices = @transform_1, window_bounds = array<i64: 2, 2000, 16>}, {transform_indices = @transform_2, window_bounds = array<i64: 2000, 128>}, {pipeline_mode = #tpu.pipeline_mode<synchronous>, transform_indices = @transform_3, window_bounds = array<i64: 128, 128>}, {transform_indices = @transform_4, window_bounds = array<i64: 2000, 128>}]} {
    %get3A = arith.constant 0 : index
    %get3A_0 = arith.constant 0 : index
    %get3A_1 = arith.constant 0 : index
    %get3A_2 = vector.load %arg1[%get3A, %get3A_0, %get3A_1] : memref<2x2000x128xf32, #tpu.memory_space<vmem>>, vector<1x2000x128xf32>
    %get3A_3 = vector.shape_cast %get3A_2 : vector<1x2000x128xf32> to vector<2000x128xf32>
    %get3A_4 = arith.constant 1 : index
    %get3A_5 = arith.constant 0 : index
    %get3A_6 = arith.constant 0 : index
    %get3A_7 = vector.load %arg1[%get3A_4, %get3A_5, %get3A_6] : memref<2x2000x128xf32, #tpu.memory_space<vmem>>, vector<1x2000x128xf32>
    %get3A_8 = vector.shape_cast %get3A_7 : vector<1x2000x128xf32> to vector<2000x128xf32>
    %add3A = arith.addf %get3A_3, %get3A_8 : vector<2000x128xf32>
    %get3A_9 = arith.constant 0 : index
    %get3A_10 = arith.constant 0 : index
    %get3A_11 = arith.constant 0 : index
    %get3A_12 = vector.load %arg2[%get3A_9, %get3A_10, %get3A_11] : memref<2x2000x16xf32, #tpu.memory_space<vmem>>, vector<1x2000x16xf32>
    %get3A_13 = vector.shape_cast %get3A_12 : vector<1x2000x16xf32> to vector<2000x16xf32>
    %get3A_14 = arith.constant 1 : index
    %get3A_15 = arith.constant 0 : index
    %get3A_16 = arith.constant 0 : index
    %get3A_17 = vector.load %arg2[%get3A_14, %get3A_15, %get3A_16] : memref<2x2000x16xf32, #tpu.memory_space<vmem>>, vector<1x2000x16xf32>
    %get3A_18 = vector.shape_cast %get3A_17 : vector<1x2000x16xf32> to vector<2000x16xf32>
    %add3A_19 = arith.addf %get3A_13, %get3A_18 : vector<2000x16xf32>
    %slice3A = vector.extract_strided_slice %add3A_19 {offsets = [0, 0], sizes = [2000, 1], strides = [1, 1]} : vector<2000x16xf32> to vector<2000x1xf32>
    %max3A = arith.constant 1.000000e+00 : f32
    %max3A_20 = vector.broadcast %max3A : f32 to vector<2000x1xf32>
    %max3A_21 = arith.maximumf %slice3A, %max3A_20 : vector<2000x1xf32>
    %div3A = arith.constant 1.000000e+00 : f32
    %div3A_22 = vector.broadcast %div3A : f32 to vector<2000x1xf32>
    %div3A_23 = arith.divf %div3A_22, %max3A_21 : vector<2000x1xf32>
    %mul3A = vector.broadcast %div3A_23 : vector<2000x1xf32> to vector<2000x128xf32>
    %mul3A_24 = arith.mulf %add3A, %mul3A : vector<2000x128xf32>
    %get3A_25 = arith.constant 0 : index
    %get3A_26 = arith.constant 0 : index
    %get3A_27 = vector.load %arg3[%get3A_25, %get3A_26] : memref<2000x128xf32, #tpu.memory_space<vmem>>, vector<2000x128xf32>
    %get3A_28 = arith.constant 0 : index
    %get3A_29 = arith.constant 0 : index
    %get3A_30 = vector.load %arg4[%get3A_28, %get3A_29] : memref<128x128xf32, #tpu.memory_space<vmem>>, vector<128x128xf32>
    %dot_general3A = arith.constant dense<0.000000e+00> : vector<2000x128xf32>
    %dot_general3A_31 = tpu.matmul %get3A_27, %get3A_30, %dot_general3A {dimension_numbers = #tpu.dot_dimension_numbers<[1], [0], [0], [1], [0, 0, 1, 1], [], []>, transpose_lhs_hint = false} : vector<2000x128xf32>, vector<128x128xf32>, vector<2000x128xf32> -> vector<2000x128xf32>
    %add3A_32 = arith.addf %mul3A_24, %dot_general3A_31 : vector<2000x128xf32>
    %swap3A = arith.constant 0 : index
    %swap3A_33 = arith.constant 0 : index
    %swap3A_34 = vector.load %arg5[%swap3A, %swap3A_33] : memref<2000x128xf32, #tpu.memory_space<vmem>>, vector<2000x128xf32>
    tpu.vector_store %arg5[%swap3A, %swap3A_33], %add3A_32 {strides = array<i32>} : memref<2000x128xf32, #tpu.memory_space<vmem>>, vector<2000x128xf32>,
    return
  }
  func.func @transform_0(%arg0: i32) -> (i32, i32, i32) {
    %c0_i32 = arith.constant 0 : i32
    %c0_i32_0 = arith.constant 0 : i32
    %c0_i32_1 = arith.constant 0 : i32
    return %c0_i32, %arg0, %c0_i32_0 : i32, i32, i32
  }
  func.func @transform_1(%arg0: i32) -> (i32, i32, i32) {
    %c0_i32 = arith.constant 0 : i32
    %c0_i32_0 = arith.constant 0 : i32
    %c0_i32_1 = arith.constant 0 : i32
    return %c0_i32, %arg0, %c0_i32_0 : i32, i32, i32
  }
  func.func @transform_2(%arg0: i32) -> (i32, i32) {
    %c0_i32 = arith.constant 0 : i32
    %c0_i32_0 = arith.constant 0 : i32
    return %arg0, %c0_i32 : i32, i32
  }
  func.func @transform_3(%arg0: i32) -> (i32, i32) {
    %c0_i32 = arith.constant 0 : i32
    %c0_i32_0 = arith.constant 0 : i32
    %c0_i32_1 = arith.constant 0 : i32
    return %c0_i32, %c0_i32_0 : i32, i32
  }
  func.func @transform_4(%arg0: i32) -> (i32, i32) {
    %c0_i32 = arith.constant 0 : i32
    %c0_i32_0 = arith.constant 0 : i32
    return %arg0, %c0_i32 : i32, i32
  }
}

</mosaic_0001>

<sc_bundles>
// kernel: kernel.5.cloned.1.call-start
scs
__scs_entry_jumppad:
0x0: {  	(pc) =	sbr.rel $0x88, $3  }
0x1: {  	(tag) =	ssettag $0x0;
	lr =	simm.s32 $0x1  }
0x2: {  	[smem:$0x3F9B] =	sst lr;
	_ =	strace $0xD0000000  }
0x3: {  	_ = 	snop  }
0x4: {  	_ = 	snop  }
0x5: {  	_ = 	snop  }
0x6: {  	_ = 	snop  }
0x7: {  	_ = 	snop  }
__scs_overlays_trampoline_lowered:
0x8: {  	[smem:$0x3FAA] =	sst s0  }
0x9: {  	[smem:$0x3FAB] =	sst s1  }
0xa: {  	[smem:$0x3FAC] =	sst s2  }
0xb: {  	[smem:$0x3FAD] =	sst s3  }
0xc: {  	[smem:$0x3FAE] =	sst s4  }
0xd: {  	[smem:$0x3FAF] =	sst s5  }
0xe: {  	[smem:$0x3FB0] =	sst s6  }
0xf: {  	[smem:$0x3FB1] =	sst s7  }
0x10: {  	[smem:$0x3FB2] =	sst s8  }
0x11: {  	[smem:$0x3FB3] =	sst s9;
	s0 =	simm.s32 @!p0 $0x0  }
0x12: {  	s1 =	sld [smem:$0x3F99];
	s0 =	simm.s32 @p0 $0x1  }
0x13: {  	[smem:$0x3FB4] =	sst s0;
	s0 =	simm.s32 @!p1 $0x0  }
0x14: {  	s2 =	sld [smem:$0x3F98];
	s0 =	simm.s32 @p1 $0x1  }
0x15: {  	[smem:$0x3FB5] =	sst s0;
	s0 =	simm.s32 @!p2 $0x0  }
0x16: {  	s3 =	sld [smem:$0x3FDB];
	s0 =	simm.s32 @p2 $0x1  }
0x17: {  	s4 =	simm.s32 $0x1BF5;
	[smem:$0x3FB7] =	sst s0  }
0x18: {  	s0 =	sld [smem:$0x3F9A];
	_ =	swait.ge [sflag:s4], $0x0  }
0x19: {  	s7 =	sld [smem:$0x3F9B]  }
0x1a: {  	s8 =	sadd.s32 $0xFFFFE003, lr  }
0x1b: {  	s9 =	sadd.s32 $0xFFFFFEF7, lr;
	s5 =	simm.s32 $0xFFFFFFFF;
	p2 =	slt.u32 s8, $0xFFFFF086  }
0x1c: {  	p1 =	slt.u32 s9, $0xF7A;
	s5 =	simm.s32 @!p2 $0x0  }
0x1d: {  	s5 =	simm.s32 @p1 $0x1;
	p0 =	seq.s32 s7, s2  }
0x1e: {  	s7 =	smul.u32 @!p0 $0xF7A, s2;
	p2 =	seq.s32 @!p0 s5, $0x0  }
0x1f: {  	s9 =	smul.u32 $0xF7A, s1;
	s8 =	simm.s32 @!p0 $0x1BF5;
	p2 =	por !p2, p0  }
0x20: {  	[sflag:s8] =	ssyncset.s32 @!p0 $0xFFFFF086;
	s6 =	sadd.s32 @!p0 s3, s7;
	s7 =	simm.s32 @!p0 $0x108  }
0x21: {  	s3 =	sadd.s32 s3, s9;
	s6 =	sadd.s32 @!p0 $0x88, s6;
	s7 =	simm.s32 @p2 $0x1082  }
0x22: {  	[simem:s7], [sflag:s8] =	dma.local @!p0 [hbm:s6], $0xF7A  }
0x23: {  	s9 =	sor.u32 $0xD0000000, s2;
	s6 =	simm.s32 $0x108;
	_ =	swait.ge @!p0 [sflag:s8], $0x0  }
0x24: {  	s3 =	sadd.s32 $0x88, s3;
	s6 =	simm.s32 @!p1 $0x1082;
	[sflag:s4] =	ssyncset.s32 $0xFFFFF086  }
0x25: {  	[simem:s6], [sflag:s4] =	dma.local [hbm:s3], $0xF7A  }
0x26: {  	[smem:$0x3F9B] =	sst s1;
	(tag) =	ssettag s2;
	_ =	strace s9  }
0x27: {  	s1 =	sld [smem:$0x3FAB]  }
0x28: {  	s2 =	sld [smem:$0x3FAC]  }
0x29: {  	s4 =	sld [smem:$0x3FAE]  }
0x2a: {  	p0 =	seq.s32 s5, $0x0;
	s5 =	sld [smem:$0x3FAF]  }
0x2b: {  	s6 =	sld [smem:$0x3FB0]  }
0x2c: {  	s7 =	sld [smem:$0x3FB1]  }
0x2d: {  	s3 =	simm.s32 $0x108;
	s8 =	sld [smem:$0x3FB2]  }
0x2e: {  	s3 =	simm.s32 @!p0 $0x1082;
	s9 =	sld [smem:$0x3FB3]  }
0x2f: {  	lr =	sadd.s32 s0, s3;
	s0 =	sld [smem:$0x3FAA]  }
0x30: {  	s3 =	sld [smem:$0x3FAD]  }
0x31: {  	[smem:$0x3FB6] =	sst s10  }
0x32: {  	s10 =	sld [smem:$0x3FB4];
	_ =	sdelay $0x3  }
0x33: {  	p0 =	seq.s32 s10, $0x1;
	s10 =	sld [smem:$0x3FB6];
	_ =	sdelay $0x3  }
0x34: {  	[smem:$0x3FB6] =	sst s10  }
0x35: {  	s10 =	sld [smem:$0x3FB5];
	_ =	sdelay $0x3  }
0x36: {  	p1 =	seq.s32 s10, $0x1;
	s10 =	sld [smem:$0x3FB6];
	_ =	sdelay $0x3  }
0x37: {  	[smem:$0x3FB6] =	sst s10  }
0x38: {  	s10 =	sld [smem:$0x3FB7]  }
0x39: {  	_ = 	snop;
	(pc) =	sbr.ind lr, $3  }
0x3a: {  	_ = 	snop  }
0x3b: {  	_ = 	snop  }
0x3c: {  	p2 =	seq.s32 s10, $0x1;
	s10 =	sld [smem:$0x3FB6]  }
0x3d: {  	_ =	shalt  }
0x3e: {  	_ =	shalt  }
0x3f: {  	_ =	shalt  }
0x40: {  	_ =	shalt  }
0x41: {  	_ =	shalt  }
0x42: {  	_ =	shalt  }
0x43: {  	_ =	shalt  }
0x44: {  	_ =	shalt  }
0x45: {  	_ =	shalt  }
0x46: {  	_ =	shalt  }
0x47: {  	_ =	shalt  }
0x48: {  	_ =	shalt  }
0x49: {  	_ =	shalt  }
0x4a: {  	_ =	shalt  }
0x4b: {  	_ =	shalt  }
0x4c: {  	_ =	shalt  }
0x4d: {  	_ =	shalt  }
0x4e: {  	_ =	shalt  }
0x4f: {  	_ =	shalt  }
0x50: {  	_ =	shalt  }
0x51: {  	_ =	shalt  }
0x52: {  	_ =	shalt  }
0x53: {  	_ =	shalt  }
0x54: {  	_ =	shalt  }
0x55: {  	_ =	shalt  }
0x56: {  	_ =	shalt  }
0x57: {  	_ =	shalt  }
0x58: {  	_ =	shalt  }
0x59: {  	_ =	shalt  }
0x5a: {  	_ =	shalt  }
0x5b: {  	_ =	shalt  }
0x5c: {  	_ =	shalt  }
0x5d: {  	_ =	shalt  }
0x5e: {  	_ =	shalt  }
0x5f: {  	_ =	shalt  }
0x60: {  	_ =	shalt  }
0x61: {  	_ =	shalt  }
0x62: {  	_ =	shalt  }
0x63: {  	_ =	shalt  }
0x64: {  	_ =	shalt  }
0x65: {  	_ =	shalt  }
0x66: {  	_ =	shalt  }
0x67: {  	_ =	shalt  }
0x68: {  	_ =	shalt  }
0x69: {  	_ =	shalt  }
0x6a: {  	_ =	shalt  }
0x6b: {  	_ =	shalt  }
0x6c: {  	_ =	shalt  }
0x6d: {  	_ =	shalt  }
0x6e: {  	_ =	shalt  }
0x6f: {  	_ =	shalt  }
0x70: {  	_ =	shalt  }
0x71: {  	_ =	shalt  }
0x72: {  	_ =	shalt  }
0x73: {  	_ =	shalt  }
0x74: {  	_ =	shalt  }
0x75: {  	_ =	shalt  }
0x76: {  	_ =	shalt  }
0x77: {  	_ =	shalt  }
0x78: {  	_ =	shalt  }
0x79: {  	_ =	shalt  }
0x7a: {  	_ =	shalt  }
0x7b: {  	_ =	shalt  }
0x7c: {  	_ =	shalt  }
0x7d: {  	_ =	shalt  }
0x7e: {  	_ =	shalt  }
0x7f: {  	_ =	shalt  }
0x80: {  	_ =	shalt  }
0x81: {  	_ =	shalt  }
0x82: {  	_ =	shalt  }
0x83: {  	_ =	shalt  }
0x84: {  	_ =	shalt  }
0x85: {  	_ =	shalt  }
0x86: {  	_ =	shalt  }
0x87: {  	_ =	shalt  }
.Lfunc_end0:
.L_simem_size_0:
called_computation_lowered:
.L_overlay_start_0:
0x88: {  	s2 =	sld [smem:$0x3FD9]  }
0x89: {  	s3 =	sld [smem:$0x3FFE];
	_ =	sdelay $0x1  }
0x8a: {  	s1 =	srdreg.scid  }
0x8b: {  	s0 =	sand.u32 $0x1, s1  }
0x8c: {  	s17 =	sshll.u32 s0, $0xA;
	s2 =	sadd.s32 s3, s2  }
0x8d: {  	s2 =	sadd.s32 s2, s17  }
0x8e: {  	[smem:$0x3FC2] =	sst s2  }
0x8f: {  	_ = 	snop  }
0x90: {  	s2 =	sld [smem:$0x3FD0];
	(tm) =	ssettm $0x1  }
0x91: {  	s18 =	sld [smem:$0x3FFB];
	_ =	sdelay $0x3  }
0x92: {  	_ =	strace s18  }
0x93: {  	s3 =	sld [smem:$0x3FFC];
	_ =	sdelay $0x3  }
0x94: {  	_ =	strace s3  }
0x95: {  	s3 =	sld [smem:$0x3FFD];
	_ =	sdelay $0x3  }
0x96: {  	_ =	strace s3  }
0x97: {  	_ =	strace $0x8FFFFFFF  }
0x98: {  	s19 =	sld [smem:$0x3FDB];
	_ =	sdelay $0x1  }
0x99: {  	s4 =	simm.s32 $_scs_section_size  }
0x9a: {  	s5 =	simm.s32 $_size__tile_overlayer_lowered;
	s6 =	simm.s32 $_tile_overlayer_lowered  }
0x9b: {  	s22 =	simm.s32 $0x1BFF;
	s21 =	sshll.u32 s6, $0x1;
	s3 =	sadd.s32 s4, s19  }
0x9c: {  	s7 =	simm.s32 $0x0;
	s20 =	sshll.u32 s5, $0x1;
	s5 =	sadd.s32 s21, s3  }
0x9d: {  	[timem:s7], [sflag:s22] =	dma.local [hbm:s5], s20  }
0x9e: {  	_ =	swait.ge [sflag:s22], s20  }
0x9f: {  	s4 =	ssub.s32 $0x0, s20;
	[sflag:s22] =	ssyncset.done $0x0  }
0xa0: {  	[sflag:s22] =	ssyncadd.s32 s4;
	_ =	sdelay $0x1  }
0xa1: {  	s23 =	simm.s32 $0x1B8B  }
0xa2: {  	_ =	swait.ge [sflag:s23], $0x1  }
0xa3: {  	[sflag:s23] =	ssyncset.done $0x0  }
0xa4: {  	s25 =	simm.s32 $0x1B8E;
	s24 =	sld [smem:$0x3FFE];
	[sflag:s23] =	ssyncadd.s32 $0xFFFFFFFF  }
0xa5: {  	s26 =	simm.s32 $execute0_lowered;
	[smem:$0x3FD2] =	sst s25  }
0xa6: {  	s5 =	sshll.u32 s26, $0x1;
	_ =	strace $0x80000046;
	[dreg:$0x1] =	wrdreg $0xFFFFFFFF  }
0xa7: {  	s28 =	simm.s32 $_size_execute0_lowered;
	s3 =	sadd.s32 s3, s5;
	[dreg:$0x0] =	wrdreg $0x0  }
0xa8: {  	s5 =	sshll.u32 s28, $0x1;
	[dreg:$0x2] =	wrdreg s3  }
0xa9: {  	[dreg:$0x3] =	wrdreg s5  }
0xaa: {  	[dreg:$0x4] =	wrdreg $0xC0  }
0xab: {  	_ =	task [dreg:s7], $0x5FFFF  }
0xac: {  	[dreg:$0x1] =	wrdreg $0xFFFFFFFF  }
0xad: {  	[dreg:$0x0] =	wrdreg $0x60  }
0xae: {  	[dreg:$0x2] =	wrdreg s24  }
0xaf: {  	[dreg:$0x3] =	wrdreg s2  }
0xb0: {  	[dreg:$0x4] =	wrdreg $0x98000  }
0xb1: {  	[dreg:$0x5] =	wrdreg $0x1D4000  }
0xb2: {  	[dreg:$0x6] =	wrdreg $0x9  }
0xb3: {  	_ =	task.clear_ibuf [dreg:s7], $0x7FFFF;
	_ =	strace $0x90000046  }
0xb4: {  	s29 =	simm.s32 $0x9;
	_ =	strace $0x8000007D  }
0xb5: {  	_ =	swait.ge [sflag:s29], $0x1  }
0xb6: {  	[sflag:s29] =	ssyncadd.s32 $0xFFFFFFFF  }
0xb7: {  	_ =	strace $0x9000007D  }
0xb8: {  	_ =	sfence  }
0xb9: {  	s30 =	sld [smem:$0x0];
	_ =	sdelay $0x2  }
0xba: {  	s31 =	sshll.u32 s1, $0xD;
	s1 =	sshrl.u32 s1, $0x2  }
0xbb: {  	s3 =	sand.u32 $0x4000, s31;
	s1 =	sadd.s32 s1, s30  }
0xbc: {  	s0 =	sor.u32 s3, s0;
	s1 =	sshll.u32 s1, $0x11  }
0xbd: {  	s0 =	sor.u32 s1, s0  }
0xbe: {  	s0 =	sadd.s32 $0x8F2B, s0  }
0xbf: {  	[sflag:s0] =	ssyncadd.remote.s32 $0x1  }
0xc0: {  	_ =	sfence.sel $0xFFFF  }
0xc1: {  	[dreg:$0x0] =	wrdreg $0xFFFFFFFF;
	(pc) =	sbr.abs _section_cstart, $3  }
0xc2: {  	[dreg:$0x1] =	wrdreg $0xFFFFFFFF  }
0xc3: {  	_ =	task.clear_ibuf [dreg:s7], $0x2FFFF;
	_ =	strace $0x9FFFFFFF  }
0xc4: {  	(tm) =	ssettm $0x7FFFFFFF  }
0xc5: {  	_ =	shalt  }
tec
execute0_lowered:
.L_overlay_start_1:
0x0: {  	(tag) =	ssettag $0x1  }
0x1: {  	s0 =	rddreg [dreg:$0x0]  }
0x2: {  	s14 =	rddreg [dreg:$0x1]  }
0x3: {  	s2 =	rddreg [dreg:$0x2]  }
0x4: {  	s4 =	rddreg [dreg:$0x3];
	s1 =	simm.s32 $0x0  }
0x5: {  	s15 =	stileid.u32;
	s3 =	srdreg.scid;
	s5 =	simm.s32 $0x100  }
0x6: {  	s18 =	simm.s32 $0x480;
	s20 =	simm.s32 $0x500;
	s28 =	simm.s32 $0x1000  }
0x7: {  	s29 =	simm.s32 $0x1;
	s30 =	simm.s32 $0x5000;
	s21 =	smul.u32 $0x13C00, s15  }
0x8: {  	s31 =	simm.s32 $0x9000;
	[smem:$0x7FF] =	sst s1;
	s7 =	smul.u32 $0x2780, s15  }
0x9: {  	s6 =	sadd.s32 $0xB000, s0;
	s3 =	sand.u32 $0x1, s3;
	s26 =	smul.u32 $0x50, s15  }
0xa: {  	s16 =	sadd.s32 $0x1000, s0;
	s19 =	sshll.u32 s15, $0x6;
	s9 =	smul.u32 $0x13C000, s3  }
0xb: {  	_ =	strace $0x80000047;
	s11 =	smul.u32 $0x27800, s3;
	[dreg:$0x12] =	wrdreg s16  }
0xc: {  	s12 =	sshll.u32 s3, $0x4;
	s13 =	ssub.s32 $0x2, s3;
	[dreg:$0x5] =	wrdreg s5  }
0xd: {  	s3 =	smul.u32 $0x500, s3;
	[dreg:$0xb] =	wrdreg s18;
	s18 =	sor.u32 $0x1C0B, s19  }
0xe: {  	[dreg:$0xc] =	wrdreg s20;
	s19 =	simm.s32 $0xA;
	s8 =	sshrl.u32 s21, $0x3  }
0xf: {  	s10 =	sshrl.u32 s7, $0x3;
	s12 =	sor.u32 s15, s12;
	s22 =	sshrl.u32 s13, $0x1  }
0x10: {  	s1 =	sadd.s32 s21, s2;
	[dreg:$0x1b] =	wrdreg s18;
	s8 =	sadd.s32 s8, s0  }
0x11: {  	s10 =	sadd.s32 s10, s0;
	s11 =	sadd.s32 s7, s11;
	s7 =	sadd.s32 s7, s4  }
0x12: {  	s9 =	sadd.s32 s21, s9;
	s21 =	simm.s32 $0x580;
	[dreg:$0x17] =	wrdreg s7  }
0x13: {  	s12 =	smul.u32 $0x500, s12;
	s20 =	sshrl.u32 s1, $0x3;
	[dreg:$0xd] =	wrdreg s21  }
0x14: {  	s9 =	sshrl.u32 s9, $0x3;
	s8 =	sadd.s32 $0x148800, s8;
	[dreg:$0x1c] =	wrdreg s20  }
0x15: {  	s11 =	sshrl.u32 s11, $0x3;
	s24 =	sadd.s32 $0x143800, s10;
	[dreg:$0x15] =	wrdreg s8  }
0x16: {  	s10 =	simm.s32 $0x180;
	s21 =	simm.s32 $0xB;
	[dreg:$0x16] =	wrdreg s24  }
0x17: {  	s9 =	sadd.s32 s9, s0;
	s23 =	sadd.s32 s14, s12;
	[dreg:$0x6] =	wrdreg s10  }
0x18: {  	s0 =	sadd.s32 s11, s0;
	s12 =	sadd.s32 s16, s12;
	[dreg:$0x13] =	wrdreg s23  }
0x19: {  	s11 =	ssub.s32 s13, s22;
	s13 =	simm.s32 $0x300;
	[dreg:$0x14] =	wrdreg s12  }
0x1a: {  	s7 =	simm.s32 $0x8;
	s14 =	simm.s32 $0x380;
	[dreg:$0x9] =	wrdreg s13  }
0x1b: {  	s24 =	simm.s32 $0x800;
	s22 =	simm.s32 $0x600;
	[dreg:$0xa] =	wrdreg s14  }
0x1c: {  	s8 =	simm.s32 $0x5;
	s25 =	sadd.s32 $0x179E00, s9;
	[dreg:$0xe] =	wrdreg s22  }
0x1d: {  	s10 =	simm.s32 $0x4;
	s0 =	sadd.s32 $0x170000, s0;
	[dreg:$0x18] =	wrdreg s25  }
0x1e: {  	s9 =	smax.u32 s11, $0x1;
	s11 =	simm.s32 $0x200;
	[dreg:$0x19] =	wrdreg s0  }
0x1f: {  	s12 =	simm.s32 $0x280;
	s23 =	simm.s32 $0x680;
	[dreg:$0x1a] =	wrdreg s9  }
0x20: {  	s22 =	simm.s32 $0x7;
	s14 =	simm.s32 $0x0;
	[dreg:$0x7] =	wrdreg s11  }
0x21: {  	s13 =	simm.s32 $0xF80;
	s0 =	sadd.s32 s26, s3;
	[dreg:$0x8] =	wrdreg s12  }
0x22: {  	[dreg:$0xf] =	wrdreg s23;
	s25 =	simm.s32 $0x700;
	s23 =	simm.s32 $0x9  }
0x23: {  	s26 =	simm.s32 $0x780;
	s3 =	simm.s32 $0x3;
	s11 =	simm.s32 $0x6  }
0x24: {  	s9 =	simm.s32 $0x0;
	s0 =	sshll.u32 s0, $0x4;
	[dreg:$0x10] =	wrdreg s25  }
0x25: {  	[dreg:$0x11] =	wrdreg s26;
	s25 =	simm.s32 $0xC00;
	s26 =	simm.s32 $0x80  }
0x26: {  	v0 =	vimm.f32 $1.000000000e+00;
	s16 =	sadd.s32 $0x100, s0;
	s17 =	sor.u32 $0x80, s0;
	s0 =	simm.s32 $0x2  }
.LBB2_1:
0x27: {  	[dreg:$0x1d] =	wrdreg s9  }
0x28: {  	s1 =	rddreg [dreg:$0x13];
	s12 =	simm.s32 $0x0  }
0x29: {  	[tilespmem:s12], [sflag:$0x7] =	stream.linear.gather [hbm4b:s1+s12], $0x400, $0x38;
	[tilespmem:$0x1FB80] =	vst v63  }
0x2a: {  	s15 =	rddreg [dreg:$0x14]  }
0x2b: {  	[tilespmem:s24], [sflag:$0x9] =	stream.linear.gather [hbm4b:s15+s12], $0x400, $0x38;
	[tilespmem:$0x1FB80] =	vst v63  }
0x2c: {  	s1 =	simm.s32 $0x40;
	s15 =	simm.s32 $0x0;
	_ =	strace $0x80000048  }
.LBB2_2:
0x2d: {  	p0 =	sne.s32 s1, $0x1FC0;
	[tilespmem:s15+$0x9000] =	vst v0;
	s15 =	smov.u32 s1;
	s1 =	sadd.s32 $0x40, s1  }
.Ltmp0:
0x2e: {  	(pc) =	sbr.rel @p0 .LBB2_2-.Ltmp0, $2  }
0x2f: {  	_ =	sdelay $0x2  }
0x30: {  	s15 =	sshra.s32 s15, $0x2  }
0x31: {  	[tilespmem:s15+$0x9000] =	vst v0  }
0x32: {  	_ =	strace $0x90000048  }
0x33: {  	_ =	strace $0x80000049  }
0x34: {  	s1 =	rddreg [dreg:$0x15]  }
0x35: {  	[spmem:s20], [sflag:s18] =	dma.local [hbm:s1], $0x2780  }
0x36: {  	_ =	swait.ge [sflag:s21], $0x2780  }
0x37: {  	s15 =	rddreg [dreg:$0x17]  }
0x38: {  	[sflag:s21] =	ssyncset.done $0x0;
	s20 =	rddreg [dreg:$0x16];
	s9 =	sshrl.u32 s15, $0x3  }
0x39: {  	[sflag:s21] =	ssyncadd.s32 $0xFFFFD880;
	[dreg:$0x1e] =	wrdreg s9  }
0x3a: {  	[spmem:s9], [sflag:s18] =	dma.local [hbm:s20], $0x4F0  }
0x3b: {  	_ =	swait.ge [sflag:s21], $0x4F0  }
0x3c: {  	[sflag:s21] =	ssyncset.done $0x0  }
0x3d: {  	[sflag:s21] =	ssyncadd.s32 $0xFFFFFB10  }
0x3e: {  	_ =	strace $0x90000049  }
0x3f: {  	_ =	strace $0x8000004A  }
0x40: {  	[bflag:$0x0] =	sbarrier.arrive $0xFFFF  }
0x41: {  	_ =	strace $0x9000004A  }
0x42: {  	_ =	strace $0x8000004B  }
0x43: {  	_ =	swait.ge [sflag:s22], $0x400  }
0x44: {  	[sflag:s22] =	ssyncset.done $0x0  }
0x45: {  	[sflag:s22] =	ssyncadd.s32 $0xFFFFFC00  }
0x46: {  	_ =	swait.ge [sflag:s23], $0x400  }
0x47: {  	[sflag:s23] =	ssyncset.done $0x0  }
0x48: {  	[sflag:s23] =	ssyncadd.s32 $0xFFFFFC00  }
0x49: {  	_ =	strace $0x9000004B  }
0x4a: {  	s18 =	rddreg [dreg:$0x1]  }
0x4b: {  	s5 =	simm.s32 $0x400;
	s21 =	sadd.s32 s18, s17  }
0x4c: {  	[tilespmem:s5], [sflag:$0x8] =	stream.linear.gather [hbm4b:s21+s12], $0x400, $0x38;
	[tilespmem:$0x1FB80] =	vst v63  }
0x4d: {  	s21 =	rddreg [dreg:$0x12]  }
0x4e: {  	s9 =	sadd.s32 s21, s17  }
0x4f: {  	[tilespmem:s25], [sflag:$0xA] =	stream.linear.gather [hbm4b:s9+s12], $0x400, $0x38;
	[tilespmem:$0x1FB80] =	vst v63  }
0x50: {  	_ = 	snop  }
0x51: {  	[tilespmem:s28], [sflag:$0x1] =	stream.indirect.gather [hbm4b:s6+s26], $0x80, s12, s26, $0xb8;
	[tilespmem:$0x1FB80] =	vst v63  }
0x52: {  	_ =	strace $0x8000004C  }
0x53: {  	_ =	swait.ge [sflag:s29], $0x4000  }
0x54: {  	[sflag:s29] =	ssyncset.done $0x0  }
0x55: {  	[sflag:s29] =	ssyncadd.s32 $0xFFFFC000  }
0x56: {  	_ =	strace $0x9000004C  }
0x57: {  	[tilespmem:s30], [sflag:$0x2] =	stream.indirect.gather [hbm4b:s6+s26], $0x80, s26, s26, $0xb8;
	[tilespmem:$0x1FB80] =	vst v63  }
0x58: {  	_ =	strace $0x8000004D  }
0x59: {  	[spmem:s2] =	stream.indirect.scatter.add.f32 [tilespmem:s28], [sflag:$0x3], $0x80, s24, s26, $0x2000b8;
	[tilespmem:$0x1FB80] =	vst v63  }
0x5a: {  	_ = 	snop  }
0x5b: {  	[spmem:s4] =	stream.indirect.scatter.add.f32 [tilespmem:s31], [sflag:$0x5], $0x10, s24, s26, $0x2000b8;
	[tilespmem:$0x1FB80] =	vst v63  }
0x5c: {  	_ =	strace $0x9000004D  }
0x5d: {  	_ =	strace $0x8000004E  }
0x5e: {  	_ =	swait.ge [sflag:s0], $0x4000  }
0x5f: {  	[sflag:s0] =	ssyncset.done $0x0  }
0x60: {  	[sflag:s0] =	ssyncadd.s32 $0xFFFFC000  }
0x61: {  	_ =	strace $0x9000004E  }
0x62: {  	_ =	strace $0x8000004F  }
0x63: {  	_ =	swait.ge [sflag:s3], $0x4000  }
0x64: {  	[sflag:s3] =	ssyncset.done $0x0  }
0x65: {  	[sflag:s3] =	ssyncadd.s32 $0xFFFFC000  }
0x66: {  	_ =	swait.ge [sflag:s8], $0x800  }
0x67: {  	[sflag:s8] =	ssyncset.done $0x0  }
0x68: {  	[sflag:s8] =	ssyncadd.s32 $0xFFFFF800  }
0x69: {  	_ =	strace $0x9000004F  }
0x6a: {  	s15 =	rddreg [dreg:$0x5]  }
0x6b: {  	[tilespmem:s28], [sflag:$0x1] =	stream.indirect.gather [hbm4b:s6+s26], $0x80, s15, s26, $0xb8;
	[tilespmem:$0x1FB80] =	vst v63  }
0x6c: {  	s20 =	simm.s32 $0x880;
	_ =	strace $0x80000050  }
0x6d: {  	[spmem:s2] =	stream.indirect.scatter.add.f32 [tilespmem:s30], [sflag:$0x4], $0x80, s20, s26, $0x2000b8;
	[tilespmem:$0x1FB80] =	vst v63  }
0x6e: {  	_ = 	snop  }
0x6f: {  	[spmem:s4] =	stream.indirect.scatter.add.f32 [tilespmem:s31], [sflag:$0x6], $0x10, s20, s26, $0x2000b8;
	[tilespmem:$0x1FB80] =	vst v63  }
0x70: {  	_ =	strace $0x90000050  }
0x71: {  	_ =	strace $0x80000051  }
0x72: {  	_ =	swait.ge [sflag:s29], $0x4000  }
0x73: {  	[sflag:s29] =	ssyncset.done $0x0  }
0x74: {  	[sflag:s29] =	ssyncadd.s32 $0xFFFFC000  }
0x75: {  	_ =	strace $0x90000051  }
0x76: {  	_ =	strace $0x80000052  }
0x77: {  	_ =	swait.ge [sflag:s10], $0x4000  }
0x78: {  	[sflag:s10] =	ssyncset.done $0x0  }
0x79: {  	[sflag:s10] =	ssyncadd.s32 $0xFFFFC000  }
0x7a: {  	_ =	swait.ge [sflag:s11], $0x800  }
0x7b: {  	[sflag:s11] =	ssyncset.done $0x0  }
0x7c: {  	[sflag:s11] =	ssyncadd.s32 $0xFFFFF800  }
0x7d: {  	_ =	strace $0x90000052  }
0x7e: {  	s9 =	rddreg [dreg:$0x6]  }
0x7f: {  	[tilespmem:s30], [sflag:$0x2] =	stream.indirect.gather [hbm4b:s6+s26], $0x80, s9, s26, $0xb8;
	[tilespmem:$0x1FB80] =	vst v63  }
0x80: {  	s12 =	simm.s32 $0x900;
	_ =	strace $0x80000053  }
0x81: {  	[spmem:s2] =	stream.indirect.scatter.add.f32 [tilespmem:s28], [sflag:$0x3], $0x80, s12, s26, $0x2000b8;
	[tilespmem:$0x1FB80] =	vst v63  }
0x82: {  	_ = 	snop  }
0x83: {  	[spmem:s4] =	stream.indirect.scatter.add.f32 [tilespmem:s31], [sflag:$0x5], $0x10, s12, s26, $0x2000b8;
	[tilespmem:$0x1FB80] =	vst v63  }
0x84: {  	_ =	strace $0x90000053  }
0x85: {  	_ =	strace $0x80000054  }
0x86: {  	_ =	swait.ge [sflag:s0], $0x4000  }
0x87: {  	[sflag:s0] =	ssyncset.done $0x0  }
0x88: {  	[sflag:s0] =	ssyncadd.s32 $0xFFFFC000  }
0x89: {  	_ =	strace $0x90000054  }
0x8a: {  	_ =	strace $0x80000055  }
0x8b: {  	_ =	swait.ge [sflag:s3], $0x4000  }
0x8c: {  	[sflag:s3] =	ssyncset.done $0x0  }
0x8d: {  	[sflag:s3] =	ssyncadd.s32 $0xFFFFC000  }
0x8e: {  	_ =	swait.ge [sflag:s8], $0x800  }
0x8f: {  	[sflag:s8] =	ssyncset.done $0x0  }
0x90: {  	[sflag:s8] =	ssyncadd.s32 $0xFFFFF800  }
0x91: {  	_ =	strace $0x90000055  }
0x92: {  	s15 =	rddreg [dreg:$0x7]  }
0x93: {  	[tilespmem:s28], [sflag:$0x1] =	stream.indirect.gather [hbm4b:s6+s26], $0x80, s15, s26, $0xb8;
	[tilespmem:$0x1FB80] =	vst v63  }
0x94: {  	s20 =	simm.s32 $0x980;
	_ =	strace $0x80000056  }
0x95: {  	[spmem:s2] =	stream.indirect.scatter.add.f32 [tilespmem:s30], [sflag:$0x4], $0x80, s20, s26, $0x2000b8;
	[tilespmem:$0x1FB80] =	vst v63  }
0x96: {  	_ = 	snop  }
0x97: {  	[spmem:s4] =	stream.indirect.scatter.add.f32 [tilespmem:s31], [sflag:$0x6], $0x10, s20, s26, $0x2000b8;
	[tilespmem:$0x1FB80] =	vst v63  }
0x98: {  	_ =	strace $0x90000056  }
0x99: {  	_ =	strace $0x80000057  }
0x9a: {  	_ =	swait.ge [sflag:s29], $0x4000  }
0x9b: {  	[sflag:s29] =	ssyncset.done $0x0  }
0x9c: {  	[sflag:s29] =	ssyncadd.s32 $0xFFFFC000  }
0x9d: {  	_ =	strace $0x90000057  }
0x9e: {  	_ =	strace $0x80000058  }
0x9f: {  	_ =	swait.ge [sflag:s10], $0x4000  }
0xa0: {  	[sflag:s10] =	ssyncset.done $0x0  }
0xa1: {  	[sflag:s10] =	ssyncadd.s32 $0xFFFFC000  }
0xa2: {  	_ =	swait.ge [sflag:s11], $0x800  }
0xa3: {  	[sflag:s11] =	ssyncset.done $0x0  }
0xa4: {  	[sflag:s11] =	ssyncadd.s32 $0xFFFFF800  }
0xa5: {  	_ =	strace $0x90000058  }
0xa6: {  	s9 =	rddreg [dreg:$0x8]  }
0xa7: {  	[tilespmem:s30], [sflag:$0x2] =	stream.indirect.gather [hbm4b:s6+s26], $0x80, s9, s26, $0xb8;
	[tilespmem:$0x1FB80] =	vst v63  }
0xa8: {  	s12 =	simm.s32 $0xA00;
	_ =	strace $0x80000059  }
0xa9: {  	[spmem:s2] =	stream.indirect.scatter.add.f32 [tilespmem:s28], [sflag:$0x3], $0x80, s12, s26, $0x2000b8;
	[tilespmem:$0x1FB80] =	vst v63  }
0xaa: {  	_ = 	snop  }
0xab: {  	[spmem:s4] =	stream.indirect.scatter.add.f32 [tilespmem:s31], [sflag:$0x5], $0x10, s12, s26, $0x2000b8;
	[tilespmem:$0x1FB80] =	vst v63  }
0xac: {  	_ =	strace $0x90000059  }
0xad: {  	_ =	strace $0x8000005A  }
0xae: {  	_ =	swait.ge [sflag:s0], $0x4000  }
0xaf: {  	[sflag:s0] =	ssyncset.done $0x0  }
0xb0: {  	[sflag:s0] =	ssyncadd.s32 $0xFFFFC000  }
0xb1: {  	_ =	strace $0x9000005A  }
0xb2: {  	_ =	strace $0x8000005B  }
0xb3: {  	_ =	swait.ge [sflag:s3], $0x4000  }
0xb4: {  	[sflag:s3] =	ssyncset.done $0x0  }
0xb5: {  	[sflag:s3] =	ssyncadd.s32 $0xFFFFC000  }
0xb6: {  	_ =	swait.ge [sflag:s8], $0x800  }
0xb7: {  	[sflag:s8] =	ssyncset.done $0x0  }
0xb8: {  	[sflag:s8] =	ssyncadd.s32 $0xFFFFF800  }
0xb9: {  	_ =	strace $0x9000005B  }
0xba: {  	s15 =	rddreg [dreg:$0x9]  }
0xbb: {  	[tilespmem:s28], [sflag:$0x1] =	stream.indirect.gather [hbm4b:s6+s26], $0x80, s15, s26, $0xb8;
	[tilespmem:$0x1FB80] =	vst v63  }
0xbc: {  	s20 =	simm.s32 $0xA80;
	_ =	strace $0x8000005C  }
0xbd: {  	[spmem:s2] =	stream.indirect.scatter.add.f32 [tilespmem:s30], [sflag:$0x4], $0x80, s20, s26, $0x2000b8;
	[tilespmem:$0x1FB80] =	vst v63  }
0xbe: {  	_ = 	snop  }
0xbf: {  	[spmem:s4] =	stream.indirect.scatter.add.f32 [tilespmem:s31], [sflag:$0x6], $0x10, s20, s26, $0x2000b8;
	[tilespmem:$0x1FB80] =	vst v63  }
0xc0: {  	_ =	strace $0x9000005C  }
0xc1: {  	_ =	strace $0x8000005D  }
0xc2: {  	_ =	swait.ge [sflag:s29], $0x4000  }
0xc3: {  	[sflag:s29] =	ssyncset.done $0x0  }
0xc4: {  	[sflag:s29] =	ssyncadd.s32 $0xFFFFC000  }
0xc5: {  	_ =	strace $0x9000005D  }
0xc6: {  	_ =	strace $0x8000005E  }
0xc7: {  	_ =	swait.ge [sflag:s10], $0x4000  }
0xc8: {  	[sflag:s10] =	ssyncset.done $0x0  }
0xc9: {  	[sflag:s10] =	ssyncadd.s32 $0xFFFFC000  }
0xca: {  	_ =	swait.ge [sflag:s11], $0x800  }
0xcb: {  	[sflag:s11] =	ssyncset.done $0x0  }
0xcc: {  	[sflag:s11] =	ssyncadd.s32 $0xFFFFF800  }
0xcd: {  	_ =	strace $0x9000005E  }
0xce: {  	s9 =	rddreg [dreg:$0xa]  }
0xcf: {  	[tilespmem:s30], [sflag:$0x2] =	stream.indirect.gather [hbm4b:s6+s26], $0x80, s9, s26, $0xb8;
	[tilespmem:$0x1FB80] =	vst v63  }
0xd0: {  	s12 =	simm.s32 $0xB00;
	_ =	strace $0x8000005F  }
0xd1: {  	[spmem:s2] =	stream.indirect.scatter.add.f32 [tilespmem:s28], [sflag:$0x3], $0x80, s12, s26, $0x2000b8;
	[tilespmem:$0x1FB80] =	vst v63  }
0xd2: {  	_ = 	snop  }
0xd3: {  	[spmem:s4] =	stream.indirect.scatter.add.f32 [tilespmem:s31], [sflag:$0x5], $0x10, s12, s26, $0x2000b8;
	[tilespmem:$0x1FB80] =	vst v63  }
0xd4: {  	_ =	strace $0x9000005F  }
0xd5: {  	_ =	strace $0x80000060  }
0xd6: {  	_ =	swait.ge [sflag:s0], $0x4000  }
0xd7: {  	[sflag:s0] =	ssyncset.done $0x0  }
0xd8: {  	[sflag:s0] =	ssyncadd.s32 $0xFFFFC000  }
0xd9: {  	_ =	strace $0x90000060  }
0xda: {  	s15 =	simm.s32 $0xB80;
	_ =	strace $0x80000061  }
0xdb: {  	[spmem:s2] =	stream.indirect.scatter.add.f32 [tilespmem:s30], [sflag:$0x4], $0x80, s15, s26, $0x2000b8;
	[tilespmem:$0x1FB80] =	vst v63  }
0xdc: {  	_ = 	snop  }
0xdd: {  	[spmem:s4] =	stream.indirect.scatter.add.f32 [tilespmem:s31], [sflag:$0x6], $0x10, s15, s26, $0x2000b8;
	[tilespmem:$0x1FB80] =	vst v63  }
0xde: {  	_ =	strace $0x90000061  }
0xdf: {  	_ =	strace $0x80000062  }
0xe0: {  	_ =	swait.ge [sflag:s3], $0x4000  }
0xe1: {  	[sflag:s3] =	ssyncset.done $0x0  }
0xe2: {  	[sflag:s3] =	ssyncadd.s32 $0xFFFFC000  }
0xe3: {  	_ =	swait.ge [sflag:s8], $0x800  }
0xe4: {  	[sflag:s8] =	ssyncset.done $0x0  }
0xe5: {  	[sflag:s8] =	ssyncadd.s32 $0xFFFFF800  }
0xe6: {  	_ =	swait.ge [sflag:s10], $0x4000  }
0xe7: {  	[sflag:s10] =	ssyncset.done $0x0  }
0xe8: {  	[sflag:s10] =	ssyncadd.s32 $0xFFFFC000  }
0xe9: {  	_ =	swait.ge [sflag:s11], $0x800  }
0xea: {  	[sflag:s11] =	ssyncset.done $0x0  }
0xeb: {  	[sflag:s11] =	ssyncadd.s32 $0xFFFFF800  }
0xec: {  	_ =	strace $0x90000062  }
0xed: {  	_ =	strace $0x80000063  }
0xee: {  	_ =	swait.ge [sflag:s7], $0x400  }
0xef: {  	[sflag:s7] =	ssyncset.done $0x0  }
0xf0: {  	[sflag:s7] =	ssyncadd.s32 $0xFFFFFC00  }
0xf1: {  	_ =	swait.ge [sflag:s19], $0x400  }
0xf2: {  	[sflag:s19] =	ssyncset.done $0x0  }
0xf3: {  	p0 =	por $0x0, $0x0;
	[sflag:s19] =	ssyncadd.s32 $0xFFFFFC00  }
0xf4: {  	s1 =	sadd.s32 @!p0 s18, s16;
	s15 =	simm.s32 @!p0 $0x0;
	_ =	strace $0x90000063  }
0xf5: {  	[tilespmem:s15], [sflag:$0x7] =	stream.linear.gather @!p0 [hbm4b:s1+s15], $0x400, $0x38;
	[tilespmem:$0x1FB80] =	vst v63  }
0xf6: {  	s20 =	simm.s32 @!p0 $0x800;
	s1 =	sadd.s32 @!p0 s21, s16  }
0xf7: {  	[tilespmem:s20], [sflag:$0x9] =	stream.linear.gather @!p0 [hbm4b:s1+s15], $0x400, $0x38;
	[tilespmem:$0x1FB80] =	vst v63  }
0xf8: {  	_ = 	snop  }
0xf9: {  	[tilespmem:s28], [sflag:$0x1] =	stream.indirect.gather [hbm4b:s6+s26], $0x80, s5, s26, $0xb8;
	[tilespmem:$0x1FB80] =	vst v63  }
0xfa: {  	_ =	strace $0x80000064  }
0xfb: {  	_ =	swait.ge [sflag:s29], $0x4000  }
0xfc: {  	[sflag:s29] =	ssyncset.done $0x0  }
0xfd: {  	[sflag:s29] =	ssyncadd.s32 $0xFFFFC000  }
0xfe: {  	_ =	strace $0x90000064  }
0xff: {  	s20 =	rddreg [dreg:$0xb]  }
0x100: {  	[tilespmem:s30], [sflag:$0x2] =	stream.indirect.gather [hbm4b:s6+s26], $0x80, s20, s26, $0xb8;
	[tilespmem:$0x1FB80] =	vst v63  }
0x101: {  	_ =	strace $0x80000065  }
0x102: {  	[spmem:s2] =	stream.indirect.scatter.add.f32 [tilespmem:s28], [sflag:$0x3], $0x80, s25, s26, $0x2000b8;
	[tilespmem:$0x1FB80] =	vst v63  }
0x103: {  	_ = 	snop  }
0x104: {  	[spmem:s4] =	stream.indirect.scatter.add.f32 [tilespmem:s31], [sflag:$0x5], $0x10, s25, s26, $0x2000b8;
	[tilespmem:$0x1FB80] =	vst v63  }
0x105: {  	_ =	strace $0x90000065  }
0x106: {  	_ =	strace $0x80000066  }
0x107: {  	_ =	swait.ge [sflag:s0], $0x4000  }
0x108: {  	[sflag:s0] =	ssyncset.done $0x0  }
0x109: {  	[sflag:s0] =	ssyncadd.s32 $0xFFFFC000  }
0x10a: {  	_ =	strace $0x90000066  }
0x10b: {  	_ =	strace $0x80000067  }
0x10c: {  	_ =	swait.ge [sflag:s3], $0x4000  }
0x10d: {  	[sflag:s3] =	ssyncset.done $0x0  }
0x10e: {  	[sflag:s3] =	ssyncadd.s32 $0xFFFFC000  }
0x10f: {  	_ =	swait.ge [sflag:s8], $0x800  }
0x110: {  	[sflag:s8] =	ssyncset.done $0x0  }
0x111: {  	[sflag:s8] =	ssyncadd.s32 $0xFFFFF800  }
0x112: {  	_ =	strace $0x90000067  }
0x113: {  	s5 =	rddreg [dreg:$0xc]  }
0x114: {  	[tilespmem:s28], [sflag:$0x1] =	stream.indirect.gather [hbm4b:s6+s26], $0x80, s5, s26, $0xb8;
	[tilespmem:$0x1FB80] =	vst v63  }
0x115: {  	s9 =	simm.s32 $0xC80;
	_ =	strace $0x80000068  }
0x116: {  	[spmem:s2] =	stream.indirect.scatter.add.f32 [tilespmem:s30], [sflag:$0x4], $0x80, s9, s26, $0x2000b8;
	[tilespmem:$0x1FB80] =	vst v63  }
0x117: {  	_ = 	snop  }
0x118: {  	[spmem:s4] =	stream.indirect.scatter.add.f32 [tilespmem:s31], [sflag:$0x6], $0x10, s9, s26, $0x2000b8;
	[tilespmem:$0x1FB80] =	vst v63  }
0x119: {  	_ =	strace $0x90000068  }
0x11a: {  	_ =	strace $0x80000069  }
0x11b: {  	_ =	swait.ge [sflag:s29], $0x4000  }
0x11c: {  	[sflag:s29] =	ssyncset.done $0x0  }
0x11d: {  	[sflag:s29] =	ssyncadd.s32 $0xFFFFC000  }
0x11e: {  	_ =	strace $0x90000069  }
0x11f: {  	_ =	strace $0x8000006A  }
0x120: {  	_ =	swait.ge [sflag:s10], $0x4000  }
0x121: {  	[sflag:s10] =	ssyncset.done $0x0  }
0x122: {  	[sflag:s10] =	ssyncadd.s32 $0xFFFFC000  }
0x123: {  	_ =	swait.ge [sflag:s11], $0x800  }
0x124: {  	[sflag:s11] =	ssyncset.done $0x0  }
0x125: {  	[sflag:s11] =	ssyncadd.s32 $0xFFFFF800  }
0x126: {  	_ =	strace $0x9000006A  }
0x127: {  	s12 =	rddreg [dreg:$0xd]  }
0x128: {  	[tilespmem:s30], [sflag:$0x2] =	stream.indirect.gather [hbm4b:s6+s26], $0x80, s12, s26, $0xb8;
	[tilespmem:$0x1FB80] =	vst v63  }
0x129: {  	s15 =	simm.s32 $0xD00;
	_ =	strace $0x8000006B  }
0x12a: {  	[spmem:s2] =	stream.indirect.scatter.add.f32 [tilespmem:s28], [sflag:$0x3], $0x80, s15, s26, $0x2000b8;
	[tilespmem:$0x1FB80] =	vst v63  }
0x12b: {  	_ = 	snop  }
0x12c: {  	[spmem:s4] =	stream.indirect.scatter.add.f32 [tilespmem:s31], [sflag:$0x5], $0x10, s15, s26, $0x2000b8;
	[tilespmem:$0x1FB80] =	vst v63  }
0x12d: {  	_ =	strace $0x9000006B  }
0x12e: {  	_ =	strace $0x8000006C  }
0x12f: {  	_ =	swait.ge [sflag:s0], $0x4000  }
0x130: {  	[sflag:s0] =	ssyncset.done $0x0  }
0x131: {  	[sflag:s0] =	ssyncadd.s32 $0xFFFFC000  }
0x132: {  	_ =	strace $0x9000006C  }
0x133: {  	_ =	strace $0x8000006D  }
0x134: {  	_ =	swait.ge [sflag:s3], $0x4000  }
0x135: {  	[sflag:s3] =	ssyncset.done $0x0  }
0x136: {  	[sflag:s3] =	ssyncadd.s32 $0xFFFFC000  }
0x137: {  	_ =	swait.ge [sflag:s8], $0x800  }
0x138: {  	[sflag:s8] =	ssyncset.done $0x0  }
0x139: {  	[sflag:s8] =	ssyncadd.s32 $0xFFFFF800  }
0x13a: {  	_ =	strace $0x9000006D  }
0x13b: {  	s20 =	rddreg [dreg:$0xe]  }
0x13c: {  	[tilespmem:s28], [sflag:$0x1] =	stream.indirect.gather [hbm4b:s6+s26], $0x80, s20, s26, $0xb8;
	[tilespmem:$0x1FB80] =	vst v63  }
0x13d: {  	s5 =	simm.s32 $0xD80;
	_ =	strace $0x8000006E  }
0x13e: {  	[spmem:s2] =	stream.indirect.scatter.add.f32 [tilespmem:s30], [sflag:$0x4], $0x80, s5, s26, $0x2000b8;
	[tilespmem:$0x1FB80] =	vst v63  }
0x13f: {  	_ = 	snop  }
0x140: {  	[spmem:s4] =	stream.indirect.scatter.add.f32 [tilespmem:s31], [sflag:$0x6], $0x10, s5, s26, $0x2000b8;
	[tilespmem:$0x1FB80] =	vst v63  }
0x141: {  	_ =	strace $0x9000006E  }
0x142: {  	_ =	strace $0x8000006F  }
0x143: {  	_ =	swait.ge [sflag:s29], $0x4000  }
0x144: {  	[sflag:s29] =	ssyncset.done $0x0  }
0x145: {  	[sflag:s29] =	ssyncadd.s32 $0xFFFFC000  }
0x146: {  	_ =	strace $0x9000006F  }
0x147: {  	_ =	strace $0x80000070  }
0x148: {  	_ =	swait.ge [sflag:s10], $0x4000  }
0x149: {  	[sflag:s10] =	ssyncset.done $0x0  }
0x14a: {  	[sflag:s10] =	ssyncadd.s32 $0xFFFFC000  }
0x14b: {  	_ =	swait.ge [sflag:s11], $0x800  }
0x14c: {  	[sflag:s11] =	ssyncset.done $0x0  }
0x14d: {  	[sflag:s11] =	ssyncadd.s32 $0xFFFFF800  }
0x14e: {  	_ =	strace $0x90000070  }
0x14f: {  	s9 =	rddreg [dreg:$0xf]  }
0x150: {  	[tilespmem:s30], [sflag:$0x2] =	stream.indirect.gather [hbm4b:s6+s26], $0x80, s9, s26, $0xb8;
	[tilespmem:$0x1FB80] =	vst v63  }
0x151: {  	s12 =	simm.s32 $0xE00;
	_ =	strace $0x80000071  }
0x152: {  	[spmem:s2] =	stream.indirect.scatter.add.f32 [tilespmem:s28], [sflag:$0x3], $0x80, s12, s26, $0x2000b8;
	[tilespmem:$0x1FB80] =	vst v63  }
0x153: {  	_ = 	snop  }
0x154: {  	[spmem:s4] =	stream.indirect.scatter.add.f32 [tilespmem:s31], [sflag:$0x5], $0x10, s12, s26, $0x2000b8;
	[tilespmem:$0x1FB80] =	vst v63  }
0x155: {  	_ =	strace $0x90000071  }
0x156: {  	_ =	strace $0x80000072  }
0x157: {  	_ =	swait.ge [sflag:s0], $0x4000  }
0x158: {  	[sflag:s0] =	ssyncset.done $0x0  }
0x159: {  	[sflag:s0] =	ssyncadd.s32 $0xFFFFC000  }
0x15a: {  	_ =	strace $0x90000072  }
0x15b: {  	_ =	strace $0x80000073  }
0x15c: {  	_ =	swait.ge [sflag:s3], $0x4000  }
0x15d: {  	[sflag:s3] =	ssyncset.done $0x0  }
0x15e: {  	[sflag:s3] =	ssyncadd.s32 $0xFFFFC000  }
0x15f: {  	_ =	swait.ge [sflag:s8], $0x800  }
0x160: {  	[sflag:s8] =	ssyncset.done $0x0  }
0x161: {  	[sflag:s8] =	ssyncadd.s32 $0xFFFFF800  }
0x162: {  	_ =	strace $0x90000073  }
0x163: {  	s15 =	rddreg [dreg:$0x10]  }
0x164: {  	[tilespmem:s28], [sflag:$0x1] =	stream.indirect.gather [hbm4b:s6+s26], $0x80, s15, s26, $0xb8;
	[tilespmem:$0x1FB80] =	vst v63  }
0x165: {  	s9 =	simm.s32 $0xE80;
	_ =	strace $0x80000074  }
0x166: {  	[spmem:s2] =	stream.indirect.scatter.add.f32 [tilespmem:s30], [sflag:$0x4], $0x80, s9, s26, $0x2000b8;
	[tilespmem:$0x1FB80] =	vst v63  }
0x167: {  	_ = 	snop  }
0x168: {  	[spmem:s4] =	stream.indirect.scatter.add.f32 [tilespmem:s31], [sflag:$0x6], $0x10, s9, s26, $0x2000b8;
	[tilespmem:$0x1FB80] =	vst v63  }
0x169: {  	_ =	strace $0x90000074  }
0x16a: {  	_ =	strace $0x80000075  }
0x16b: {  	_ =	swait.ge [sflag:s29], $0x4000  }
0x16c: {  	[sflag:s29] =	ssyncset.done $0x0  }
0x16d: {  	[sflag:s29] =	ssyncadd.s32 $0xFFFFC000  }
0x16e: {  	_ =	strace $0x90000075  }
0x16f: {  	_ =	strace $0x80000076  }
0x170: {  	_ =	swait.ge [sflag:s10], $0x4000  }
0x171: {  	[sflag:s10] =	ssyncset.done $0x0  }
0x172: {  	[sflag:s10] =	ssyncadd.s32 $0xFFFFC000  }
0x173: {  	_ =	swait.ge [sflag:s11], $0x800  }
0x174: {  	[sflag:s11] =	ssyncset.done $0x0  }
0x175: {  	[sflag:s11] =	ssyncadd.s32 $0xFFFFF800  }
0x176: {  	_ =	strace $0x90000076  }
0x177: {  	s20 =	rddreg [dreg:$0x11]  }
0x178: {  	[tilespmem:s30], [sflag:$0x2] =	stream.indirect.gather [hbm4b:s6+s26], $0x80, s20, s26, $0xb8;
	[tilespmem:$0x1FB80] =	vst v63  }
0x179: {  	s12 =	simm.s32 $0xF00;
	_ =	strace $0x80000077  }
0x17a: {  	[spmem:s2] =	stream.indirect.scatter.add.f32 [tilespmem:s28], [sflag:$0x3], $0x80, s12, s26, $0x2000b8;
	[tilespmem:$0x1FB80] =	vst v63  }
0x17b: {  	_ = 	snop  }
0x17c: {  	[spmem:s4] =	stream.indirect.scatter.add.f32 [tilespmem:s31], [sflag:$0x5], $0x10, s12, s26, $0x2000b8;
	[tilespmem:$0x1FB80] =	vst v63  }
0x17d: {  	_ =	strace $0x90000077  }
0x17e: {  	_ =	strace $0x80000078  }
0x17f: {  	_ =	swait.ge [sflag:s0], $0x4000  }
0x180: {  	[sflag:s0] =	ssyncset.done $0x0  }
0x181: {  	[sflag:s0] =	ssyncadd.s32 $0xFFFFC000  }
0x182: {  	_ =	strace $0x90000078  }
0x183: {  	_ =	strace $0x80000079  }
0x184: {  	[spmem:s2] =	stream.indirect.scatter.add.f32 [tilespmem:s30], [sflag:$0x4], $0x80, s13, s26, $0x2000b8;
	[tilespmem:$0x1FB80] =	vst v63  }
0x185: {  	_ = 	snop  }
0x186: {  	[spmem:s4] =	stream.indirect.scatter.add.f32 [tilespmem:s31], [sflag:$0x6], $0x10, s13, s26, $0x2000b8;
	[tilespmem:$0x1FB80] =	vst v63  }
0x187: {  	_ =	strace $0x90000079  }
0x188: {  	_ =	strace $0x8000007A  }
0x189: {  	_ =	swait.ge [sflag:s3], $0x4000  }
0x18a: {  	[sflag:s3] =	ssyncset.done $0x0  }
0x18b: {  	[sflag:s3] =	ssyncadd.s32 $0xFFFFC000  }
0x18c: {  	_ =	swait.ge [sflag:s8], $0x800  }
0x18d: {  	[sflag:s8] =	ssyncset.done $0x0  }
0x18e: {  	[sflag:s8] =	ssyncadd.s32 $0xFFFFF800  }
0x18f: {  	_ =	swait.ge [sflag:s10], $0x4000  }
0x190: {  	[sflag:s10] =	ssyncset.done $0x0  }
0x191: {  	[sflag:s10] =	ssyncadd.s32 $0xFFFFC000  }
0x192: {  	_ =	swait.ge [sflag:s11], $0x800  }
0x193: {  	s1 =	sadd.s32 $0x100, s21;
	[sflag:s11] =	ssyncset.done $0x0  }
0x194: {  	s15 =	simm.s32 $0x1;
	s20 =	smov.u32 s18;
	[sflag:s11] =	ssyncadd.s32 $0xFFFFF800  }
.LBB2_4:
0x195: {  	_ =	strace $0x9000007A  }
0x196: {  	_ =	strace $0x8000004B  }
0x197: {  	_ =	swait.ge [sflag:s22], $0x400  }
0x198: {  	[sflag:s22] =	ssyncset.done $0x0  }
0x199: {  	[sflag:s22] =	ssyncadd.s32 $0xFFFFFC00  }
0x19a: {  	_ =	swait.ge [sflag:s23], $0x400  }
0x19b: {  	[sflag:s23] =	ssyncset.done $0x0  }
0x19c: {  	s20 =	sadd.s32 $0x100, s20;
	[sflag:s23] =	ssyncadd.s32 $0xFFFFFC00  }
0x19d: {  	s5 =	simm.s32 $0x400;
	s18 =	sadd.s32 s20, s17;
	_ =	strace $0x9000004B  }
0x19e: {  	[tilespmem:s5], [sflag:$0x8] =	stream.linear.gather [hbm4b:s18+s14], $0x400, $0x38;
	[tilespmem:$0x1FB80] =	vst v63  }
0x19f: {  	s18 =	sadd.s32 s1, s17  }
0x1a0: {  	[tilespmem:s25], [sflag:$0xA] =	stream.linear.gather [hbm4b:s18+s14], $0x400, $0x38;
	[tilespmem:$0x1FB80] =	vst v63  }
0x1a1: {  	_ = 	snop  }
0x1a2: {  	[tilespmem:s28], [sflag:$0x1] =	stream.indirect.gather [hbm4b:s6+s26], $0x80, s14, s26, $0xb8;
	[tilespmem:$0x1FB80] =	vst v63  }
0x1a3: {  	_ =	strace $0x8000004C  }
0x1a4: {  	_ =	swait.ge [sflag:s29], $0x4000  }
0x1a5: {  	[sflag:s29] =	ssyncset.done $0x0  }
0x1a6: {  	[sflag:s29] =	ssyncadd.s32 $0xFFFFC000  }
0x1a7: {  	_ =	strace $0x9000004C  }
0x1a8: {  	[tilespmem:s30], [sflag:$0x2] =	stream.indirect.gather [hbm4b:s6+s26], $0x80, s26, s26, $0xb8;
	[tilespmem:$0x1FB80] =	vst v63  }
0x1a9: {  	_ =	strace $0x8000004D  }
0x1aa: {  	[spmem:s2] =	stream.indirect.scatter.add.f32 [tilespmem:s28], [sflag:$0x3], $0x80, s24, s26, $0x2000b8;
	[tilespmem:$0x1FB80] =	vst v63  }
0x1ab: {  	_ = 	snop  }
0x1ac: {  	[spmem:s4] =	stream.indirect.scatter.add.f32 [tilespmem:s31], [sflag:$0x5], $0x10, s24, s26, $0x2000b8;
	[tilespmem:$0x1FB80] =	vst v63  }
0x1ad: {  	_ =	strace $0x9000004D  }
0x1ae: {  	_ =	strace $0x8000004E  }
0x1af: {  	_ =	swait.ge [sflag:s0], $0x4000  }
0x1b0: {  	[sflag:s0] =	ssyncset.done $0x0  }
0x1b1: {  	[sflag:s0] =	ssyncadd.s32 $0xFFFFC000  }
0x1b2: {  	_ =	strace $0x9000004E  }
0x1b3: {  	_ =	strace $0x8000004F  }
0x1b4: {  	_ =	swait.ge [sflag:s3], $0x4000  }
0x1b5: {  	[sflag:s3] =	ssyncset.done $0x0  }
0x1b6: {  	[sflag:s3] =	ssyncadd.s32 $0xFFFFC000  }
0x1b7: {  	_ =	swait.ge [sflag:s8], $0x800  }
0x1b8: {  	[sflag:s8] =	ssyncset.done $0x0  }
0x1b9: {  	[sflag:s8] =	ssyncadd.s32 $0xFFFFF800  }
0x1ba: {  	_ =	strace $0x9000004F  }
0x1bb: {  	s24 =	rddreg [dreg:$0x5]  }
0x1bc: {  	[tilespmem:s28], [sflag:$0x1] =	stream.indirect.gather [hbm4b:s6+s26], $0x80, s24, s26, $0xb8;
	[tilespmem:$0x1FB80] =	vst v63  }
0x1bd: {  	s24 =	simm.s32 $0x880;
	_ =	strace $0x80000050  }
0x1be: {  	[spmem:s2] =	stream.indirect.scatter.add.f32 [tilespmem:s30], [sflag:$0x4], $0x80, s24, s26, $0x2000b8;
	[tilespmem:$0x1FB80] =	vst v63  }
0x1bf: {  	_ = 	snop  }
0x1c0: {  	[spmem:s4] =	stream.indirect.scatter.add.f32 [tilespmem:s31], [sflag:$0x6], $0x10, s24, s26, $0x2000b8;
	[tilespmem:$0x1FB80] =	vst v63  }
0x1c1: {  	_ =	strace $0x90000050  }
0x1c2: {  	_ =	strace $0x80000051  }
0x1c3: {  	_ =	swait.ge [sflag:s29], $0x4000  }
0x1c4: {  	[sflag:s29] =	ssyncset.done $0x0  }
0x1c5: {  	[sflag:s29] =	ssyncadd.s32 $0xFFFFC000  }
0x1c6: {  	_ =	strace $0x90000051  }
0x1c7: {  	_ =	strace $0x80000052  }
0x1c8: {  	_ =	swait.ge [sflag:s10], $0x4000  }
0x1c9: {  	[sflag:s10] =	ssyncset.done $0x0  }
0x1ca: {  	[sflag:s10] =	ssyncadd.s32 $0xFFFFC000  }
0x1cb: {  	_ =	swait.ge [sflag:s11], $0x800  }
0x1cc: {  	[sflag:s11] =	ssyncset.done $0x0  }
0x1cd: {  	[sflag:s11] =	ssyncadd.s32 $0xFFFFF800  }
0x1ce: {  	_ =	strace $0x90000052  }
0x1cf: {  	s24 =	rddreg [dreg:$0x6]  }
0x1d0: {  	[tilespmem:s30], [sflag:$0x2] =	stream.indirect.gather [hbm4b:s6+s26], $0x80, s24, s26, $0xb8;
	[tilespmem:$0x1FB80] =	vst v63  }
0x1d1: {  	s24 =	simm.s32 $0x900;
	_ =	strace $0x80000053  }
0x1d2: {  	[spmem:s2] =	stream.indirect.scatter.add.f32 [tilespmem:s28], [sflag:$0x3], $0x80, s24, s26, $0x2000b8;
	[tilespmem:$0x1FB80] =	vst v63  }
0x1d3: {  	_ = 	snop  }
0x1d4: {  	[spmem:s4] =	stream.indirect.scatter.add.f32 [tilespmem:s31], [sflag:$0x5], $0x10, s24, s26, $0x2000b8;
	[tilespmem:$0x1FB80] =	vst v63  }
0x1d5: {  	_ =	strace $0x90000053  }
0x1d6: {  	_ =	strace $0x80000054  }
0x1d7: {  	_ =	swait.ge [sflag:s0], $0x4000  }
0x1d8: {  	[sflag:s0] =	ssyncset.done $0x0  }
0x1d9: {  	[sflag:s0] =	ssyncadd.s32 $0xFFFFC000  }
0x1da: {  	_ =	strace $0x90000054  }
0x1db: {  	_ =	strace $0x80000055  }
0x1dc: {  	_ =	swait.ge [sflag:s3], $0x4000  }
0x1dd: {  	[sflag:s3] =	ssyncset.done $0x0  }
0x1de: {  	[sflag:s3] =	ssyncadd.s32 $0xFFFFC000  }
0x1df: {  	_ =	swait.ge [sflag:s8], $0x800  }
0x1e0: {  	[sflag:s8] =	ssyncset.done $0x0  }
0x1e1: {  	[sflag:s8] =	ssyncadd.s32 $0xFFFFF800  }
0x1e2: {  	_ =	strace $0x90000055  }
0x1e3: {  	s24 =	rddreg [dreg:$0x7]  }
0x1e4: {  	[tilespmem:s28], [sflag:$0x1] =	stream.indirect.gather [hbm4b:s6+s26], $0x80, s24, s26, $0xb8;
	[tilespmem:$0x1FB80] =	vst v63  }
0x1e5: {  	s24 =	simm.s32 $0x980;
	_ =	strace $0x80000056  }
0x1e6: {  	[spmem:s2] =	stream.indirect.scatter.add.f32 [tilespmem:s30], [sflag:$0x4], $0x80, s24, s26, $0x2000b8;
	[tilespmem:$0x1FB80] =	vst v63  }
0x1e7: {  	_ = 	snop  }
0x1e8: {  	[spmem:s4] =	stream.indirect.scatter.add.f32 [tilespmem:s31], [sflag:$0x6], $0x10, s24, s26, $0x2000b8;
	[tilespmem:$0x1FB80] =	vst v63  }
0x1e9: {  	_ =	strace $0x90000056  }
0x1ea: {  	_ =	strace $0x80000057  }
0x1eb: {  	_ =	swait.ge [sflag:s29], $0x4000  }
0x1ec: {  	[sflag:s29] =	ssyncset.done $0x0  }
0x1ed: {  	[sflag:s29] =	ssyncadd.s32 $0xFFFFC000  }
0x1ee: {  	_ =	strace $0x90000057  }
0x1ef: {  	_ =	strace $0x80000058  }
0x1f0: {  	_ =	swait.ge [sflag:s10], $0x4000  }
0x1f1: {  	[sflag:s10] =	ssyncset.done $0x0  }
0x1f2: {  	[sflag:s10] =	ssyncadd.s32 $0xFFFFC000  }
0x1f3: {  	_ =	swait.ge [sflag:s11], $0x800  }
0x1f4: {  	[sflag:s11] =	ssyncset.done $0x0  }
0x1f5: {  	[sflag:s11] =	ssyncadd.s32 $0xFFFFF800  }
0x1f6: {  	_ =	strace $0x90000058  }
0x1f7: {  	s24 =	rddreg [dreg:$0x8]  }
0x1f8: {  	[tilespmem:s30], [sflag:$0x2] =	stream.indirect.gather [hbm4b:s6+s26], $0x80, s24, s26, $0xb8;
	[tilespmem:$0x1FB80] =	vst v63  }
0x1f9: {  	s24 =	simm.s32 $0xA00;
	_ =	strace $0x80000059  }
0x1fa: {  	[spmem:s2] =	stream.indirect.scatter.add.f32 [tilespmem:s28], [sflag:$0x3], $0x80, s24, s26, $0x2000b8;
	[tilespmem:$0x1FB80] =	vst v63  }
0x1fb: {  	_ = 	snop  }
0x1fc: {  	[spmem:s4] =	stream.indirect.scatter.add.f32 [tilespmem:s31], [sflag:$0x5], $0x10, s24, s26, $0x2000b8;
	[tilespmem:$0x1FB80] =	vst v63  }
0x1fd: {  	_ =	strace $0x90000059  }
0x1fe: {  	_ =	strace $0x8000005A  }
0x1ff: {  	_ =	swait.ge [sflag:s0], $0x4000  }
0x200: {  	[sflag:s0] =	ssyncset.done $0x0  }
0x201: {  	[sflag:s0] =	ssyncadd.s32 $0xFFFFC000  }
0x202: {  	_ =	strace $0x9000005A  }
0x203: {  	_ =	strace $0x8000005B  }
0x204: {  	_ =	swait.ge [sflag:s3], $0x4000  }
0x205: {  	[sflag:s3] =	ssyncset.done $0x0  }
0x206: {  	[sflag:s3] =	ssyncadd.s32 $0xFFFFC000  }
0x207: {  	_ =	swait.ge [sflag:s8], $0x800  }
0x208: {  	[sflag:s8] =	ssyncset.done $0x0  }
0x209: {  	[sflag:s8] =	ssyncadd.s32 $0xFFFFF800  }
0x20a: {  	_ =	strace $0x9000005B  }
0x20b: {  	s24 =	rddreg [dreg:$0x9]  }
0x20c: {  	[tilespmem:s28], [sflag:$0x1] =	stream.indirect.gather [hbm4b:s6+s26], $0x80, s24, s26, $0xb8;
	[tilespmem:$0x1FB80] =	vst v63  }
0x20d: {  	s24 =	simm.s32 $0xA80;
	_ =	strace $0x8000005C  }
0x20e: {  	[spmem:s2] =	stream.indirect.scatter.add.f32 [tilespmem:s30], [sflag:$0x4], $0x80, s24, s26, $0x2000b8;
	[tilespmem:$0x1FB80] =	vst v63  }
0x20f: {  	_ = 	snop  }
0x210: {  	[spmem:s4] =	stream.indirect.scatter.add.f32 [tilespmem:s31], [sflag:$0x6], $0x10, s24, s26, $0x2000b8;
	[tilespmem:$0x1FB80] =	vst v63  }
0x211: {  	_ =	strace $0x9000005C  }
0x212: {  	_ =	strace $0x8000005D  }
0x213: {  	_ =	swait.ge [sflag:s29], $0x4000  }
0x214: {  	[sflag:s29] =	ssyncset.done $0x0  }
0x215: {  	[sflag:s29] =	ssyncadd.s32 $0xFFFFC000  }
0x216: {  	_ =	strace $0x9000005D  }
0x217: {  	_ =	strace $0x8000005E  }
0x218: {  	_ =	swait.ge [sflag:s10], $0x4000  }
0x219: {  	[sflag:s10] =	ssyncset.done $0x0  }
0x21a: {  	[sflag:s10] =	ssyncadd.s32 $0xFFFFC000  }
0x21b: {  	_ =	swait.ge [sflag:s11], $0x800  }
0x21c: {  	[sflag:s11] =	ssyncset.done $0x0  }
0x21d: {  	[sflag:s11] =	ssyncadd.s32 $0xFFFFF800  }
0x21e: {  	_ =	strace $0x9000005E  }
0x21f: {  	s24 =	rddreg [dreg:$0xa]  }
0x220: {  	[tilespmem:s30], [sflag:$0x2] =	stream.indirect.gather [hbm4b:s6+s26], $0x80, s24, s26, $0xb8;
	[tilespmem:$0x1FB80] =	vst v63  }
0x221: {  	s24 =	simm.s32 $0xB00;
	_ =	strace $0x8000005F  }
0x222: {  	[spmem:s2] =	stream.indirect.scatter.add.f32 [tilespmem:s28], [sflag:$0x3], $0x80, s24, s26, $0x2000b8;
	[tilespmem:$0x1FB80] =	vst v63  }
0x223: {  	_ = 	snop  }
0x224: {  	[spmem:s4] =	stream.indirect.scatter.add.f32 [tilespmem:s31], [sflag:$0x5], $0x10, s24, s26, $0x2000b8;
	[tilespmem:$0x1FB80] =	vst v63  }
0x225: {  	_ =	strace $0x9000005F  }
0x226: {  	_ =	strace $0x80000060  }
0x227: {  	_ =	swait.ge [sflag:s0], $0x4000  }
0x228: {  	[sflag:s0] =	ssyncset.done $0x0  }
0x229: {  	[sflag:s0] =	ssyncadd.s32 $0xFFFFC000  }
0x22a: {  	_ =	strace $0x90000060  }
0x22b: {  	s24 =	simm.s32 $0xB80;
	_ =	strace $0x80000061  }
0x22c: {  	[spmem:s2] =	stream.indirect.scatter.add.f32 [tilespmem:s30], [sflag:$0x4], $0x80, s24, s26, $0x2000b8;
	[tilespmem:$0x1FB80] =	vst v63  }
0x22d: {  	_ = 	snop  }
0x22e: {  	[spmem:s4] =	stream.indirect.scatter.add.f32 [tilespmem:s31], [sflag:$0x6], $0x10, s24, s26, $0x2000b8;
	[tilespmem:$0x1FB80] =	vst v63  }
0x22f: {  	_ =	strace $0x90000061  }
0x230: {  	_ =	strace $0x80000062  }
0x231: {  	_ =	swait.ge [sflag:s3], $0x4000  }
0x232: {  	[sflag:s3] =	ssyncset.done $0x0  }
0x233: {  	[sflag:s3] =	ssyncadd.s32 $0xFFFFC000  }
0x234: {  	_ =	swait.ge [sflag:s8], $0x800  }
0x235: {  	[sflag:s8] =	ssyncset.done $0x0  }
0x236: {  	[sflag:s8] =	ssyncadd.s32 $0xFFFFF800  }
0x237: {  	_ =	swait.ge [sflag:s10], $0x4000  }
0x238: {  	[sflag:s10] =	ssyncset.done $0x0  }
0x239: {  	[sflag:s10] =	ssyncadd.s32 $0xFFFFC000  }
0x23a: {  	_ =	swait.ge [sflag:s11], $0x800  }
0x23b: {  	[sflag:s11] =	ssyncset.done $0x0  }
0x23c: {  	[sflag:s11] =	ssyncadd.s32 $0xFFFFF800  }
0x23d: {  	_ =	strace $0x90000062  }
0x23e: {  	_ =	strace $0x80000063  }
0x23f: {  	_ =	swait.ge [sflag:s7], $0x400  }
0x240: {  	[sflag:s7] =	ssyncset.done $0x0  }
0x241: {  	[sflag:s7] =	ssyncadd.s32 $0xFFFFFC00  }
0x242: {  	_ =	swait.ge [sflag:s19], $0x400  }
0x243: {  	s21 =	smov.u32 s15;
	[sflag:s19] =	ssyncset.done $0x0  }
0x244: {  	p1 =	sgt.u32 s21, $0x3;
	[sflag:s19] =	ssyncadd.s32 $0xFFFFFC00  }
0x245: {  	s21 =	simm.s32 @!p1 $0x0;
	s18 =	sadd.s32 @!p1 s20, s16;
	_ =	strace $0x90000063  }
0x246: {  	[tilespmem:s21], [sflag:$0x7] =	stream.linear.gather @!p1 [hbm4b:s18+s21], $0x400, $0x38;
	[tilespmem:$0x1FB80] =	vst v63  }
0x247: {  	s24 =	simm.s32 @!p1 $0x800;
	s18 =	sadd.s32 @!p1 s1, s16  }
0x248: {  	[tilespmem:s24], [sflag:$0x9] =	stream.linear.gather @!p1 [hbm4b:s18+s21], $0x400, $0x38;
	[tilespmem:$0x1FB80] =	vst v63  }
0x249: {  	_ = 	snop  }
0x24a: {  	[tilespmem:s28], [sflag:$0x1] =	stream.indirect.gather [hbm4b:s6+s26], $0x80, s5, s26, $0xb8;
	[tilespmem:$0x1FB80] =	vst v63  }
0x24b: {  	_ =	strace $0x80000064  }
0x24c: {  	_ =	swait.ge [sflag:s29], $0x4000  }
0x24d: {  	[sflag:s29] =	ssyncset.done $0x0  }
0x24e: {  	[sflag:s29] =	ssyncadd.s32 $0xFFFFC000  }
0x24f: {  	_ =	strace $0x90000064  }
0x250: {  	s21 =	rddreg [dreg:$0xb]  }
0x251: {  	[tilespmem:s30], [sflag:$0x2] =	stream.indirect.gather [hbm4b:s6+s26], $0x80, s21, s26, $0xb8;
	[tilespmem:$0x1FB80] =	vst v63  }
0x252: {  	_ =	strace $0x80000065  }
0x253: {  	[spmem:s2] =	stream.indirect.scatter.add.f32 [tilespmem:s28], [sflag:$0x3], $0x80, s25, s26, $0x2000b8;
	[tilespmem:$0x1FB80] =	vst v63  }
0x254: {  	_ = 	snop  }
0x255: {  	[spmem:s4] =	stream.indirect.scatter.add.f32 [tilespmem:s31], [sflag:$0x5], $0x10, s25, s26, $0x2000b8;
	[tilespmem:$0x1FB80] =	vst v63  }
0x256: {  	_ =	strace $0x90000065  }
0x257: {  	_ =	strace $0x80000066  }
0x258: {  	_ =	swait.ge [sflag:s0], $0x4000  }
0x259: {  	[sflag:s0] =	ssyncset.done $0x0  }
0x25a: {  	[sflag:s0] =	ssyncadd.s32 $0xFFFFC000  }
0x25b: {  	_ =	strace $0x90000066  }
0x25c: {  	_ =	strace $0x80000067  }
0x25d: {  	_ =	swait.ge [sflag:s3], $0x4000  }
0x25e: {  	[sflag:s3] =	ssyncset.done $0x0  }
0x25f: {  	[sflag:s3] =	ssyncadd.s32 $0xFFFFC000  }
0x260: {  	_ =	swait.ge [sflag:s8], $0x800  }
0x261: {  	[sflag:s8] =	ssyncset.done $0x0  }
0x262: {  	[sflag:s8] =	ssyncadd.s32 $0xFFFFF800  }
0x263: {  	_ =	strace $0x90000067  }
0x264: {  	s5 =	rddreg [dreg:$0xc]  }
0x265: {  	[tilespmem:s28], [sflag:$0x1] =	stream.indirect.gather [hbm4b:s6+s26], $0x80, s5, s26, $0xb8;
	[tilespmem:$0x1FB80] =	vst v63  }
0x266: {  	s21 =	simm.s32 $0xC80;
	_ =	strace $0x80000068  }
0x267: {  	[spmem:s2] =	stream.indirect.scatter.add.f32 [tilespmem:s30], [sflag:$0x4], $0x80, s21, s26, $0x2000b8;
	[tilespmem:$0x1FB80] =	vst v63  }
0x268: {  	_ = 	snop  }
0x269: {  	[spmem:s4] =	stream.indirect.scatter.add.f32 [tilespmem:s31], [sflag:$0x6], $0x10, s21, s26, $0x2000b8;
	[tilespmem:$0x1FB80] =	vst v63  }
0x26a: {  	_ =	strace $0x90000068  }
0x26b: {  	_ =	strace $0x80000069  }
0x26c: {  	_ =	swait.ge [sflag:s29], $0x4000  }
0x26d: {  	[sflag:s29] =	ssyncset.done $0x0  }
0x26e: {  	[sflag:s29] =	ssyncadd.s32 $0xFFFFC000  }
0x26f: {  	_ =	strace $0x90000069  }
0x270: {  	_ =	strace $0x8000006A  }
0x271: {  	_ =	swait.ge [sflag:s10], $0x4000  }
0x272: {  	[sflag:s10] =	ssyncset.done $0x0  }
0x273: {  	[sflag:s10] =	ssyncadd.s32 $0xFFFFC000  }
0x274: {  	_ =	swait.ge [sflag:s11], $0x800  }
0x275: {  	[sflag:s11] =	ssyncset.done $0x0  }
0x276: {  	[sflag:s11] =	ssyncadd.s32 $0xFFFFF800  }
0x277: {  	_ =	strace $0x9000006A  }
0x278: {  	s5 =	rddreg [dreg:$0xd]  }
0x279: {  	[tilespmem:s30], [sflag:$0x2] =	stream.indirect.gather [hbm4b:s6+s26], $0x80, s5, s26, $0xb8;
	[tilespmem:$0x1FB80] =	vst v63  }
0x27a: {  	s21 =	simm.s32 $0xD00;
	_ =	strace $0x8000006B  }
0x27b: {  	[spmem:s2] =	stream.indirect.scatter.add.f32 [tilespmem:s28], [sflag:$0x3], $0x80, s21, s26, $0x2000b8;
	[tilespmem:$0x1FB80] =	vst v63  }
0x27c: {  	_ = 	snop  }
0x27d: {  	[spmem:s4] =	stream.indirect.scatter.add.f32 [tilespmem:s31], [sflag:$0x5], $0x10, s21, s26, $0x2000b8;
	[tilespmem:$0x1FB80] =	vst v63  }
0x27e: {  	_ =	strace $0x9000006B  }
0x27f: {  	_ =	strace $0x8000006C  }
0x280: {  	_ =	swait.ge [sflag:s0], $0x4000  }
0x281: {  	[sflag:s0] =	ssyncset.done $0x0  }
0x282: {  	[sflag:s0] =	ssyncadd.s32 $0xFFFFC000  }
0x283: {  	_ =	strace $0x9000006C  }
0x284: {  	_ =	strace $0x8000006D  }
0x285: {  	_ =	swait.ge [sflag:s3], $0x4000  }
0x286: {  	[sflag:s3] =	ssyncset.done $0x0  }
0x287: {  	[sflag:s3] =	ssyncadd.s32 $0xFFFFC000  }
0x288: {  	_ =	swait.ge [sflag:s8], $0x800  }
0x289: {  	[sflag:s8] =	ssyncset.done $0x0  }
0x28a: {  	[sflag:s8] =	ssyncadd.s32 $0xFFFFF800  }
0x28b: {  	_ =	strace $0x9000006D  }
0x28c: {  	s5 =	rddreg [dreg:$0xe]  }
0x28d: {  	[tilespmem:s28], [sflag:$0x1] =	stream.indirect.gather [hbm4b:s6+s26], $0x80, s5, s26, $0xb8;
	[tilespmem:$0x1FB80] =	vst v63  }
0x28e: {  	s21 =	simm.s32 $0xD80;
	_ =	strace $0x8000006E  }
0x28f: {  	[spmem:s2] =	stream.indirect.scatter.add.f32 [tilespmem:s30], [sflag:$0x4], $0x80, s21, s26, $0x2000b8;
	[tilespmem:$0x1FB80] =	vst v63  }
0x290: {  	_ = 	snop  }
0x291: {  	[spmem:s4] =	stream.indirect.scatter.add.f32 [tilespmem:s31], [sflag:$0x6], $0x10, s21, s26, $0x2000b8;
	[tilespmem:$0x1FB80] =	vst v63  }
0x292: {  	_ =	strace $0x9000006E  }
0x293: {  	_ =	strace $0x8000006F  }
0x294: {  	_ =	swait.ge [sflag:s29], $0x4000  }
0x295: {  	[sflag:s29] =	ssyncset.done $0x0  }
0x296: {  	[sflag:s29] =	ssyncadd.s32 $0xFFFFC000  }
0x297: {  	_ =	strace $0x9000006F  }
0x298: {  	_ =	strace $0x80000070  }
0x299: {  	_ =	swait.ge [sflag:s10], $0x4000  }
0x29a: {  	[sflag:s10] =	ssyncset.done $0x0  }
0x29b: {  	[sflag:s10] =	ssyncadd.s32 $0xFFFFC000  }
0x29c: {  	_ =	swait.ge [sflag:s11], $0x800  }
0x29d: {  	[sflag:s11] =	ssyncset.done $0x0  }
0x29e: {  	[sflag:s11] =	ssyncadd.s32 $0xFFFFF800  }
0x29f: {  	_ =	strace $0x90000070  }
0x2a0: {  	s5 =	rddreg [dreg:$0xf]  }
0x2a1: {  	[tilespmem:s30], [sflag:$0x2] =	stream.indirect.gather [hbm4b:s6+s26], $0x80, s5, s26, $0xb8;
	[tilespmem:$0x1FB80] =	vst v63  }
0x2a2: {  	s21 =	simm.s32 $0xE00;
	_ =	strace $0x80000071  }
0x2a3: {  	[spmem:s2] =	stream.indirect.scatter.add.f32 [tilespmem:s28], [sflag:$0x3], $0x80, s21, s26, $0x2000b8;
	[tilespmem:$0x1FB80] =	vst v63  }
0x2a4: {  	_ = 	snop  }
0x2a5: {  	[spmem:s4] =	stream.indirect.scatter.add.f32 [tilespmem:s31], [sflag:$0x5], $0x10, s21, s26, $0x2000b8;
	[tilespmem:$0x1FB80] =	vst v63  }
0x2a6: {  	_ =	strace $0x90000071  }
0x2a7: {  	_ =	strace $0x80000072  }
0x2a8: {  	_ =	swait.ge [sflag:s0], $0x4000  }
0x2a9: {  	[sflag:s0] =	ssyncset.done $0x0  }
0x2aa: {  	[sflag:s0] =	ssyncadd.s32 $0xFFFFC000  }
0x2ab: {  	_ =	strace $0x90000072  }
0x2ac: {  	_ =	strace $0x80000073  }
0x2ad: {  	_ =	swait.ge [sflag:s3], $0x4000  }
0x2ae: {  	[sflag:s3] =	ssyncset.done $0x0  }
0x2af: {  	[sflag:s3] =	ssyncadd.s32 $0xFFFFC000  }
0x2b0: {  	_ =	swait.ge [sflag:s8], $0x800  }
0x2b1: {  	[sflag:s8] =	ssyncset.done $0x0  }
0x2b2: {  	[sflag:s8] =	ssyncadd.s32 $0xFFFFF800  }
0x2b3: {  	_ =	strace $0x90000073  }
0x2b4: {  	s5 =	rddreg [dreg:$0x10]  }
0x2b5: {  	[tilespmem:s28], [sflag:$0x1] =	stream.indirect.gather [hbm4b:s6+s26], $0x80, s5, s26, $0xb8;
	[tilespmem:$0x1FB80] =	vst v63  }
0x2b6: {  	_ =	strace $0x80000074  }
0x2b7: {  	[spmem:s2] =	stream.indirect.scatter.add.f32 [tilespmem:s30], [sflag:$0x4], $0x80, s9, s26, $0x2000b8;
	[tilespmem:$0x1FB80] =	vst v63  }
0x2b8: {  	_ = 	snop  }
0x2b9: {  	[spmem:s4] =	stream.indirect.scatter.add.f32 [tilespmem:s31], [sflag:$0x6], $0x10, s9, s26, $0x2000b8;
	[tilespmem:$0x1FB80] =	vst v63  }
0x2ba: {  	_ =	strace $0x90000074  }
0x2bb: {  	_ =	strace $0x80000075  }
0x2bc: {  	_ =	swait.ge [sflag:s29], $0x4000  }
0x2bd: {  	[sflag:s29] =	ssyncset.done $0x0  }
0x2be: {  	[sflag:s29] =	ssyncadd.s32 $0xFFFFC000  }
0x2bf: {  	_ =	strace $0x90000075  }
0x2c0: {  	_ =	strace $0x80000076  }
0x2c1: {  	_ =	swait.ge [sflag:s10], $0x4000  }
0x2c2: {  	[sflag:s10] =	ssyncset.done $0x0  }
0x2c3: {  	[sflag:s10] =	ssyncadd.s32 $0xFFFFC000  }
0x2c4: {  	_ =	swait.ge [sflag:s11], $0x800  }
0x2c5: {  	[sflag:s11] =	ssyncset.done $0x0  }
0x2c6: {  	[sflag:s11] =	ssyncadd.s32 $0xFFFFF800  }
0x2c7: {  	_ =	strace $0x90000076  }
0x2c8: {  	s21 =	rddreg [dreg:$0x11]  }
0x2c9: {  	[tilespmem:s30], [sflag:$0x2] =	stream.indirect.gather [hbm4b:s6+s26], $0x80, s21, s26, $0xb8;
	[tilespmem:$0x1FB80] =	vst v63  }
0x2ca: {  	_ =	strace $0x80000077  }
0x2cb: {  	[spmem:s2] =	stream.indirect.scatter.add.f32 [tilespmem:s28], [sflag:$0x3], $0x80, s12, s26, $0x2000b8;
	[tilespmem:$0x1FB80] =	vst v63  }
0x2cc: {  	_ = 	snop  }
0x2cd: {  	[spmem:s4] =	stream.indirect.scatter.add.f32 [tilespmem:s31], [sflag:$0x5], $0x10, s12, s26, $0x2000b8;
	[tilespmem:$0x1FB80] =	vst v63  }
0x2ce: {  	_ =	strace $0x90000077  }
0x2cf: {  	_ =	strace $0x80000078  }
0x2d0: {  	_ =	swait.ge [sflag:s0], $0x4000  }
0x2d1: {  	[sflag:s0] =	ssyncset.done $0x0  }
0x2d2: {  	[sflag:s0] =	ssyncadd.s32 $0xFFFFC000  }
0x2d3: {  	_ =	strace $0x90000078  }
0x2d4: {  	_ =	strace $0x80000079  }
0x2d5: {  	[spmem:s2] =	stream.indirect.scatter.add.f32 [tilespmem:s30], [sflag:$0x4], $0x80, s13, s26, $0x2000b8;
	[tilespmem:$0x1FB80] =	vst v63  }
0x2d6: {  	_ = 	snop  }
0x2d7: {  	[spmem:s4] =	stream.indirect.scatter.add.f32 [tilespmem:s31], [sflag:$0x6], $0x10, s13, s26, $0x2000b8;
	[tilespmem:$0x1FB80] =	vst v63  }
0x2d8: {  	_ =	strace $0x90000079  }
0x2d9: {  	_ =	strace $0x8000007A  }
0x2da: {  	_ =	swait.ge [sflag:s3], $0x4000  }
0x2db: {  	[sflag:s3] =	ssyncset.done $0x0  }
0x2dc: {  	[sflag:s3] =	ssyncadd.s32 $0xFFFFC000  }
0x2dd: {  	_ =	swait.ge [sflag:s8], $0x800  }
0x2de: {  	[sflag:s8] =	ssyncset.done $0x0  }
0x2df: {  	s15 =	sadd.s32 $0x1, s15;
	[sflag:s8] =	ssyncadd.s32 $0xFFFFF800  }
0x2e0: {  	p0 =	sne.s32 s15, $0x5;
	_ =	swait.ge [sflag:s10], $0x4000  }
.Ltmp1:
0x2e1: {  	[sflag:s10] =	ssyncset.done $0x0;
	(pc) =	sbr.rel @p0 .LBB2_4-.Ltmp1, $4  }
0x2e2: {  	[sflag:s10] =	ssyncadd.s32 $0xFFFFC000  }
0x2e3: {  	_ =	swait.ge [sflag:s11], $0x800  }
0x2e4: {  	[sflag:s11] =	ssyncset.done $0x0  }
0x2e5: {  	s1 =	sadd.s32 $0x100, s1;
	s24 =	simm.s32 $0x800;
	[sflag:s11] =	ssyncadd.s32 $0xFFFFF800  }
0x2e6: {  	_ =	strace $0x9000007A  }
0x2e7: {  	_ =	strace $0x8000007B  }
0x2e8: {  	[bflag:$0x0] =	sbarrier.arrive $0xFFFF  }
0x2e9: {  	_ =	strace $0x9000007B  }
0x2ea: {  	_ =	strace $0x8000007C  }
0x2eb: {  	s1 =	rddreg [dreg:$0x18]  }
0x2ec: {  	s18 =	rddreg [dreg:$0x1b]  }
0x2ed: {  	s21 =	simm.s32 $0xB;
	s20 =	rddreg [dreg:$0x1c]  }
0x2ee: {  	[hbm:s1], [sflag:s18] =	dma.local [spmem:s20], $0x2780  }
0x2ef: {  	_ =	swait.ge [sflag:s21], $0x2780  }
0x2f0: {  	[sflag:s21] =	ssyncset.done $0x0;
	s5 =	rddreg [dreg:$0x19]  }
0x2f1: {  	s9 =	rddreg [dreg:$0x1e];
	[sflag:s21] =	ssyncadd.s32 $0xFFFFD880  }
0x2f2: {  	[hbm:s5], [sflag:s18] =	dma.local [spmem:s9], $0x4F0  }
0x2f3: {  	_ =	swait.ge [sflag:s21], $0x4F0  }
0x2f4: {  	s12 =	rddreg [dreg:$0x1d]  }
0x2f5: {  	s15 =	rddreg [dreg:$0x1a];
	s9 =	sadd.s32 $0x1, s12  }
0x2f6: {  	p0 =	sne.s32 s9, s15  }
.Ltmp2:
0x2f7: {  	_ = 	snop;
	(pc) =	sbr.rel @p0 .LBB2_1-.Ltmp2, $4  }
0x2f8: {  	_ = 	snop  }
0x2f9: {  	[sflag:s21] =	ssyncset.done $0x0  }
0x2fa: {  	[sflag:s21] =	ssyncadd.s32 $0xFFFFFB10  }
0x2fb: {  	_ =	strace $0x9000007C  }
0x2fc: {  	_ =	sfence.sel $0x180000  }
0x2fd: {  	[bflag:$0x0] =	sbarrier.arrive $0xFFFF  }
0x2fe: {  	_ =	strace $0x90000047  }
0x2ff: {  	s0 =	stileid.u32;
	[bflag:$0x2] =	sbarrier.arrive $0xFFFF  }
0x300: {  	p0 =	sne.s32 s0, $0x0;
	s0 =	rddreg [dreg:$0x4]  }
0x301: {  	s0 =	sadd.s32 @!p0 $0x100000, s0  }
0x302: {  	[sflag:s0] =	ssyncadd.tile.s32 @!p0 $0x1;
	_ =	shalt  }
.Lfunc_end2:
_tile_overlayer_lowered:
.L_overlay_start_2:
0x303: {  	(tag) =	ssettag $0x2  }
0x304: {  	s0 =	rddreg [dreg:$0x0];
	s2 =	stileid.u32  }
0x305: {  	s1 =	rddreg [dreg:$0x1];
	p0 =	sne.s32 s2, $0x0  }
0x306: {  	s3 =	rddreg [dreg:$0x2];
	[bflag:$0x3] =	sbarrier.arrive $0xFFFF;
	s2 =	simm.s32 @!p0 $0x1C0B  }
0x307: {  	[timem:s3], [sflag:s2] =	dma.local @!p0 [hbm:s0], s1  }
0x308: {  	s0 =	simm.s32 @!p0 $0xB  }
0x309: {  	_ =	swait.ge @!p0 [sflag:s0], s1  }
0x30a: {  	s1 =	ssub.s32 @!p0 $0x0, s1;
	[sflag:s0] =	ssyncset.done @!p0 $0x0  }
0x30b: {  	[sflag:s0] =	ssyncadd.s32 @!p0 s1  }
0x30c: {  	[bflag:$0x3] =	sbarrier.arrive $0xFFFF  }
0x30d: {  	_ =	shalt  }

</sc_bundles>
